<compile_context>
chip_gen: v7x
topology: tpu7x:2x2x1
jax: 0.10.2.dev20260603
libtpu: 0.0.44.dev20260713+nightly
codegen_flags: <defaults>
</compile_context>

<pallas_src>
import functools

import jax
import jax.numpy as jnp
from jax.experimental import pallas as pl
from jax.experimental.pallas import tpu as pltpu

B = 2
N = 10000
E = 320000
HID = 128
OUT = 4 * HID
CIN = 256
BN = B * N
ETOT = E + N
AUGC = 640
RB = 1000
GRID = BN // RB


def _mm_body(x_ref, w_ref, o_ref):
    o_ref[...] = jnp.dot(x_ref[...], w_ref[...],
                         preferred_element_type=jnp.float32)


_mm = pl.pallas_call(
    _mm_body,
    grid=(GRID,),
    in_specs=[
        pl.BlockSpec((RB, CIN), lambda i: (i, 0)),
        pl.BlockSpec((CIN, AUGC), lambda i: (0, 0)),
    ],
    out_specs=pl.BlockSpec((RB, AUGC), lambda i: (i, 0)),
    out_shape=jax.ShapeDtypeStruct((BN, AUGC), jnp.float32),
)


def _lstm_body(conv_ref, c_ref, h_ref, cn_ref):
    conv = conv_ref[...]
    i = jax.nn.sigmoid(conv[:, 0 * HID:1 * HID])
    f = jax.nn.sigmoid(conv[:, 1 * HID:2 * HID])
    o = jax.nn.sigmoid(conv[:, 2 * HID:3 * HID])
    g = jnp.tanh(conv[:, 3 * HID:4 * HID])
    cn = f * c_ref[...] + i * g
    cn_ref[...] = cn
    h_ref[...] = o * jnp.tanh(cn)


_lstm = pl.pallas_call(
    _lstm_body,
    grid=(GRID,),
    in_specs=[
        pl.BlockSpec((RB, OUT), lambda i: (i, 0)),
        pl.BlockSpec((RB, HID), lambda i: (i, 0)),
    ],
    out_specs=[
        pl.BlockSpec((RB, HID), lambda i: (i, 0)),
        pl.BlockSpec((RB, HID), lambda i: (i, 0)),
    ],
    out_shape=[
        jax.ShapeDtypeStruct((BN, HID), jnp.float32),
        jax.ShapeDtypeStruct((BN, HID), jnp.float32),
    ],
)


def kernel(input_tensor, h_cur, c_cur, edge_index, W, att_src, att_dst, bias):
    combined = jnp.concatenate([input_tensor, h_cur], axis=2).reshape(BN, CIN)
    W_aug = jnp.zeros((CIN, AUGC), jnp.float32)
    W_aug = W_aug.at[:, :OUT].set(W)
    W_aug = W_aug.at[:, OUT].set(W @ att_src)
    W_aug = W_aug.at[:, OUT + 1].set(W @ att_dst)

    haug = _mm(combined, W_aug)
    h = haug[:, :OUT].reshape(B, N, OUT)
    a_src = haug[:, OUT].reshape(B, N)
    a_dst = haug[:, OUT + 1].reshape(B, N)

    loop = jnp.arange(N, dtype=edge_index.dtype)
    src = jnp.concatenate([edge_index[0], loop])
    dst = jnp.concatenate([edge_index[1], loop])

    def edge_phase(a_s, a_d, hb):
        alpha = jax.nn.leaky_relu(a_s[src] + a_d[dst], negative_slope=0.2)
        amax = jax.ops.segment_max(alpha, dst, num_segments=N)
        p = jnp.exp(alpha - amax[dst])
        denom = jax.ops.segment_sum(p, dst, num_segments=N)
        w = p / (denom[dst] + 1e-16)
        msg = hb[src] * w[:, None]
        return jax.ops.segment_sum(msg, dst, num_segments=N)

    conv = jax.vmap(edge_phase)(a_src, a_dst, h) + bias

    h_next, c_next = _lstm(conv.reshape(BN, OUT), c_cur.reshape(BN, HID))
    return (h_next.reshape(B, N, HID), c_next.reshape(B, N, HID))

# --- scband reference (transcript-rebuilt; emitter-appended) ---
"""Pipeline reference for scband-gatlstmcell-3599182594880 (READ-ONLY COPY).

The authoritative reference and input builder live on the scoring server;
editing this copy changes nothing except your own understanding.
"""

import jax, jax.numpy as jnp
import numpy as np

B = 2
NODES = 10000
E = 320000
IN_DIM = 128
HID = 128
HEADS = 1
OUT = 4 * HID  # 512, out_channels of GATConv
CIN = IN_DIM + HID  # 256


def setup_inputs(seed: int = 0) -> dict:
    key = jax.random.key(seed)
    ks = jax.random.split(key, 8)
    input_tensor = jax.random.normal(ks[0], (B, NODES, IN_DIM), dtype=jnp.float32)
    h_cur = jax.random.normal(ks[1], (B, NODES, HID), dtype=jnp.float32)
    c_cur = jax.random.normal(ks[2], (B, NODES, HID), dtype=jnp.float32)
    edge_index = jax.random.randint(ks[3], (2, E), 0, NODES, dtype=jnp.int32)
    W = jax.random.normal(ks[4], (CIN, OUT), dtype=jnp.float32) * (1.0 / np.sqrt(CIN))
    att_src = jax.random.normal(ks[5], (OUT,), dtype=jnp.float32) * 0.1
    att_dst = jax.random.normal(ks[6], (OUT,), dtype=jnp.float32) * 0.1
    bias = jnp.zeros((OUT,), dtype=jnp.float32)
    return {"input_tensor": input_tensor, "h_cur": h_cur, "c_cur": c_cur,
            "edge_index": edge_index, "W": W, "att_src": att_src,
            "att_dst": att_dst, "bias": bias}


def _gat_conv(x, src, dst, W, att_src, att_dst, bias):
    # PyG GATConv, heads=1, concat=False, add_self_loops=True, negative_slope=0.2
    n = x.shape[0]
    h = x @ W  # [n, OUT]
    a_src = (h * att_src).sum(-1)  # [n]
    a_dst = (h * att_dst).sum(-1)  # [n]
    alpha = jax.nn.leaky_relu(a_src[src] + a_dst[dst], negative_slope=0.2)  # [E']
    # softmax over incoming edges per destination node
    amax = jax.ops.segment_max(alpha, dst, num_segments=n)  # self-loops -> no empty segs
    alpha = jnp.exp(alpha - amax[dst])
    denom = jax.ops.segment_sum(alpha, dst, num_segments=n)
    alpha = alpha / (denom[dst] + 1e-16)
    msg = h[src] * alpha[:, None]  # gather + weight
    out = jax.ops.segment_sum(msg, dst, num_segments=n)  # scatter-add
    return out + bias


def reference(input_tensor, h_cur, c_cur, edge_index, W, att_src, att_dst, bias):
    combined = jnp.concatenate([input_tensor, h_cur], axis=2)  # [B, N, CIN]
    # add self loops (PyG GATConv default); shared across batched graphs
    loop = jnp.arange(NODES, dtype=edge_index.dtype)
    src = jnp.concatenate([edge_index[0], loop])
    dst = jnp.concatenate([edge_index[1], loop])
    conv = jax.vmap(lambda x: _gat_conv(x, src, dst, W, att_src, att_dst, bias))(combined)
    cc_i = conv[..., 0 * HID:1 * HID]
    cc_f = conv[..., 1 * HID:2 * HID]
    cc_o = conv[..., 2 * HID:3 * HID]
    cc_g = conv[..., 3 * HID:4 * HID]
    i = jax.nn.sigmoid(cc_i)
    f = jax.nn.sigmoid(cc_f)
    o = jax.nn.sigmoid(cc_o)
    g = jnp.tanh(cc_g)
    c_next = f * c_cur + i * g
    h_next = o * jnp.tanh(c_next)
    return (h_next, c_next)

if __name__ == "__main__":
    import jax
    _d = setup_inputs()
    print(jax.jit(kernel)(*tuple(_d.values())))

</pallas_src>

<mosaic_0001>
module attributes {stable_mosaic.version = 14 : i64} {
  func.func @_mm_body(%arg0: i32, %arg1: memref<1000x256xf32, #tpu.memory_space<vmem>>, %arg2: memref<256x640xf32, #tpu.memory_space<vmem>>, %arg3: memref<1000x640xf32, #tpu.memory_space<vmem>>) attributes {dimension_semantics = [#tpu.dimension_semantics<arbitrary>], iteration_bounds = array<i64: 20>, scalar_prefetch = 0 : i64, scratch_operands = 0 : i64, tpu.core_type = #tpu.core_type<tc>, window_params = [{transform_indices = @transform_0, window_bounds = array<i64: 1000, 256>}, {pipeline_mode = #tpu.pipeline_mode<synchronous>, transform_indices = @transform_1, window_bounds = array<i64: 256, 640>}, {transform_indices = @transform_2, window_bounds = array<i64: 1000, 640>}]} {
    %get3A = arith.constant 0 : index
    %get3A_0 = arith.constant 0 : index
    %get3A_1 = vector.load %arg1[%get3A, %get3A_0] : memref<1000x256xf32, #tpu.memory_space<vmem>>, vector<1000x256xf32>
    %get3A_2 = arith.constant 0 : index
    %get3A_3 = arith.constant 0 : index
    %get3A_4 = vector.load %arg2[%get3A_2, %get3A_3] : memref<256x640xf32, #tpu.memory_space<vmem>>, vector<256x640xf32>
    %dot_general3A = arith.constant dense<0.000000e+00> : vector<1000x640xf32>
    %dot_general3A_5 = tpu.matmul %get3A_1, %get3A_4, %dot_general3A {dimension_numbers = #tpu.dot_dimension_numbers<[1], [0], [0], [1], [0, 0, 1, 1], [], []>, transpose_lhs_hint = false} : vector<1000x256xf32>, vector<256x640xf32>, vector<1000x640xf32> -> vector<1000x640xf32>
    %swap3A = arith.constant 0 : index
    %swap3A_6 = arith.constant 0 : index
    %swap3A_7 = vector.load %arg3[%swap3A, %swap3A_6] : memref<1000x640xf32, #tpu.memory_space<vmem>>, vector<1000x640xf32>
    tpu.vector_store %arg3[%swap3A, %swap3A_6], %dot_general3A_5 {strides = array<i32>} : memref<1000x640xf32, #tpu.memory_space<vmem>>, vector<1000x640xf32>,
    return
  }
  func.func @transform_0(%arg0: i32) -> (i32, i32) {
    %c0_i32 = arith.constant 0 : i32
    %c0_i32_0 = arith.constant 0 : i32
    return %arg0, %c0_i32 : i32, i32
  }
  func.func @transform_1(%arg0: i32) -> (i32, i32) {
    %c0_i32 = arith.constant 0 : i32
    %c0_i32_0 = arith.constant 0 : i32
    %c0_i32_1 = arith.constant 0 : i32
    return %c0_i32, %c0_i32_0 : i32, i32
  }
  func.func @transform_2(%arg0: i32) -> (i32, i32) {
    %c0_i32 = arith.constant 0 : i32
    %c0_i32_0 = arith.constant 0 : i32
    return %arg0, %c0_i32 : i32, i32
  }
}

module attributes {stable_mosaic.version = 14 : i64} {
  func.func @_lstm_body(%arg0: i32, %arg1: memref<1000x512xf32, #tpu.memory_space<vmem>>, %arg2: memref<1000x128xf32, #tpu.memory_space<vmem>>, %arg3: memref<1000x128xf32, #tpu.memory_space<vmem>>, %arg4: memref<1000x128xf32, #tpu.memory_space<vmem>>) attributes {dimension_semantics = [#tpu.dimension_semantics<arbitrary>], iteration_bounds = array<i64: 20>, scalar_prefetch = 0 : i64, scratch_operands = 0 : i64, tpu.core_type = #tpu.core_type<tc>, window_params = [{transform_indices = @transform_0, window_bounds = array<i64: 1000, 512>}, {transform_indices = @transform_1, window_bounds = array<i64: 1000, 128>}, {transform_indices = @transform_2, window_bounds = array<i64: 1000, 128>}, {transform_indices = @transform_3, window_bounds = array<i64: 1000, 128>}]} {
    %get3A = arith.constant 0 : index
    %get3A_0 = arith.constant 0 : index
    %get3A_1 = vector.load %arg1[%get3A, %get3A_0] : memref<1000x512xf32, #tpu.memory_space<vmem>>, vector<1000x512xf32>
    %slice3A = vector.extract_strided_slice %get3A_1 {offsets = [0, 0], sizes = [1000, 128], strides = [1, 1]} : vector<1000x512xf32> to vector<1000x128xf32>
    %logistic3A = arith.negf %slice3A : vector<1000x128xf32>
    %logistic3A_2 = math.exp %logistic3A : vector<1000x128xf32>
    %logistic3A_3 = arith.constant 1.000000e+00 : f32
    %logistic3A_4 = vector.broadcast %logistic3A_3 : f32 to vector<1000x128xf32>
    %logistic3A_5 = arith.addf %logistic3A_4, %logistic3A_2 : vector<1000x128xf32>
    %logistic3A_6 = arith.divf %logistic3A_4, %logistic3A_5 : vector<1000x128xf32>
    %slice3A_7 = vector.extract_strided_slice %get3A_1 {offsets = [0, 128], sizes = [1000, 128], strides = [1, 1]} : vector<1000x512xf32> to vector<1000x128xf32>
    %logistic3A_8 = arith.negf %slice3A_7 : vector<1000x128xf32>
    %logistic3A_9 = math.exp %logistic3A_8 : vector<1000x128xf32>
    %logistic3A_10 = arith.constant 1.000000e+00 : f32
    %logistic3A_11 = vector.broadcast %logistic3A_10 : f32 to vector<1000x128xf32>
    %logistic3A_12 = arith.addf %logistic3A_11, %logistic3A_9 : vector<1000x128xf32>
    %logistic3A_13 = arith.divf %logistic3A_11, %logistic3A_12 : vector<1000x128xf32>
    %slice3A_14 = vector.extract_strided_slice %get3A_1 {offsets = [0, 256], sizes = [1000, 128], strides = [1, 1]} : vector<1000x512xf32> to vector<1000x128xf32>
    %logistic3A_15 = arith.negf %slice3A_14 : vector<1000x128xf32>
    %logistic3A_16 = math.exp %logistic3A_15 : vector<1000x128xf32>
    %logistic3A_17 = arith.constant 1.000000e+00 : f32
    %logistic3A_18 = vector.broadcast %logistic3A_17 : f32 to vector<1000x128xf32>
    %logistic3A_19 = arith.addf %logistic3A_18, %logistic3A_16 : vector<1000x128xf32>
    %logistic3A_20 = arith.divf %logistic3A_18, %logistic3A_19 : vector<1000x128xf32>
    %slice3A_21 = vector.extract_strided_slice %get3A_1 {offsets = [0, 384], sizes = [1000, 128], strides = [1, 1]} : vector<1000x512xf32> to vector<1000x128xf32>
    %tanh3A = math.tanh %slice3A_21 : vector<1000x128xf32>
    %get3A_22 = arith.constant 0 : index
    %get3A_23 = arith.constant 0 : index
    %get3A_24 = vector.load %arg2[%get3A_22, %get3A_23] : memref<1000x128xf32, #tpu.memory_space<vmem>>, vector<1000x128xf32>
    %mul3A = arith.mulf %logistic3A_13, %get3A_24 : vector<1000x128xf32>
    %mul3A_25 = arith.mulf %logistic3A_6, %tanh3A : vector<1000x128xf32>
    %add3A = arith.addf %mul3A, %mul3A_25 : vector<1000x128xf32>
    %swap3A = arith.constant 0 : index
    %swap3A_26 = arith.constant 0 : index
    %swap3A_27 = vector.load %arg4[%swap3A, %swap3A_26] : memref<1000x128xf32, #tpu.memory_space<vmem>>, vector<1000x128xf32>
    tpu.vector_store %arg4[%swap3A, %swap3A_26], %add3A {strides = array<i32>} : memref<1000x128xf32, #tpu.memory_space<vmem>>, vector<1000x128xf32>,
    %tanh3A_28 = math.tanh %add3A : vector<1000x128xf32>
    %mul3A_29 = arith.mulf %logistic3A_20, %tanh3A_28 : vector<1000x128xf32>
    %swap3A_30 = arith.constant 0 : index
    %swap3A_31 = arith.constant 0 : index
    %swap3A_32 = vector.load %arg3[%swap3A_30, %swap3A_31] : memref<1000x128xf32, #tpu.memory_space<vmem>>, vector<1000x128xf32>
    tpu.vector_store %arg3[%swap3A_30, %swap3A_31], %mul3A_29 {strides = array<i32>} : memref<1000x128xf32, #tpu.memory_space<vmem>>, vector<1000x128xf32>,
    return
  }
  func.func @transform_0(%arg0: i32) -> (i32, i32) {
    %c0_i32 = arith.constant 0 : i32
    %c0_i32_0 = arith.constant 0 : i32
    return %arg0, %c0_i32 : i32, i32
  }
  func.func @transform_1(%arg0: i32) -> (i32, i32) {
    %c0_i32 = arith.constant 0 : i32
    %c0_i32_0 = arith.constant 0 : i32
    return %arg0, %c0_i32 : i32, i32
  }
  func.func @transform_2(%arg0: i32) -> (i32, i32) {
    %c0_i32 = arith.constant 0 : i32
    %c0_i32_0 = arith.constant 0 : i32
    return %arg0, %c0_i32 : i32, i32
  }
  func.func @transform_3(%arg0: i32) -> (i32, i32) {
    %c0_i32 = arith.constant 0 : i32
    %c0_i32_0 = arith.constant 0 : i32
    return %arg0, %c0_i32 : i32, i32
  }
}

</mosaic_0001>

<sc_bundles>
// kernel: gather_offload_async_start
scs
__scs_entry_jumppad:
0x0: {  	(pc) =	sbr.rel $0x88, $3  }
0x1: {  	(tag) =	ssettag $0x0;
	lr =	simm.s32 $0x1  }
0x2: {  	[smem:$0x3F99] =	sst lr;
	_ =	strace $0xD0000000  }
0x3: {  	_ = 	snop  }
0x4: {  	_ = 	snop  }
0x5: {  	_ = 	snop  }
0x6: {  	_ = 	snop  }
0x7: {  	_ = 	snop  }
__scs_overlays_trampoline_lowered:
0x8: {  	[smem:$0x3FA8] =	sst s0  }
0x9: {  	[smem:$0x3FA9] =	sst s1  }
0xa: {  	[smem:$0x3FAA] =	sst s2  }
0xb: {  	[smem:$0x3FAB] =	sst s3  }
0xc: {  	[smem:$0x3FAC] =	sst s4  }
0xd: {  	[smem:$0x3FAD] =	sst s5  }
0xe: {  	[smem:$0x3FAE] =	sst s6  }
0xf: {  	[smem:$0x3FAF] =	sst s7  }
0x10: {  	[smem:$0x3FB0] =	sst s8  }
0x11: {  	[smem:$0x3FB1] =	sst s9;
	s0 =	simm.s32 @!p0 $0x0  }
0x12: {  	s1 =	sld [smem:$0x3F97];
	s0 =	simm.s32 @p0 $0x1  }
0x13: {  	[smem:$0x3FB2] =	sst s0;
	s0 =	simm.s32 @!p1 $0x0  }
0x14: {  	s2 =	sld [smem:$0x3F96];
	s0 =	simm.s32 @p1 $0x1  }
0x15: {  	[smem:$0x3FB3] =	sst s0;
	s0 =	simm.s32 @!p2 $0x0  }
0x16: {  	s3 =	sld [smem:$0x3FDB];
	s0 =	simm.s32 @p2 $0x1  }
0x17: {  	s4 =	simm.s32 $0x1BF5;
	[smem:$0x3FB5] =	sst s0  }
0x18: {  	s0 =	sld [smem:$0x3F98];
	_ =	swait.ge [sflag:s4], $0x0  }
0x19: {  	s7 =	sld [smem:$0x3F99]  }
0x1a: {  	s8 =	sadd.s32 $0xFFFFE003, lr  }
0x1b: {  	s9 =	sadd.s32 $0xFFFFFEF7, lr;
	s5 =	simm.s32 $0xFFFFFFFF;
	p2 =	slt.u32 s8, $0xFFFFF086  }
0x1c: {  	p1 =	slt.u32 s9, $0xF7A;
	s5 =	simm.s32 @!p2 $0x0  }
0x1d: {  	s5 =	simm.s32 @p1 $0x1;
	p0 =	seq.s32 s7, s2  }
0x1e: {  	s7 =	smul.u32 @!p0 $0xF7A, s2;
	p2 =	seq.s32 @!p0 s5, $0x0  }
0x1f: {  	s9 =	smul.u32 $0xF7A, s1;
	s8 =	simm.s32 @!p0 $0x1BF5;
	p2 =	por !p2, p0  }
0x20: {  	[sflag:s8] =	ssyncset.s32 @!p0 $0xFFFFF086;
	s6 =	sadd.s32 @!p0 s3, s7;
	s7 =	simm.s32 @!p0 $0x108  }
0x21: {  	s3 =	sadd.s32 s3, s9;
	s6 =	sadd.s32 @!p0 $0x88, s6;
	s7 =	simm.s32 @p2 $0x1082  }
0x22: {  	[simem:s7], [sflag:s8] =	dma.local @!p0 [hbm:s6], $0xF7A  }
0x23: {  	s9 =	sor.u32 $0xD0000000, s2;
	s6 =	simm.s32 $0x108;
	_ =	swait.ge @!p0 [sflag:s8], $0x0  }
0x24: {  	s3 =	sadd.s32 $0x88, s3;
	s6 =	simm.s32 @!p1 $0x1082;
	[sflag:s4] =	ssyncset.s32 $0xFFFFF086  }
0x25: {  	[simem:s6], [sflag:s4] =	dma.local [hbm:s3], $0xF7A  }
0x26: {  	[smem:$0x3F99] =	sst s1;
	(tag) =	ssettag s2;
	_ =	strace s9  }
0x27: {  	s1 =	sld [smem:$0x3FA9]  }
0x28: {  	s2 =	sld [smem:$0x3FAA]  }
0x29: {  	s4 =	sld [smem:$0x3FAC]  }
0x2a: {  	p0 =	seq.s32 s5, $0x0;
	s5 =	sld [smem:$0x3FAD]  }
0x2b: {  	s6 =	sld [smem:$0x3FAE]  }
0x2c: {  	s7 =	sld [smem:$0x3FAF]  }
0x2d: {  	s3 =	simm.s32 $0x108;
	s8 =	sld [smem:$0x3FB0]  }
0x2e: {  	s3 =	simm.s32 @!p0 $0x1082;
	s9 =	sld [smem:$0x3FB1]  }
0x2f: {  	lr =	sadd.s32 s0, s3;
	s0 =	sld [smem:$0x3FA8]  }
0x30: {  	s3 =	sld [smem:$0x3FAB]  }
0x31: {  	[smem:$0x3FB4] =	sst s10  }
0x32: {  	s10 =	sld [smem:$0x3FB2];
	_ =	sdelay $0x3  }
0x33: {  	p0 =	seq.s32 s10, $0x1;
	s10 =	sld [smem:$0x3FB4];
	_ =	sdelay $0x3  }
0x34: {  	[smem:$0x3FB4] =	sst s10  }
0x35: {  	s10 =	sld [smem:$0x3FB3];
	_ =	sdelay $0x3  }
0x36: {  	p1 =	seq.s32 s10, $0x1;
	s10 =	sld [smem:$0x3FB4];
	_ =	sdelay $0x3  }
0x37: {  	[smem:$0x3FB4] =	sst s10  }
0x38: {  	s10 =	sld [smem:$0x3FB5]  }
0x39: {  	_ = 	snop;
	(pc) =	sbr.ind lr, $3  }
0x3a: {  	_ = 	snop  }
0x3b: {  	_ = 	snop  }
0x3c: {  	p2 =	seq.s32 s10, $0x1;
	s10 =	sld [smem:$0x3FB4]  }
0x3d: {  	_ =	shalt  }
0x3e: {  	_ =	shalt  }
0x3f: {  	_ =	shalt  }
0x40: {  	_ =	shalt  }
0x41: {  	_ =	shalt  }
0x42: {  	_ =	shalt  }
0x43: {  	_ =	shalt  }
0x44: {  	_ =	shalt  }
0x45: {  	_ =	shalt  }
0x46: {  	_ =	shalt  }
0x47: {  	_ =	shalt  }
0x48: {  	_ =	shalt  }
0x49: {  	_ =	shalt  }
0x4a: {  	_ =	shalt  }
0x4b: {  	_ =	shalt  }
0x4c: {  	_ =	shalt  }
0x4d: {  	_ =	shalt  }
0x4e: {  	_ =	shalt  }
0x4f: {  	_ =	shalt  }
0x50: {  	_ =	shalt  }
0x51: {  	_ =	shalt  }
0x52: {  	_ =	shalt  }
0x53: {  	_ =	shalt  }
0x54: {  	_ =	shalt  }
0x55: {  	_ =	shalt  }
0x56: {  	_ =	shalt  }
0x57: {  	_ =	shalt  }
0x58: {  	_ =	shalt  }
0x59: {  	_ =	shalt  }
0x5a: {  	_ =	shalt  }
0x5b: {  	_ =	shalt  }
0x5c: {  	_ =	shalt  }
0x5d: {  	_ =	shalt  }
0x5e: {  	_ =	shalt  }
0x5f: {  	_ =	shalt  }
0x60: {  	_ =	shalt  }
0x61: {  	_ =	shalt  }
0x62: {  	_ =	shalt  }
0x63: {  	_ =	shalt  }
0x64: {  	_ =	shalt  }
0x65: {  	_ =	shalt  }
0x66: {  	_ =	shalt  }
0x67: {  	_ =	shalt  }
0x68: {  	_ =	shalt  }
0x69: {  	_ =	shalt  }
0x6a: {  	_ =	shalt  }
0x6b: {  	_ =	shalt  }
0x6c: {  	_ =	shalt  }
0x6d: {  	_ =	shalt  }
0x6e: {  	_ =	shalt  }
0x6f: {  	_ =	shalt  }
0x70: {  	_ =	shalt  }
0x71: {  	_ =	shalt  }
0x72: {  	_ =	shalt  }
0x73: {  	_ =	shalt  }
0x74: {  	_ =	shalt  }
0x75: {  	_ =	shalt  }
0x76: {  	_ =	shalt  }
0x77: {  	_ =	shalt  }
0x78: {  	_ =	shalt  }
0x79: {  	_ =	shalt  }
0x7a: {  	_ =	shalt  }
0x7b: {  	_ =	shalt  }
0x7c: {  	_ =	shalt  }
0x7d: {  	_ =	shalt  }
0x7e: {  	_ =	shalt  }
0x7f: {  	_ =	shalt  }
0x80: {  	_ =	shalt  }
0x81: {  	_ =	shalt  }
0x82: {  	_ =	shalt  }
0x83: {  	_ =	shalt  }
0x84: {  	_ =	shalt  }
0x85: {  	_ =	shalt  }
0x86: {  	_ =	shalt  }
0x87: {  	_ =	shalt  }
.Lfunc_end0:
.L_simem_size_0:
called_computation.4_lowered:
.L_overlay_start_0:
0x88: {  	s0 =	sld [smem:$0x3FD9]  }
0x89: {  	s1 =	sld [smem:$0x3FFE];
	_ =	sdelay $0x3  }
0x8a: {  	s0 =	sadd.s32 s1, s0  }
0x8b: {  	[smem:$0x3FC0] =	sst s0  }
0x8c: {  	_ = 	snop  }
0x8d: {  	(tm) =	ssettm $0x1  }
0x8e: {  	s15 =	sld [smem:$0x3FFB];
	_ =	sdelay $0x3  }
0x8f: {  	_ =	strace s15  }
0x90: {  	s0 =	sld [smem:$0x3FFC];
	_ =	sdelay $0x3  }
0x91: {  	_ =	strace s0  }
0x92: {  	s0 =	sld [smem:$0x3FFD];
	_ =	sdelay $0x3  }
0x93: {  	_ =	strace s0  }
0x94: {  	_ =	strace $0x8FFFFFFF  }
0x95: {  	s16 =	sld [smem:$0x3FDB];
	_ =	sdelay $0x1  }
0x96: {  	s17 =	simm.s32 $_scs_section_size  }
0x97: {  	s2 =	simm.s32 $_size__tile_overlayer_lowered;
	s3 =	simm.s32 $_tile_overlayer_lowered  }
0x98: {  	s20 =	simm.s32 $0x1BFF;
	s19 =	sshll.u32 s3, $0x1;
	s0 =	sadd.s32 s17, s16  }
0x99: {  	s4 =	simm.s32 $0x0;
	s18 =	sshll.u32 s2, $0x1;
	s2 =	sadd.s32 s19, s0  }
0x9a: {  	[timem:s4], [sflag:s20] =	dma.local [hbm:s2], s18  }
0x9b: {  	_ =	swait.ge [sflag:s20], s18  }
0x9c: {  	s1 =	ssub.s32 $0x0, s18;
	[sflag:s20] =	ssyncset.done $0x0  }
0x9d: {  	[sflag:s20] =	ssyncadd.s32 s1;
	_ =	sdelay $0x1  }
0x9e: {  	s21 =	simm.s32 $0x1B8B  }
0x9f: {  	_ =	swait.ge [sflag:s21], $0x1  }
0xa0: {  	[sflag:s21] =	ssyncset.done $0x0  }
0xa1: {  	s23 =	simm.s32 $0x1B8E;
	s22 =	sld [smem:$0x3FFE];
	[sflag:s21] =	ssyncadd.s32 $0xFFFFFFFF  }
0xa2: {  	s24 =	simm.s32 $execute0_lowered;
	[smem:$0x3FD2] =	sst s23  }
0xa3: {  	s2 =	sshll.u32 s24, $0x1;
	_ =	strace $0x8000004F;
	[dreg:$0x1] =	wrdreg $0xFFFFFFFF  }
0xa4: {  	s25 =	simm.s32 $_size_execute0_lowered;
	s0 =	sadd.s32 s0, s2;
	[dreg:$0x0] =	wrdreg $0x0  }
0xa5: {  	s2 =	sshll.u32 s25, $0x1;
	[dreg:$0x2] =	wrdreg s0  }
0xa6: {  	[dreg:$0x3] =	wrdreg s2  }
0xa7: {  	[dreg:$0x4] =	wrdreg $0xC0  }
0xa8: {  	_ =	task [dreg:s4], $0x5FFFF  }
0xa9: {  	[dreg:$0x1] =	wrdreg $0xFFFFFFFF  }
0xaa: {  	[dreg:$0x0] =	wrdreg $0x60  }
0xab: {  	[dreg:$0x2] =	wrdreg s22  }
0xac: {  	[dreg:$0x3] =	wrdreg $0x9  }
0xad: {  	_ =	task.clear_ibuf [dreg:s4], $0x4FFFF;
	_ =	strace $0x9000004F  }
0xae: {  	s26 =	simm.s32 $0x9;
	_ =	strace $0x80000051  }
0xaf: {  	_ =	swait.ge [sflag:s26], $0x1  }
0xb0: {  	[sflag:s26] =	ssyncadd.s32 $0xFFFFFFFF  }
0xb1: {  	_ =	strace $0x90000051  }
0xb2: {  	_ =	sfence  }
0xb3: {  	s28 =	sld [smem:$0x0];
	_ =	sdelay $0x1  }
0xb4: {  	s29 =	srdreg.scid  }
0xb5: {  	s30 =	sshll.u32 s29, $0xD;
	s31 =	sshrl.u32 s29, $0x2  }
0xb6: {  	s1 =	sand.u32 $0x1, s29;
	s2 =	sand.u32 $0x4000, s30;
	s0 =	sadd.s32 s31, s28  }
0xb7: {  	s1 =	sor.u32 s2, s1;
	s0 =	sshll.u32 s0, $0x11  }
0xb8: {  	s0 =	sor.u32 s0, s1  }
0xb9: {  	s0 =	sadd.s32 $0x8F2B, s0  }
0xba: {  	[sflag:s0] =	ssyncadd.remote.s32 $0x1  }
0xbb: {  	_ =	sfence.sel $0xFFFF  }
0xbc: {  	[dreg:$0x0] =	wrdreg $0xFFFFFFFF;
	(pc) =	sbr.abs _section_cstart, $3  }
0xbd: {  	[dreg:$0x1] =	wrdreg $0xFFFFFFFF  }
0xbe: {  	_ =	task.clear_ibuf [dreg:s4], $0x2FFFF;
	_ =	strace $0x9FFFFFFF  }
0xbf: {  	(tm) =	ssettm $0x7FFFFFFF  }
tec
execute0_lowered:
.L_overlay_start_1:
0x0: {  	(tag) =	ssettag $0x1  }
0x1: {  	s0 =	stileid.u32  }
0x2: {  	s1 =	simm.s32 $0x4FB0;
	s2 =	smul.u32 $0x50A0, s0;
	p0 =	seq.s32 s0, $0xF  }
0x3: {  	s1 =	simm.s32 @!p0 $0x50A0  }
0x4: {  	s1 =	sadd.s32 s2, s1  }
0x5: {  	s3 =	smin.u32 s1, $0x50910  }
0x6: {  	s6 =	ssub.s32 s3, s2  }
0x7: {  	p0 =	sgt.s32 s6, $0x0  }
0x8: {  	s4 =	rddreg [dreg:$0x0];
	s6 =	simm.s32 @!p0 $0x0  }
0x9: {  	s10 =	simm.s32 $0x1;
	s8 =	simm.s32 $0x2;
	s9 =	smulhi.u32 $0x1111112, s6  }
0xa: {  	s31 =	simm.s32 $0x3;
	s16 =	simm.s32 $0x0;
	s17 =	simm.s32 $0x0  }
0xb: {  	s15 =	simm.s32 $0x0;
	s11 =	simm.s32 $0x0;
	s7 =	smul.u32 $0xF0, s9  }
0xc: {  	s12 =	simm.s32 $0x0;
	s14 =	simm.s32 $0x0;
	s5 =	sadd.s32 $0x190C00, s4  }
.Ltmp0:
0xd: {  	s1 =	rddreg [dreg:$0x1];
	p0 =	sne.s32 s6, s7;
	(pc) =	sbr.rel .LBB2_1-.Ltmp0, $4  }
0xe: {  	_ =	strace $0x80000050;
	s7 =	simm.s32 $0x1;
	s10 =	simm.s32 @!p0 $0x0  }
0xf: {  	s13 =	smov.u32 s2;
	[sflag:s7] =	ssyncpa.u1 $0x0;
	s9 =	sadd.s32 s10, s9  }
0x10: {  	s6 =	sadd.s32 $0x15BF600, s4;
	[sflag:s8] =	ssyncpa.u1 $0x0;
	s9 =	sshll.u32 s9, $0x2  }
0x11: {  	vm0 =	vmmov $0xffff;
	p0 =	por $0x0, $0x0;
	[sflag:s31] =	ssyncpa.u1 $0x0;
	s10 =	sor.u32 $0x1, s9  }
.LBB2_6:
0x12: {  	[hbm:s19] =	stream.linear.scatter [tilespmem:s16], [sflag:$0x3], $0x100, $0x38;
	[tilespmem:$0x1E1E0] =	vst v63  }
.LBB2_7:
0x13: {  	s18 =	sadd.s32 $0x80, s11;
	s15 =	sadd.s32 $0x2, s12  }
0x14: {  	s19 =	smov.u32 s12;
	p1 =	slt.u32 s14, $0x2;
	s16 =	smov.u32 s13  }
0x15: {  	s21 =	smov.u32 s2;
	s17 =	smov.u32 s12;
	p2 =	sgt.s32 s18, $0x1FF  }
0x16: {  	p0 =	por !p0, !p0;
	s20 =	simm.s32 @!p1 $0x3;
	s19 =	smov.u32 @p2 s15  }
0x17: {  	s15 =	sadd.s32 $0xF0, s13;
	s18 =	simm.s32 @p2 $0x0;
	p2 =	sne.s32 s14, s10  }
.Ltmp1:
0x18: {  	_ =	swait.ge @!p1 [sflag:s20], $0xF000;
	p3 =	sgt.s32 s19, $0x1;
	(pc) =	sbr.rel @!p2 .LBB2_8-.Ltmp1, $4  }
0x19: {  	s14 =	sadd.s32 $0x1, s14;
	[sflag:s20] =	ssyncset.done @!p1 $0x0;
	s16 =	smov.u32 @p3 s15  }
0x1a: {  	s19 =	simm.s32 @p3 $0x0;
	s15 =	smov.u32 s13;
	p4 =	slt.s32 s16, s3  }
0x1b: {  	[sflag:s20] =	ssyncadd.s32 @!p1 $0xFFFF1000;
	s12 =	smov.u32 s19;
	s21 =	smov.u32 @p4 s16  }
0x1c: {  	s16 =	smov.u32 s11;
	s11 =	smov.u32 s18;
	s13 =	smov.u32 s21  }
.LBB2_1:
0x1d: {  	p1 =	sge.u32 s14, s9  }
0x1e: {  	s18 =	sxor.u32 @!p1 $0xFFFFFFFF, s14  }
0x1f: {  	s18 =	sand.u32 @!p1 $0x1, s18  }
0x20: {  	s18 =	smul.u32 @!p1 $0x3C0, s18  }
0x21: {  	s31 =	sadd.s32 $0xFFFFFFFF, s14;
	s19 =	sshrl.u32 @!p1 s13, $0x3  }
0x22: {  	s20 =	sand.u32 @!p1 $0x7, s13;
	s19 =	sadd.s32 @!p1 s5, s19;
	s18 =	sshrl.u32 @!p1 s18, $0x2  }
0x23: {  	[tilespmem:s18], [sflag:$0x2] =	stream.linear.gather @!p1 [hbm4b:s19+s20], $0xF0, $0x38;
	[tilespmem:$0x1E1E0] =	vst v63  }
0x24: {  	p1 =	sge.u32 s31, s9  }
.Ltmp2:
0x25: {  	_ = 	snop;
	(pc) =	sbr.rel @p1 .LBB2_7-.Ltmp2, $1  }
0x26: {  	_ =	sdelay $0x3  }
0x27: {  	s20 =	simm.s32 $0x1  }
0x28: {  	s20 =	simm.s32 @!p0 $0x0  }
0x29: {  	s18 =	smul.u32 $0x3C0, s20  }
0x2a: {  	_ =	swait.ge [sflag:s8], $0xF0  }
0x2b: {  	[sflag:s8] =	ssyncset.done $0x0;
	s19 =	sshrl.u32 s18, $0x2  }
0x2c: {  	[sflag:s8] =	ssyncadd.s32 $0xFFFFFF10;
	s18 =	sadd.s32 $0x0, s19  }
0x2d: {  	v0 =	vld.msk [tilespmem:s18+$0x0 ss:$0x1], $0xffff;
	_ =	sdelay $0x4  }
0x2e: {  	s17 =	sshll.u32 s17, $0x6;
	s16 =	sshrl.u32 s16, $0x2;
	vm1 =	vgt.s32 v0, $0x0  }
0x2f: {  	s18 =	sand.u32 $0xFFFFFF80, s17;
	s17 =	sand.u32 $0x3FFFFFE0, s16;
	v0 =	vnsel vm1, $0x0, v0  }
0x30: {  	s16 =	sadd.s32 s18, s17;
	v1 =	vmin.u32 v0, $0x270F  }
0x31: {  	v0 =	vmov s16;
	v1 =	vshll.u32 v1, $0x7  }
0x32: {  	v1 =	vadd.s32 v0, v1  }
0x33: {  	s30 =	smul.u32 $0x3C000, s20;
	_ =	sdelay $0x1  }
0x34: {  	s16 =	sshrl.u32 s30, $0x2  }
0x35: {  	s31 =	sadd.s32 $0x10, s19;
	s16 =	sor.u32 $0x1E0, s16  }
0x36: {  	[tilespmem:s16], [sflag:$0x1] =	stream.indirect_vreg.gather [hbm:s4], $0x100, v1, vm0, $0x38;
	[tilespmem:$0x1E1E0] =	vst v63  }
0x37: {  	s21 =	simm.s32 $0x80;
	s20 =	smov.u32 s16;
	v1 =	vld.msk [tilespmem:s31+$0x0 ss:$0x1], $0xffff  }
.LBB2_3:
0x38: {  	p1 =	sne.s32 s21, $0x380;
	_ =	sdelay $0x4  }
0x39: {  	vm1 =	vgt.s32 v1, $0x0  }
0x3a: {  	v1 =	vnsel vm1, $0x0, v1  }
0x3b: {  	v1 =	vmin.u32 v1, $0x270F  }
0x3c: {  	v1 =	vshll.u32 v1, $0x7  }
0x3d: {  	v1 =	vadd.s32 v0, v1;
	_ =	sdelay $0x1  }
.Ltmp3:
0x3e: {  	(pc) =	sbr.rel @p1 .LBB2_3-.Ltmp3, $4  }
0x3f: {  	s22 =	sshra.s32 s21, $0x2  }
0x40: {  	s20 =	sadd.s32 $0x1000, s20;
	s22 =	sadd.s32 s22, s19  }
0x41: {  	[tilespmem:s20], [sflag:$0x1] =	stream.indirect_vreg.gather [hbm:s4], $0x100, v1, vm0, $0x38;
	[tilespmem:$0x1E1E0] =	vst v63  }
0x42: {  	s21 =	sadd.s32 $0x40, s21;
	v1 =	vld.msk [tilespmem:s22+$0x0 ss:$0x1], $0xffff  }
0x43: {  	_ =	sdelay $0x3  }
0x44: {  	vm1 =	vgt.s32 v1, $0x0  }
0x45: {  	v1 =	vnsel vm1, $0x0, v1  }
0x46: {  	v1 =	vmin.u32 v1, $0x270F  }
0x47: {  	v1 =	vshll.u32 v1, $0x7  }
0x48: {  	v0 =	vadd.s32 v0, v1;
	_ =	sdelay $0x2  }
0x49: {  	s15 =	sshll.u32 s15, $0x7  }
0x4a: {  	s19 =	sadd.s32 $0x1000, s20;
	s15 =	sadd.s32 s15, s6  }
0x4b: {  	[tilespmem:s19], [sflag:$0x1] =	stream.indirect_vreg.gather [hbm:s4], $0x100, v0, vm0, $0x38;
	[tilespmem:$0x1E1E0] =	vst v63  }
0x4c: {  	s15 =	sadd.s32 s18, s15;
	_ =	swait.ge [sflag:s7], $0xF000  }
0x4d: {  	s18 =	sadd.s32 $0x100, s16;
	s15 =	sadd.s32 s17, s15;
	[sflag:s7] =	ssyncset.done $0x0  }
0x4e: {  	s17 =	simm.s32 $0x80;
	s19 =	sadd.s32 $0x0, s15;
	[sflag:s7] =	ssyncadd.s32 $0xFFFF1000  }
.LBB2_5:
0x4f: {  	[hbm:s19] =	stream.linear.scatter [tilespmem:s16], [sflag:$0x3], $0x100, $0x38;
	[tilespmem:$0x1E1E0] =	vst v63  }
0x50: {  	s19 =	smov.u32 s17;
	s16 =	smov.u32 s18;
	p1 =	sne.s32 s17, $0x7780  }
.Ltmp4:
0x51: {  	s17 =	sadd.s32 $0x80, s17;
	(pc) =	sbr.rel @p1 .LBB2_5-.Ltmp4, $2  }
0x52: {  	_ =	sdelay $0x2  }
0x53: {  	s18 =	sadd.s32 $0x100, s18;
	s19 =	sadd.s32 s19, s15  }
.Ltmp5:
0x54: {  	_ = 	snop;
	(pc) =	sbr.rel .LBB2_6-.Ltmp5, $1  }
0x55: {  	_ =	sdelay $0x3  }
.LBB2_8:
0x56: {  	_ =	sfence.sel $0x180000  }
0x57: {  	s2 =	simm.s32 $0x2;
	[bflag:$0x0] =	sbarrier.arrive $0xFFFF  }
0x58: {  	s30 =	simm.s32 $0x3;
	[sflag:s2] =	ssyncpa.u1 $0x1  }
0x59: {  	s31 =	simm.s32 $0x1;
	[sflag:s30] =	ssyncpa.u1 $0x1  }
0x5a: {  	[sflag:s31] =	ssyncpa.u1 $0x1  }
0x5b: {  	p0 =	sne.s32 s0, $0x0;
	_ =	strace $0x90000050  }
0x5c: {  	s0 =	sadd.s32 @!p0 $0x100000, s1;
	[bflag:$0x2] =	sbarrier.arrive $0xFFFF  }
0x5d: {  	[sflag:s0] =	ssyncadd.tile.s32 @!p0 $0x1;
	_ =	shalt  }
.Lfunc_end2:
_tile_overlayer_lowered:
.L_overlay_start_2:
0x5e: {  	(tag) =	ssettag $0x2  }
0x5f: {  	s0 =	rddreg [dreg:$0x0];
	s2 =	stileid.u32  }
0x60: {  	s1 =	rddreg [dreg:$0x1];
	p0 =	sne.s32 s2, $0x0  }
0x61: {  	s3 =	rddreg [dreg:$0x2];
	[bflag:$0x3] =	sbarrier.arrive $0xFFFF;
	s2 =	simm.s32 @!p0 $0x1C01  }
0x62: {  	[timem:s3], [sflag:s2] =	dma.local @!p0 [hbm:s0], s1  }
0x63: {  	s0 =	simm.s32 @!p0 $0x1  }
0x64: {  	_ =	swait.ge @!p0 [sflag:s0], s1  }
0x65: {  	s1 =	ssub.s32 @!p0 $0x0, s1;
	[sflag:s0] =	ssyncset.done @!p0 $0x0  }
0x66: {  	[sflag:s0] =	ssyncadd.s32 @!p0 s1  }
0x67: {  	[bflag:$0x3] =	sbarrier.arrive $0xFFFF  }
0x68: {  	_ =	shalt  }

// kernel: scatter_offload_async_start.1
scs
__scs_entry_jumppad:
0x0: {  	(pc) =	sbr.rel $0x88, $3  }
0x1: {  	(tag) =	ssettag $0x0;
	lr =	simm.s32 $0x1  }
0x2: {  	[smem:$0x3F99] =	sst lr;
	_ =	strace $0xD0000000  }
0x3: {  	_ = 	snop  }
0x4: {  	_ = 	snop  }
0x5: {  	_ = 	snop  }
0x6: {  	_ = 	snop  }
0x7: {  	_ = 	snop  }
__scs_overlays_trampoline_lowered:
0x8: {  	[smem:$0x3FA8] =	sst s0  }
0x9: {  	[smem:$0x3FA9] =	sst s1  }
0xa: {  	[smem:$0x3FAA] =	sst s2  }
0xb: {  	[smem:$0x3FAB] =	sst s3  }
0xc: {  	[smem:$0x3FAC] =	sst s4  }
0xd: {  	[smem:$0x3FAD] =	sst s5  }
0xe: {  	[smem:$0x3FAE] =	sst s6  }
0xf: {  	[smem:$0x3FAF] =	sst s7  }
0x10: {  	[smem:$0x3FB0] =	sst s8  }
0x11: {  	[smem:$0x3FB1] =	sst s9;
	s0 =	simm.s32 @!p0 $0x0  }
0x12: {  	s1 =	sld [smem:$0x3F97];
	s0 =	simm.s32 @p0 $0x1  }
0x13: {  	[smem:$0x3FB2] =	sst s0;
	s0 =	simm.s32 @!p1 $0x0  }
0x14: {  	s2 =	sld [smem:$0x3F96];
	s0 =	simm.s32 @p1 $0x1  }
0x15: {  	[smem:$0x3FB3] =	sst s0;
	s0 =	simm.s32 @!p2 $0x0  }
0x16: {  	s3 =	sld [smem:$0x3FDB];
	s0 =	simm.s32 @p2 $0x1  }
0x17: {  	s4 =	simm.s32 $0x1BF5;
	[smem:$0x3FB5] =	sst s0  }
0x18: {  	s0 =	sld [smem:$0x3F98];
	_ =	swait.ge [sflag:s4], $0x0  }
0x19: {  	s7 =	sld [smem:$0x3F99]  }
0x1a: {  	s8 =	sadd.s32 $0xFFFFE003, lr  }
0x1b: {  	s9 =	sadd.s32 $0xFFFFFEF7, lr;
	s5 =	simm.s32 $0xFFFFFFFF;
	p2 =	slt.u32 s8, $0xFFFFF086  }
0x1c: {  	p1 =	slt.u32 s9, $0xF7A;
	s5 =	simm.s32 @!p2 $0x0  }
0x1d: {  	s5 =	simm.s32 @p1 $0x1;
	p0 =	seq.s32 s7, s2  }
0x1e: {  	s7 =	smul.u32 @!p0 $0xF7A, s2;
	p2 =	seq.s32 @!p0 s5, $0x0  }
0x1f: {  	s9 =	smul.u32 $0xF7A, s1;
	s8 =	simm.s32 @!p0 $0x1BF5;
	p2 =	por !p2, p0  }
0x20: {  	[sflag:s8] =	ssyncset.s32 @!p0 $0xFFFFF086;
	s6 =	sadd.s32 @!p0 s3, s7;
	s7 =	simm.s32 @!p0 $0x108  }
0x21: {  	s3 =	sadd.s32 s3, s9;
	s6 =	sadd.s32 @!p0 $0x88, s6;
	s7 =	simm.s32 @p2 $0x1082  }
0x22: {  	[simem:s7], [sflag:s8] =	dma.local @!p0 [hbm:s6], $0xF7A  }
0x23: {  	s9 =	sor.u32 $0xD0000000, s2;
	s6 =	simm.s32 $0x108;
	_ =	swait.ge @!p0 [sflag:s8], $0x0  }
0x24: {  	s3 =	sadd.s32 $0x88, s3;
	s6 =	simm.s32 @!p1 $0x1082;
	[sflag:s4] =	ssyncset.s32 $0xFFFFF086  }
0x25: {  	[simem:s6], [sflag:s4] =	dma.local [hbm:s3], $0xF7A  }
0x26: {  	[smem:$0x3F99] =	sst s1;
	(tag) =	ssettag s2;
	_ =	strace s9  }
0x27: {  	s1 =	sld [smem:$0x3FA9]  }
0x28: {  	s2 =	sld [smem:$0x3FAA]  }
0x29: {  	s4 =	sld [smem:$0x3FAC]  }
0x2a: {  	p0 =	seq.s32 s5, $0x0;
	s5 =	sld [smem:$0x3FAD]  }
0x2b: {  	s6 =	sld [smem:$0x3FAE]  }
0x2c: {  	s7 =	sld [smem:$0x3FAF]  }
0x2d: {  	s3 =	simm.s32 $0x108;
	s8 =	sld [smem:$0x3FB0]  }
0x2e: {  	s3 =	simm.s32 @!p0 $0x1082;
	s9 =	sld [smem:$0x3FB1]  }
0x2f: {  	lr =	sadd.s32 s0, s3;
	s0 =	sld [smem:$0x3FA8]  }
0x30: {  	s3 =	sld [smem:$0x3FAB]  }
0x31: {  	[smem:$0x3FB4] =	sst s10  }
0x32: {  	s10 =	sld [smem:$0x3FB2];
	_ =	sdelay $0x3  }
0x33: {  	p0 =	seq.s32 s10, $0x1;
	s10 =	sld [smem:$0x3FB4];
	_ =	sdelay $0x3  }
0x34: {  	[smem:$0x3FB4] =	sst s10  }
0x35: {  	s10 =	sld [smem:$0x3FB3];
	_ =	sdelay $0x3  }
0x36: {  	p1 =	seq.s32 s10, $0x1;
	s10 =	sld [smem:$0x3FB4];
	_ =	sdelay $0x3  }
0x37: {  	[smem:$0x3FB4] =	sst s10  }
0x38: {  	s10 =	sld [smem:$0x3FB5]  }
0x39: {  	_ = 	snop;
	(pc) =	sbr.ind lr, $3  }
0x3a: {  	_ = 	snop  }
0x3b: {  	_ = 	snop  }
0x3c: {  	p2 =	seq.s32 s10, $0x1;
	s10 =	sld [smem:$0x3FB4]  }
0x3d: {  	_ =	shalt  }
0x3e: {  	_ =	shalt  }
0x3f: {  	_ =	shalt  }
0x40: {  	_ =	shalt  }
0x41: {  	_ =	shalt  }
0x42: {  	_ =	shalt  }
0x43: {  	_ =	shalt  }
0x44: {  	_ =	shalt  }
0x45: {  	_ =	shalt  }
0x46: {  	_ =	shalt  }
0x47: {  	_ =	shalt  }
0x48: {  	_ =	shalt  }
0x49: {  	_ =	shalt  }
0x4a: {  	_ =	shalt  }
0x4b: {  	_ =	shalt  }
0x4c: {  	_ =	shalt  }
0x4d: {  	_ =	shalt  }
0x4e: {  	_ =	shalt  }
0x4f: {  	_ =	shalt  }
0x50: {  	_ =	shalt  }
0x51: {  	_ =	shalt  }
0x52: {  	_ =	shalt  }
0x53: {  	_ =	shalt  }
0x54: {  	_ =	shalt  }
0x55: {  	_ =	shalt  }
0x56: {  	_ =	shalt  }
0x57: {  	_ =	shalt  }
0x58: {  	_ =	shalt  }
0x59: {  	_ =	shalt  }
0x5a: {  	_ =	shalt  }
0x5b: {  	_ =	shalt  }
0x5c: {  	_ =	shalt  }
0x5d: {  	_ =	shalt  }
0x5e: {  	_ =	shalt  }
0x5f: {  	_ =	shalt  }
0x60: {  	_ =	shalt  }
0x61: {  	_ =	shalt  }
0x62: {  	_ =	shalt  }
0x63: {  	_ =	shalt  }
0x64: {  	_ =	shalt  }
0x65: {  	_ =	shalt  }
0x66: {  	_ =	shalt  }
0x67: {  	_ =	shalt  }
0x68: {  	_ =	shalt  }
0x69: {  	_ =	shalt  }
0x6a: {  	_ =	shalt  }
0x6b: {  	_ =	shalt  }
0x6c: {  	_ =	shalt  }
0x6d: {  	_ =	shalt  }
0x6e: {  	_ =	shalt  }
0x6f: {  	_ =	shalt  }
0x70: {  	_ =	shalt  }
0x71: {  	_ =	shalt  }
0x72: {  	_ =	shalt  }
0x73: {  	_ =	shalt  }
0x74: {  	_ =	shalt  }
0x75: {  	_ =	shalt  }
0x76: {  	_ =	shalt  }
0x77: {  	_ =	shalt  }
0x78: {  	_ =	shalt  }
0x79: {  	_ =	shalt  }
0x7a: {  	_ =	shalt  }
0x7b: {  	_ =	shalt  }
0x7c: {  	_ =	shalt  }
0x7d: {  	_ =	shalt  }
0x7e: {  	_ =	shalt  }
0x7f: {  	_ =	shalt  }
0x80: {  	_ =	shalt  }
0x81: {  	_ =	shalt  }
0x82: {  	_ =	shalt  }
0x83: {  	_ =	shalt  }
0x84: {  	_ =	shalt  }
0x85: {  	_ =	shalt  }
0x86: {  	_ =	shalt  }
0x87: {  	_ =	shalt  }
.Lfunc_end0:
.L_simem_size_0:
called_computation.1_lowered:
.L_overlay_start_0:
0x88: {  	s0 =	sld [smem:$0x3FD9]  }
0x89: {  	s1 =	sld [smem:$0x3FFE];
	_ =	sdelay $0x3  }
0x8a: {  	s0 =	sadd.s32 s1, s0  }
0x8b: {  	[smem:$0x3FC0] =	sst s0  }
0x8c: {  	_ = 	snop  }
0x8d: {  	s0 =	sld [smem:$0x3FD0];
	_ =	sdelay $0x2  }
0x8e: {  	s13 =	simm.s32 $0xB;
	s2 =	simm.s32 $0x10  }
0x8f: {  	[smem:s2], [sflag:s13] =	dma.local [hbm:s0], $0x1  }
0x90: {  	_ =	swait.eq [sflag:s13], $0x1  }
0x91: {  	[sflag:s13] =	ssyncset.done $0x0  }
0x92: {  	[sflag:s13] =	ssyncadd.s32 $0xFFFFFFFF  }
0x93: {  	s14 =	sld [smem:$0x11];
	(tm) =	ssettm $0x1  }
0x94: {  	s15 =	sld [smem:$0x3FFB];
	_ =	sdelay $0x3  }
0x95: {  	_ =	strace s15  }
0x96: {  	s1 =	sld [smem:$0x3FFC];
	_ =	sdelay $0x3  }
0x97: {  	_ =	strace s1  }
0x98: {  	s1 =	sld [smem:$0x3FFD];
	_ =	sdelay $0x3  }
0x99: {  	_ =	strace s1  }
0x9a: {  	_ =	strace $0x8FFFFFFF  }
0x9b: {  	s16 =	sld [smem:$0x3FDB];
	_ =	sdelay $0x1  }
0x9c: {  	s17 =	simm.s32 $_scs_section_size  }
0x9d: {  	s3 =	simm.s32 $_size__tile_overlayer_lowered;
	s4 =	simm.s32 $_tile_overlayer_lowered  }
0x9e: {  	s20 =	simm.s32 $0x1BFF;
	s19 =	sshll.u32 s4, $0x1;
	s1 =	sadd.s32 s17, s16  }
0x9f: {  	s5 =	simm.s32 $0x0;
	s18 =	sshll.u32 s3, $0x1;
	s3 =	sadd.s32 s19, s1  }
0xa0: {  	[timem:s5], [sflag:s20] =	dma.local [hbm:s3], s18  }
0xa1: {  	_ =	swait.ge [sflag:s20], s18  }
0xa2: {  	s2 =	ssub.s32 $0x0, s18;
	[sflag:s20] =	ssyncset.done $0x0  }
0xa3: {  	[sflag:s20] =	ssyncadd.s32 s2;
	_ =	sdelay $0x1  }
0xa4: {  	s21 =	simm.s32 $0x1B8B  }
0xa5: {  	_ =	swait.ge [sflag:s21], $0x1  }
0xa6: {  	[sflag:s21] =	ssyncset.done $0x0  }
0xa7: {  	s23 =	simm.s32 $0x1B8E;
	s22 =	sld [smem:$0x3FFE];
	[sflag:s21] =	ssyncadd.s32 $0xFFFFFFFF  }
0xa8: {  	s24 =	simm.s32 $execute0_lowered;
	[smem:$0x3FD2] =	sst s23  }
0xa9: {  	s3 =	sshll.u32 s24, $0x1;
	_ =	strace $0x80000049;
	[dreg:$0x1] =	wrdreg $0xFFFFFFFF  }
0xaa: {  	s25 =	simm.s32 $_size_execute0_lowered;
	s1 =	sadd.s32 s1, s3;
	[dreg:$0x0] =	wrdreg $0x0  }
0xab: {  	s3 =	sshll.u32 s25, $0x1;
	[dreg:$0x2] =	wrdreg s1  }
0xac: {  	[dreg:$0x3] =	wrdreg s3  }
0xad: {  	[dreg:$0x4] =	wrdreg $0xC0  }
0xae: {  	_ =	task [dreg:s5], $0x5FFFF  }
0xaf: {  	[dreg:$0x1] =	wrdreg $0xFFFFFFFF  }
0xb0: {  	[dreg:$0x0] =	wrdreg $0x60  }
0xb1: {  	[dreg:$0x2] =	wrdreg s14  }
0xb2: {  	[dreg:$0x3] =	wrdreg s22  }
0xb3: {  	[dreg:$0x4] =	wrdreg $0x9  }
0xb4: {  	_ =	task.clear_ibuf [dreg:s5], $0x5FFFF;
	_ =	strace $0x90000049  }
0xb5: {  	s26 =	simm.s32 $0x9;
	_ =	strace $0x8000004B  }
0xb6: {  	_ =	swait.ge [sflag:s26], $0x1  }
0xb7: {  	[sflag:s26] =	ssyncadd.s32 $0xFFFFFFFF  }
0xb8: {  	_ =	strace $0x9000004B  }
0xb9: {  	_ =	sfence  }
0xba: {  	s28 =	sld [smem:$0x0];
	_ =	sdelay $0x1  }
0xbb: {  	s29 =	srdreg.scid  }
0xbc: {  	s30 =	sshll.u32 s29, $0xD;
	s31 =	sshrl.u32 s29, $0x2  }
0xbd: {  	s2 =	sand.u32 $0x4000, s30;
	s1 =	sand.u32 $0x1, s29;
	s0 =	sadd.s32 s31, s28  }
0xbe: {  	s1 =	sor.u32 s2, s1;
	s0 =	sshll.u32 s0, $0x11  }
0xbf: {  	s0 =	sor.u32 s0, s1  }
0xc0: {  	s0 =	sadd.s32 $0x8F2B, s0  }
0xc1: {  	[sflag:s0] =	ssyncadd.remote.s32 $0x1  }
0xc2: {  	_ =	sfence.sel $0xFFFF  }
0xc3: {  	[dreg:$0x0] =	wrdreg $0xFFFFFFFF;
	(pc) =	sbr.abs _section_cstart, $3  }
0xc4: {  	[dreg:$0x1] =	wrdreg $0xFFFFFFFF  }
0xc5: {  	_ =	task.clear_ibuf [dreg:s5], $0x2FFFF;
	_ =	strace $0x9FFFFFFF  }
0xc6: {  	(tm) =	ssettm $0x7FFFFFFF  }
0xc7: {  	_ =	shalt  }
tec
execute0_lowered:
.L_overlay_start_1:
0x0: {  	(tag) =	ssettag $0x1  }
0x1: {  	s1 =	rddreg [dreg:$0x0]  }
0x2: {  	s8 =	rddreg [dreg:$0x1];
	_ =	strace $0x8000004A;
	s11 =	simm.s32 $0x1  }
0x3: {  	v0 =	vimm.s32 $0x0;
	[sflag:s11] =	ssyncpa.u1 $0x0  }
0x4: {  	[tilespmem:$0x28] =	vst v0  }
0x5: {  	[tilespmem:$0x38] =	vst v0  }
0x6: {  	[tilespmem:$0x48] =	vst v0  }
0x7: {  	[tilespmem:$0x58] =	vst v0  }
0x8: {  	[tilespmem:$0x68] =	vst v0  }
0x9: {  	[tilespmem:$0x78] =	vst v0  }
0xa: {  	[tilespmem:$0x88] =	vst v0  }
0xb: {  	[tilespmem:$0x98] =	vst v0  }
0xc: {  	[tilespmem:$0xA8] =	vst v0  }
0xd: {  	[tilespmem:$0xB8] =	vst v0  }
0xe: {  	[tilespmem:$0xC8] =	vst v0  }
0xf: {  	[tilespmem:$0xD8] =	vst v0  }
0x10: {  	[tilespmem:$0xE8] =	vst v0  }
0x11: {  	[tilespmem:$0xF8] =	vst v0  }
0x12: {  	[tilespmem:$0x108] =	vst v0  }
0x13: {  	[tilespmem:$0x118] =	vst v0  }
0x14: {  	[tilespmem:$0x128] =	vst v0  }
0x15: {  	[tilespmem:$0x138] =	vst v0  }
0x16: {  	[tilespmem:$0x148] =	vst v0  }
0x17: {  	[tilespmem:$0x158] =	vst v0  }
0x18: {  	[tilespmem:$0x168] =	vst v0  }
0x19: {  	[tilespmem:$0x178] =	vst v0  }
0x1a: {  	[tilespmem:$0x188] =	vst v0  }
0x1b: {  	[tilespmem:$0x198] =	vst v0  }
0x1c: {  	[tilespmem:$0x1A8] =	vst v0  }
0x1d: {  	[tilespmem:$0x1B8] =	vst v0  }
0x1e: {  	[tilespmem:$0x1C8] =	vst v0  }
0x1f: {  	[tilespmem:$0x1D8] =	vst v0  }
0x20: {  	[tilespmem:$0x1E8] =	vst v0  }
0x21: {  	[tilespmem:$0x1F8] =	vst v0  }
0x22: {  	[tilespmem:$0x208] =	vst v0  }
0x23: {  	[tilespmem:$0x218] =	vst v0  }
0x24: {  	[tilespmem:$0x228] =	vst v0  }
0x25: {  	[tilespmem:$0x238] =	vst v0  }
0x26: {  	[tilespmem:$0x248] =	vst v0  }
0x27: {  	[tilespmem:$0x258] =	vst v0  }
0x28: {  	[tilespmem:$0x268] =	vst v0  }
0x29: {  	[tilespmem:$0x278] =	vst v0  }
0x2a: {  	[tilespmem:$0x288] =	vst v0  }
0x2b: {  	[tilespmem:$0x298] =	vst v0  }
0x2c: {  	[tilespmem:$0x2A8] =	vst v0  }
0x2d: {  	[tilespmem:$0x2B8] =	vst v0  }
0x2e: {  	[tilespmem:$0x2C8] =	vst v0  }
0x2f: {  	[tilespmem:$0x2D8] =	vst v0  }
0x30: {  	[tilespmem:$0x2E8] =	vst v0  }
0x31: {  	[tilespmem:$0x2F8] =	vst v0  }
0x32: {  	[tilespmem:$0x308] =	vst v0  }
0x33: {  	[tilespmem:$0x318] =	vst v0  }
0x34: {  	[tilespmem:$0x328] =	vst v0  }
0x35: {  	[tilespmem:$0x338] =	vst v0  }
0x36: {  	[tilespmem:$0x348] =	vst v0  }
0x37: {  	[tilespmem:$0x358] =	vst v0  }
0x38: {  	[tilespmem:$0x368] =	vst v0  }
0x39: {  	[tilespmem:$0x378] =	vst v0  }
0x3a: {  	[tilespmem:$0x388] =	vst v0  }
0x3b: {  	[tilespmem:$0x398] =	vst v0  }
0x3c: {  	[tilespmem:$0x3A8] =	vst v0  }
0x3d: {  	[tilespmem:$0x3B8] =	vst v0  }
0x3e: {  	[tilespmem:$0x3C8] =	vst v0  }
0x3f: {  	[tilespmem:$0x3D8] =	vst v0  }
0x40: {  	[tilespmem:$0x3E8] =	vst v0  }
0x41: {  	[tilespmem:$0x3F8] =	vst v0  }
0x42: {  	[tilespmem:$0x408] =	vst v0  }
0x43: {  	[tilespmem:$0x418] =	vst v0  }
0x44: {  	[tilespmem:$0x428] =	vst v0  }
0x45: {  	[tilespmem:$0x438] =	vst v0  }
0x46: {  	[tilespmem:$0x448] =	vst v0  }
0x47: {  	[tilespmem:$0x458] =	vst v0  }
0x48: {  	[tilespmem:$0x468] =	vst v0  }
0x49: {  	[tilespmem:$0x478] =	vst v0  }
0x4a: {  	[tilespmem:$0x488] =	vst v0  }
0x4b: {  	[tilespmem:$0x498] =	vst v0  }
0x4c: {  	[tilespmem:$0x4A8] =	vst v0  }
0x4d: {  	[tilespmem:$0x4B8] =	vst v0  }
0x4e: {  	[tilespmem:$0x4C8] =	vst v0  }
0x4f: {  	[tilespmem:$0x4D8] =	vst v0  }
0x50: {  	[tilespmem:$0x4E8] =	vst v0  }
0x51: {  	[tilespmem:$0x4F8] =	vst v0  }
0x52: {  	[tilespmem:$0x508] =	vst v0  }
0x53: {  	[tilespmem:$0x518] =	vst v0  }
0x54: {  	[tilespmem:$0x528] =	vst v0  }
0x55: {  	[tilespmem:$0x538] =	vst v0  }
0x56: {  	[tilespmem:$0x548] =	vst v0  }
0x57: {  	[tilespmem:$0x558] =	vst v0  }
0x58: {  	[tilespmem:$0x568] =	vst v0  }
0x59: {  	[tilespmem:$0x578] =	vst v0  }
0x5a: {  	[tilespmem:$0x588] =	vst v0  }
0x5b: {  	[tilespmem:$0x598] =	vst v0  }
0x5c: {  	[tilespmem:$0x5A8] =	vst v0  }
0x5d: {  	[tilespmem:$0x5B8] =	vst v0  }
0x5e: {  	[tilespmem:$0x5C8] =	vst v0  }
0x5f: {  	[tilespmem:$0x5D8] =	vst v0  }
0x60: {  	[tilespmem:$0x5E8] =	vst v0  }
0x61: {  	[tilespmem:$0x5F8] =	vst v0  }
0x62: {  	[tilespmem:$0x608] =	vst v0  }
0x63: {  	[tilespmem:$0x618] =	vst v0  }
0x64: {  	[tilespmem:$0x628] =	vst v0  }
0x65: {  	[tilespmem:$0x638] =	vst v0  }
0x66: {  	[tilespmem:$0x648] =	vst v0  }
0x67: {  	[tilespmem:$0x658] =	vst v0  }
0x68: {  	[tilespmem:$0x668] =	vst v0  }
0x69: {  	[tilespmem:$0x678] =	vst v0  }
0x6a: {  	[tilespmem:$0x688] =	vst v0  }
0x6b: {  	[tilespmem:$0x698] =	vst v0  }
0x6c: {  	[tilespmem:$0x6A8] =	vst v0  }
0x6d: {  	[tilespmem:$0x6B8] =	vst v0  }
0x6e: {  	[tilespmem:$0x6C8] =	vst v0  }
0x6f: {  	[tilespmem:$0x6D8] =	vst v0  }
0x70: {  	[tilespmem:$0x6E8] =	vst v0  }
0x71: {  	[tilespmem:$0x6F8] =	vst v0  }
0x72: {  	[tilespmem:$0x708] =	vst v0  }
0x73: {  	[tilespmem:$0x718] =	vst v0  }
0x74: {  	[tilespmem:$0x728] =	vst v0  }
0x75: {  	[tilespmem:$0x738] =	vst v0  }
0x76: {  	[tilespmem:$0x748] =	vst v0  }
0x77: {  	[tilespmem:$0x758] =	vst v0  }
0x78: {  	[tilespmem:$0x768] =	vst v0  }
0x79: {  	[tilespmem:$0x778] =	vst v0  }
0x7a: {  	[tilespmem:$0x788] =	vst v0  }
0x7b: {  	[tilespmem:$0x798] =	vst v0  }
0x7c: {  	[tilespmem:$0x7A8] =	vst v0  }
0x7d: {  	[tilespmem:$0x7B8] =	vst v0  }
0x7e: {  	[tilespmem:$0x7C8] =	vst v0  }
0x7f: {  	[tilespmem:$0x7D8] =	vst v0  }
0x80: {  	[tilespmem:$0x7E8] =	vst v0  }
0x81: {  	[tilespmem:$0x7F8] =	vst v0  }
0x82: {  	[tilespmem:$0x808] =	vst v0  }
0x83: {  	[tilespmem:$0x818] =	vst v0  }
0x84: {  	[tilespmem:$0x828] =	vst v0  }
0x85: {  	[tilespmem:$0x838] =	vst v0  }
0x86: {  	[tilespmem:$0x848] =	vst v0  }
0x87: {  	[tilespmem:$0x858] =	vst v0  }
0x88: {  	[tilespmem:$0x868] =	vst v0  }
0x89: {  	[tilespmem:$0x878] =	vst v0  }
0x8a: {  	[tilespmem:$0x888] =	vst v0  }
0x8b: {  	[tilespmem:$0x898] =	vst v0  }
0x8c: {  	[tilespmem:$0x8A8] =	vst v0  }
0x8d: {  	[tilespmem:$0x8B8] =	vst v0  }
0x8e: {  	[tilespmem:$0x8C8] =	vst v0  }
0x8f: {  	[tilespmem:$0x8D8] =	vst v0  }
0x90: {  	[tilespmem:$0x8E8] =	vst v0  }
0x91: {  	[tilespmem:$0x8F8] =	vst v0  }
0x92: {  	[tilespmem:$0x908] =	vst v0  }
0x93: {  	[tilespmem:$0x918] =	vst v0  }
0x94: {  	[tilespmem:$0x928] =	vst v0  }
0x95: {  	[tilespmem:$0x938] =	vst v0  }
0x96: {  	[tilespmem:$0x948] =	vst v0  }
0x97: {  	[tilespmem:$0x958] =	vst v0  }
0x98: {  	[tilespmem:$0x968] =	vst v0  }
0x99: {  	[tilespmem:$0x978] =	vst v0  }
0x9a: {  	[tilespmem:$0x988] =	vst v0  }
0x9b: {  	[tilespmem:$0x998] =	vst v0  }
0x9c: {  	[tilespmem:$0x9A8] =	vst v0  }
0x9d: {  	[tilespmem:$0x9B8] =	vst v0  }
0x9e: {  	[tilespmem:$0x9C8] =	vst v0  }
0x9f: {  	[tilespmem:$0x9D8] =	vst v0  }
0xa0: {  	[tilespmem:$0x9E8] =	vst v0  }
0xa1: {  	[tilespmem:$0x9F8] =	vst v0  }
0xa2: {  	[tilespmem:$0xA08] =	vst v0  }
0xa3: {  	[tilespmem:$0xA18] =	vst v0  }
0xa4: {  	[tilespmem:$0xA28] =	vst v0  }
0xa5: {  	[tilespmem:$0xA38] =	vst v0  }
0xa6: {  	[tilespmem:$0xA48] =	vst v0  }
0xa7: {  	[tilespmem:$0xA58] =	vst v0  }
0xa8: {  	[tilespmem:$0xA68] =	vst v0  }
0xa9: {  	[tilespmem:$0xA78] =	vst v0  }
0xaa: {  	[tilespmem:$0xA88] =	vst v0  }
0xab: {  	[tilespmem:$0xA98] =	vst v0  }
0xac: {  	[tilespmem:$0xAA8] =	vst v0  }
0xad: {  	[tilespmem:$0xAB8] =	vst v0  }
0xae: {  	[tilespmem:$0xAC8] =	vst v0  }
0xaf: {  	[tilespmem:$0xAD8] =	vst v0  }
0xb0: {  	[tilespmem:$0xAE8] =	vst v0  }
0xb1: {  	[tilespmem:$0xAF8] =	vst v0  }
0xb2: {  	[tilespmem:$0xB08] =	vst v0  }
0xb3: {  	[tilespmem:$0xB18] =	vst v0  }
0xb4: {  	[tilespmem:$0xB28] =	vst v0  }
0xb5: {  	[tilespmem:$0xB38] =	vst v0  }
0xb6: {  	[tilespmem:$0xB48] =	vst v0  }
0xb7: {  	[tilespmem:$0xB58] =	vst v0  }
0xb8: {  	[tilespmem:$0xB68] =	vst v0  }
0xb9: {  	[tilespmem:$0xB78] =	vst v0  }
0xba: {  	[tilespmem:$0xB88] =	vst v0  }
0xbb: {  	[tilespmem:$0xB98] =	vst v0  }
0xbc: {  	[tilespmem:$0xBA8] =	vst v0  }
0xbd: {  	[tilespmem:$0xBB8] =	vst v0  }
0xbe: {  	[tilespmem:$0xBC8] =	vst v0  }
0xbf: {  	[tilespmem:$0xBD8] =	vst v0  }
0xc0: {  	[tilespmem:$0xBE8] =	vst v0  }
0xc1: {  	[tilespmem:$0xBF8] =	vst v0  }
0xc2: {  	[tilespmem:$0xC08] =	vst v0  }
0xc3: {  	[tilespmem:$0xC18] =	vst v0  }
0xc4: {  	[tilespmem:$0xC28] =	vst v0  }
0xc5: {  	[tilespmem:$0xC38] =	vst v0  }
0xc6: {  	[tilespmem:$0xC48] =	vst v0  }
0xc7: {  	[tilespmem:$0xC58] =	vst v0  }
0xc8: {  	[tilespmem:$0xC68] =	vst v0  }
0xc9: {  	[tilespmem:$0xC78] =	vst v0  }
0xca: {  	[tilespmem:$0xC88] =	vst v0  }
0xcb: {  	[tilespmem:$0xC98] =	vst v0  }
0xcc: {  	[tilespmem:$0xCA8] =	vst v0  }
0xcd: {  	[tilespmem:$0xCB8] =	vst v0  }
0xce: {  	[tilespmem:$0xCC8] =	vst v0  }
0xcf: {  	[tilespmem:$0xCD8] =	vst v0  }
0xd0: {  	[tilespmem:$0xCE8] =	vst v0  }
0xd1: {  	[tilespmem:$0xCF8] =	vst v0  }
0xd2: {  	[tilespmem:$0xD08] =	vst v0  }
0xd3: {  	[tilespmem:$0xD18] =	vst v0  }
0xd4: {  	[tilespmem:$0xD28] =	vst v0  }
0xd5: {  	[tilespmem:$0xD38] =	vst v0  }
0xd6: {  	[tilespmem:$0xD48] =	vst v0  }
0xd7: {  	[tilespmem:$0xD58] =	vst v0  }
0xd8: {  	[tilespmem:$0xD68] =	vst v0  }
0xd9: {  	[tilespmem:$0xD78] =	vst v0  }
0xda: {  	[tilespmem:$0xD88] =	vst v0  }
0xdb: {  	[tilespmem:$0xD98] =	vst v0  }
0xdc: {  	[tilespmem:$0xDA8] =	vst v0  }
0xdd: {  	[tilespmem:$0xDB8] =	vst v0  }
0xde: {  	[tilespmem:$0xDC8] =	vst v0  }
0xdf: {  	[tilespmem:$0xDD8] =	vst v0  }
0xe0: {  	[tilespmem:$0xDE8] =	vst v0  }
0xe1: {  	[tilespmem:$0xDF8] =	vst v0  }
0xe2: {  	[tilespmem:$0xE08] =	vst v0  }
0xe3: {  	[tilespmem:$0xE18] =	vst v0  }
0xe4: {  	[tilespmem:$0xE28] =	vst v0  }
0xe5: {  	[tilespmem:$0xE38] =	vst v0  }
0xe6: {  	[tilespmem:$0xE48] =	vst v0  }
0xe7: {  	[tilespmem:$0xE58] =	vst v0  }
0xe8: {  	[tilespmem:$0xE68] =	vst v0  }
0xe9: {  	[tilespmem:$0xE78] =	vst v0  }
0xea: {  	[tilespmem:$0xE88] =	vst v0  }
0xeb: {  	[tilespmem:$0xE98] =	vst v0  }
0xec: {  	[tilespmem:$0xEA8] =	vst v0  }
0xed: {  	[tilespmem:$0xEB8] =	vst v0  }
0xee: {  	[tilespmem:$0xEC8] =	vst v0  }
0xef: {  	[tilespmem:$0xED8] =	vst v0  }
0xf0: {  	[tilespmem:$0xEE8] =	vst v0  }
0xf1: {  	[tilespmem:$0xEF8] =	vst v0  }
0xf2: {  	[tilespmem:$0xF08] =	vst v0  }
0xf3: {  	[tilespmem:$0xF18] =	vst v0  }
0xf4: {  	[tilespmem:$0xF28] =	vst v0  }
0xf5: {  	[tilespmem:$0xF38] =	vst v0  }
0xf6: {  	[tilespmem:$0xF48] =	vst v0  }
0xf7: {  	[tilespmem:$0xF58] =	vst v0  }
0xf8: {  	[tilespmem:$0xF68] =	vst v0  }
0xf9: {  	[tilespmem:$0xF78] =	vst v0  }
0xfa: {  	[tilespmem:$0xF88] =	vst v0  }
0xfb: {  	[tilespmem:$0xF98] =	vst v0  }
0xfc: {  	[tilespmem:$0xFA8] =	vst v0  }
0xfd: {  	[tilespmem:$0xFB8] =	vst v0  }
0xfe: {  	[tilespmem:$0xFC8] =	vst v0  }
0xff: {  	[tilespmem:$0xFD8] =	vst v0  }
0x100: {  	[tilespmem:$0xFE8] =	vst v0  }
0x101: {  	[tilespmem:$0xFF8] =	vst v0  }
0x102: {  	[tilespmem:$0x1008] =	vst v0  }
0x103: {  	[tilespmem:$0x10D8] =	vst v0  }
0x104: {  	[tilespmem:$0x1B28] =	vst v0  }
0x105: {  	[tilespmem:$0x1B18] =	vst v0  }
0x106: {  	[tilespmem:$0x1B08] =	vst v0  }
0x107: {  	[tilespmem:$0x1AF8] =	vst v0  }
0x108: {  	[tilespmem:$0x1AE8] =	vst v0  }
0x109: {  	[tilespmem:$0x1AD8] =	vst v0  }
0x10a: {  	[tilespmem:$0x1AC8] =	vst v0  }
0x10b: {  	[tilespmem:$0x1AB8] =	vst v0  }
0x10c: {  	[tilespmem:$0x1AA8] =	vst v0  }
0x10d: {  	[tilespmem:$0x1A98] =	vst v0  }
0x10e: {  	[tilespmem:$0x1A88] =	vst v0  }
0x10f: {  	[tilespmem:$0x1A78] =	vst v0  }
0x110: {  	[tilespmem:$0x1A68] =	vst v0  }
0x111: {  	[tilespmem:$0x1A58] =	vst v0  }
0x112: {  	[tilespmem:$0x1A48] =	vst v0  }
0x113: {  	[tilespmem:$0x1A38] =	vst v0  }
0x114: {  	[tilespmem:$0x1A28] =	vst v0  }
0x115: {  	[tilespmem:$0x1A18] =	vst v0  }
0x116: {  	[tilespmem:$0x1A08] =	vst v0  }
0x117: {  	[tilespmem:$0x19F8] =	vst v0  }
0x118: {  	[tilespmem:$0x19E8] =	vst v0  }
0x119: {  	[tilespmem:$0x19D8] =	vst v0  }
0x11a: {  	[tilespmem:$0x19C8] =	vst v0  }
0x11b: {  	[tilespmem:$0x19B8] =	vst v0  }
0x11c: {  	[tilespmem:$0x19A8] =	vst v0  }
0x11d: {  	[tilespmem:$0x1998] =	vst v0  }
0x11e: {  	[tilespmem:$0x1988] =	vst v0  }
0x11f: {  	[tilespmem:$0x1978] =	vst v0  }
0x120: {  	[tilespmem:$0x1968] =	vst v0  }
0x121: {  	[tilespmem:$0x1958] =	vst v0  }
0x122: {  	[tilespmem:$0x1948] =	vst v0  }
0x123: {  	[tilespmem:$0x1938] =	vst v0  }
0x124: {  	[tilespmem:$0x1928] =	vst v0  }
0x125: {  	[tilespmem:$0x1918] =	vst v0  }
0x126: {  	[tilespmem:$0x1908] =	vst v0  }
0x127: {  	[tilespmem:$0x18F8] =	vst v0  }
0x128: {  	[tilespmem:$0x18E8] =	vst v0  }
0x129: {  	[tilespmem:$0x18D8] =	vst v0  }
0x12a: {  	[tilespmem:$0x18C8] =	vst v0  }
0x12b: {  	[tilespmem:$0x18B8] =	vst v0  }
0x12c: {  	[tilespmem:$0x18A8] =	vst v0  }
0x12d: {  	[tilespmem:$0x1898] =	vst v0  }
0x12e: {  	[tilespmem:$0x1888] =	vst v0  }
0x12f: {  	[tilespmem:$0x1878] =	vst v0  }
0x130: {  	[tilespmem:$0x1868] =	vst v0  }
0x131: {  	[tilespmem:$0x1858] =	vst v0  }
0x132: {  	[tilespmem:$0x1848] =	vst v0  }
0x133: {  	[tilespmem:$0x1838] =	vst v0  }
0x134: {  	[tilespmem:$0x1828] =	vst v0  }
0x135: {  	[tilespmem:$0x1818] =	vst v0  }
0x136: {  	[tilespmem:$0x1808] =	vst v0  }
0x137: {  	[tilespmem:$0x17F8] =	vst v0  }
0x138: {  	[tilespmem:$0x17E8] =	vst v0  }
0x139: {  	[tilespmem:$0x17D8] =	vst v0  }
0x13a: {  	[tilespmem:$0x17C8] =	vst v0  }
0x13b: {  	[tilespmem:$0x17B8] =	vst v0  }
0x13c: {  	[tilespmem:$0x17A8] =	vst v0  }
0x13d: {  	[tilespmem:$0x1798] =	vst v0  }
0x13e: {  	[tilespmem:$0x1788] =	vst v0  }
0x13f: {  	[tilespmem:$0x1778] =	vst v0  }
0x140: {  	[tilespmem:$0x1768] =	vst v0  }
0x141: {  	[tilespmem:$0x1758] =	vst v0  }
0x142: {  	[tilespmem:$0x1748] =	vst v0  }
0x143: {  	[tilespmem:$0x1738] =	vst v0  }
0x144: {  	[tilespmem:$0x1728] =	vst v0  }
0x145: {  	[tilespmem:$0x1718] =	vst v0  }
0x146: {  	[tilespmem:$0x1708] =	vst v0  }
0x147: {  	[tilespmem:$0x16F8] =	vst v0  }
0x148: {  	[tilespmem:$0x16E8] =	vst v0  }
0x149: {  	[tilespmem:$0x16D8] =	vst v0  }
0x14a: {  	[tilespmem:$0x16C8] =	vst v0  }
0x14b: {  	[tilespmem:$0x16B8] =	vst v0  }
0x14c: {  	[tilespmem:$0x16A8] =	vst v0  }
0x14d: {  	[tilespmem:$0x1698] =	vst v0  }
0x14e: {  	[tilespmem:$0x1688] =	vst v0  }
0x14f: {  	[tilespmem:$0x1678] =	vst v0  }
0x150: {  	[tilespmem:$0x1668] =	vst v0  }
0x151: {  	[tilespmem:$0x1658] =	vst v0  }
0x152: {  	[tilespmem:$0x1648] =	vst v0  }
0x153: {  	[tilespmem:$0x1638] =	vst v0  }
0x154: {  	[tilespmem:$0x1628] =	vst v0  }
0x155: {  	[tilespmem:$0x1618] =	vst v0  }
0x156: {  	[tilespmem:$0x1608] =	vst v0  }
0x157: {  	[tilespmem:$0x15F8] =	vst v0  }
0x158: {  	[tilespmem:$0x15E8] =	vst v0  }
0x159: {  	[tilespmem:$0x15D8] =	vst v0  }
0x15a: {  	[tilespmem:$0x15C8] =	vst v0  }
0x15b: {  	[tilespmem:$0x15B8] =	vst v0  }
0x15c: {  	[tilespmem:$0x15A8] =	vst v0  }
0x15d: {  	[tilespmem:$0x1598] =	vst v0  }
0x15e: {  	[tilespmem:$0x1588] =	vst v0  }
0x15f: {  	[tilespmem:$0x1578] =	vst v0  }
0x160: {  	[tilespmem:$0x1568] =	vst v0  }
0x161: {  	[tilespmem:$0x1558] =	vst v0  }
0x162: {  	[tilespmem:$0x1548] =	vst v0  }
0x163: {  	[tilespmem:$0x1538] =	vst v0  }
0x164: {  	[tilespmem:$0x1528] =	vst v0  }
0x165: {  	[tilespmem:$0x1518] =	vst v0  }
0x166: {  	[tilespmem:$0x1508] =	vst v0  }
0x167: {  	[tilespmem:$0x14F8] =	vst v0  }
0x168: {  	[tilespmem:$0x14E8] =	vst v0  }
0x169: {  	[tilespmem:$0x14D8] =	vst v0  }
0x16a: {  	[tilespmem:$0x14C8] =	vst v0  }
0x16b: {  	[tilespmem:$0x14B8] =	vst v0  }
0x16c: {  	[tilespmem:$0x14A8] =	vst v0  }
0x16d: {  	[tilespmem:$0x1498] =	vst v0  }
0x16e: {  	[tilespmem:$0x1488] =	vst v0  }
0x16f: {  	[tilespmem:$0x1478] =	vst v0  }
0x170: {  	[tilespmem:$0x1468] =	vst v0  }
0x171: {  	[tilespmem:$0x1458] =	vst v0  }
0x172: {  	[tilespmem:$0x1448] =	vst v0  }
0x173: {  	[tilespmem:$0x1438] =	vst v0  }
0x174: {  	[tilespmem:$0x1428] =	vst v0  }
0x175: {  	[tilespmem:$0x1418] =	vst v0  }
0x176: {  	[tilespmem:$0x1408] =	vst v0  }
0x177: {  	[tilespmem:$0x13F8] =	vst v0  }
0x178: {  	[tilespmem:$0x13E8] =	vst v0  }
0x179: {  	[tilespmem:$0x13D8] =	vst v0  }
0x17a: {  	[tilespmem:$0x13C8] =	vst v0  }
0x17b: {  	[tilespmem:$0x13B8] =	vst v0  }
0x17c: {  	[tilespmem:$0x13A8] =	vst v0  }
0x17d: {  	[tilespmem:$0x1398] =	vst v0  }
0x17e: {  	[tilespmem:$0x1388] =	vst v0  }
0x17f: {  	[tilespmem:$0x1378] =	vst v0  }
0x180: {  	[tilespmem:$0x1368] =	vst v0  }
0x181: {  	[tilespmem:$0x1358] =	vst v0  }
0x182: {  	[tilespmem:$0x1348] =	vst v0  }
0x183: {  	[tilespmem:$0x1338] =	vst v0  }
0x184: {  	[tilespmem:$0x1328] =	vst v0  }
0x185: {  	[tilespmem:$0x1318] =	vst v0  }
0x186: {  	[tilespmem:$0x1308] =	vst v0  }
0x187: {  	[tilespmem:$0x12F8] =	vst v0  }
0x188: {  	[tilespmem:$0x12E8] =	vst v0  }
0x189: {  	[tilespmem:$0x12D8] =	vst v0  }
0x18a: {  	[tilespmem:$0x12C8] =	vst v0  }
0x18b: {  	[tilespmem:$0x12B8] =	vst v0  }
0x18c: {  	[tilespmem:$0x12A8] =	vst v0  }
0x18d: {  	[tilespmem:$0x1298] =	vst v0  }
0x18e: {  	[tilespmem:$0x1288] =	vst v0  }
0x18f: {  	[tilespmem:$0x1278] =	vst v0  }
0x190: {  	[tilespmem:$0x1268] =	vst v0  }
0x191: {  	[tilespmem:$0x1258] =	vst v0  }
0x192: {  	[tilespmem:$0x1248] =	vst v0  }
0x193: {  	[tilespmem:$0x1238] =	vst v0  }
0x194: {  	[tilespmem:$0x1228] =	vst v0  }
0x195: {  	[tilespmem:$0x1218] =	vst v0  }
0x196: {  	[tilespmem:$0x1208] =	vst v0  }
0x197: {  	[tilespmem:$0x11F8] =	vst v0  }
0x198: {  	[tilespmem:$0x11E8] =	vst v0  }
0x199: {  	[tilespmem:$0x11D8] =	vst v0  }
0x19a: {  	[tilespmem:$0x11C8] =	vst v0  }
0x19b: {  	[tilespmem:$0x11B8] =	vst v0  }
0x19c: {  	[tilespmem:$0x11A8] =	vst v0  }
0x19d: {  	[tilespmem:$0x1198] =	vst v0  }
0x19e: {  	[tilespmem:$0x1188] =	vst v0  }
0x19f: {  	[tilespmem:$0x1178] =	vst v0  }
0x1a0: {  	[tilespmem:$0x1168] =	vst v0  }
0x1a1: {  	[tilespmem:$0x1158] =	vst v0  }
0x1a2: {  	[tilespmem:$0x1148] =	vst v0  }
0x1a3: {  	[tilespmem:$0x1138] =	vst v0  }
0x1a4: {  	[tilespmem:$0x1128] =	vst v0  }
0x1a5: {  	[tilespmem:$0x1118] =	vst v0  }
0x1a6: {  	s2 =	stileid.u32;
	[tilespmem:$0x1108] =	vst v0  }
0x1a7: {  	s0 =	smul.u32 $0x2F, s2;
	[tilespmem:$0x10F8] =	vst v0  }
0x1a8: {  	s3 =	smin.u32 s2, $0xC;
	[tilespmem:$0x10E8] =	vst v0  }
0x1a9: {  	[tilespmem:$0x10B8] =	vst v0;
	s0 =	sadd.s32 s3, s0  }
0x1aa: {  	s4 =	simm.s32 $0x5100;
	p0 =	slt.u32 s2, $0xC;
	[tilespmem:$0x10C8] =	vst v0;
	s3 =	smul.u32 $0x1B0, s0  }
0x1ab: {  	s4 =	simm.s32 @!p0 $0x4F50;
	[tilespmem:$0x10A8] =	vst v0  }
0x1ac: {  	[tilespmem:$0x1038] =	vst v0;
	s0 =	sadd.s32 s4, s3  }
0x1ad: {  	[tilespmem:$0x1098] =	vst v0;
	s4 =	smin.u32 s0, $0x50910  }
0x1ae: {  	[tilespmem:$0x1088] =	vst v0;
	s0 =	ssub.s32 s4, s3  }
0x1af: {  	s5 =	simm.s32 $0x2;
	[tilespmem:$0x1078] =	vst v0;
	p0 =	sgt.s32 s0, $0x0  }
0x1b0: {  	s29 =	simm.s32 $0x7;
	s13 =	simm.s32 $0x8;
	[tilespmem:$0x1068] =	vst v0;
	s0 =	simm.s32 @!p0 $0x0  }
0x1b1: {  	s30 =	simm.s32 $0x9;
	p4 =	por $0x0, $0x0;
	[tilespmem:$0x1058] =	vst v0;
	s6 =	smulhi.u32 $0x4BDA12F7, s0  }
0x1b2: {  	s14 =	simm.s32 $0xA;
	s18 =	simm.s32 $0x0;
	s15 =	simm.s32 $0x0;
	[tilespmem:$0x1048] =	vst v0  }
0x1b3: {  	s17 =	simm.s32 $0x0;
	s7 =	sadd.s32 $0x10CA800, s8;
	[tilespmem:$0x1028] =	vst v0;
	s12 =	sshrl.u32 s6, $0x7  }
0x1b4: {  	s31 =	sshll.u32 s2, $0x5;
	[tilespmem:$0x1018] =	vst v0;
	[sflag:s5] =	ssyncpa.u1 $0x0;
	v0 =	vimm.s32 $0xFFFFFFFF;
	s10 =	smul.u32 $0x1B0, s12  }
.Ltmp0:
0x1b5: {  	s5 =	sadd.s32 $0x10C0600, s8;
	[tilespmem:$0x3648] =	vst v0;
	[sflag:s29] =	ssyncpa.u1 $0x0;
	(pc) =	sbr.rel .LBB2_1-.Ltmp0, $4  }
0x1b6: {  	[dreg:$0x3] =	wrdreg s31;
	[sflag:s13] =	ssyncpa.u1 $0x0;
	p0 =	sne.s32 s0, s10  }
0x1b7: {  	s13 =	simm.s32 $0x0;
	[sflag:s30] =	ssyncpa.u1 $0x0;
	s11 =	simm.s32 @!p0 $0x0  }
0x1b8: {  	s16 =	smov.u32 s3;
	[dreg:$0x4] =	wrdreg s3;
	s11 =	sadd.s32 s11, s12  }
0x1b9: {  	v0 =	vlaneseq.u32;
	s6 =	sadd.s32 $0x10B6400, s8;
	p0 =	por $0x1, $0x1;
	s8 =	sadd.s32 $0x1, s11  }
.LBB2_18:
0x1ba: {  	s0 =	simm.s32 $0x2  }
0x1bb: {  	_ =	swait.ge [sflag:s0], $0x0  }
0x1bc: {  	[sflag:s0] =	ssyncset.done $0x0;
	s0 =	simm.s32 $0x0  }
.LBB2_19:
0x1bd: {  	_ =	swait.ge [sflag:s14], s0  }
0x1be: {  	s31 =	ssub.s32 $0x0, s0;
	v1 =	vmov s20;
	vm0 =	veq.s32 v0, $0x0;
	[sflag:s14] =	ssyncset.done $0x0  }
0x1bf: {  	vm15 =	veq.s32 v0, $0x2;
	v1 =	vsel vm0, s24, v1;
	[sflag:s14] =	ssyncadd.s32 s31  }
0x1c0: {  	v1 =	vsel vm15, s18, v1;
	[sflag:s14] =	ssyncpa.u1 $0x1  }
0x1c1: {  	[tilespmem:$0x3648] =	vst v1  }
.LBB2_20:
0x1c2: {  	s0 =	sadd.s32 $0x1B0, s16  }
0x1c3: {  	s2 =	smov.u32 s3;
	p1 =	slt.s32 s0, s4  }
0x1c4: {  	s2 =	smov.u32 @p1 s0;
	p1 =	sne.s32 s17, s8  }
.Ltmp1:
0x1c5: {  	_ = 	snop;
	(pc) =	sbr.rel @!p1 .LBB2_21-.Ltmp1, $4  }
0x1c6: {  	_ = 	snop  }
0x1c7: {  	s18 =	smov.u32 s15  }
0x1c8: {  	s31 =	sadd.s32 $0x1, s17;
	s15 =	smov.u32 s16;
	p0 =	por !p0, !p0  }
0x1c9: {  	p4 =	por !p4, !p4;
	s17 =	smov.u32 s31;
	s16 =	smov.u32 s2  }
.LBB2_1:
0x1ca: {  	p2 =	sge.u32 s17, s11  }
0x1cb: {  	s0 =	smulhi.u32 @!p2 $0xAAAAAAAB, s17  }
0x1cc: {  	s19 =	smov.u32 s16;
	p3 =	sgt.s32 @!p2 s16, $0x50760  }
0x1cd: {  	s20 =	sshra.s32 @!p2 s16, $0x1F;
	p3 =	por !p3, p2;
	s0 =	sshrl.u32 @!p2 s0, $0x1  }
0x1ce: {  	s20 =	sand.u32 @!p2 s20, s16;
	s19 =	simm.s32 @p3 $0x50760;
	s0 =	smul.u32 @!p2 $0x3, s0  }
0x1cf: {  	s19 =	ssub.s32 @!p2 s19, s20  }
0x1d0: {  	s19 =	sadd.s32 @!p2 $0xFFFAF8A0, s19;
	s0 =	ssub.s32 @!p2 s17, s0  }
0x1d1: {  	s20 =	sshll.u32 @!p2 s19, $0x2;
	p3 =	sgt.s32 @!p2 s19, $0x1AF;
	s0 =	smul.u32 @!p2 $0x6C0, s0  }
0x1d2: {  	s21 =	sand.u32 @!p2 $0x7, s16;
	s19 =	ssub.s32 @!p2 $0x6C0, s20;
	p3 =	por !p3, p2  }
0x1d3: {  	s20 =	sshrl.u32 @!p2 s16, $0x3;
	s19 =	sshrl.u32 @!p2 s19, $0x2;
	s0 =	sshrl.u32 @!p2 s0, $0x2  }
0x1d4: {  	s20 =	sadd.s32 @!p2 s5, s20;
	s19 =	simm.s32 @!p3 $0x0;
	s0 =	sadd.s32 @!p2 $0x3878, s0  }
0x1d5: {  	[tilespmem:s0], [sflag:$0x8] =	stream.linear.gather @!p2 [hbm4b:s20+s21], s19, $0x38;
	[tilespmem:$0x1F0E8] =	vst v63  }
0x1d6: {  	s20 =	sadd.s32 $0xFFFFFFFF, s17  }
0x1d7: {  	p2 =	sge.u32 s20, s11  }
0x1d8: {  	p3 =	sgt.s32 @!p2 s15, $0x50760  }
0x1d9: {  	s0 =	smov.u32 s15;
	s19 =	sshra.s32 @!p2 s15, $0x1F;
	p3 =	por !p3, p2  }
0x1da: {  	s19 =	sand.u32 @!p2 s19, s15;
	s0 =	simm.s32 @p3 $0x50760  }
0x1db: {  	s0 =	ssub.s32 @!p2 s0, s19  }
0x1dc: {  	s0 =	sadd.s32 @!p2 $0xFFFAF8A0, s0  }
0x1dd: {  	s19 =	sshll.u32 @!p2 s0, $0x2  }
0x1de: {  	p3 =	sgt.s32 @!p2 s0, $0x1AF;
	s0 =	ssub.s32 @!p2 $0x6C0, s19  }
0x1df: {  	p3 =	por !p3, p2;
	s0 =	sshrl.u32 @!p2 s0, $0x2  }
0x1e0: {  	s21 =	simm.s32 @!p2 $0x8;
	s19 =	sand.u32 @!p2 $0x1, s20;
	s0 =	simm.s32 @!p3 $0x0  }
0x1e1: {  	s19 =	smul.u32 @!p2 $0x6C0, s19;
	_ =	swait.ge @!p2 [sflag:s21], s0  }
0x1e2: {  	s22 =	ssub.s32 @!p2 $0x0, s0;
	[sflag:s21] =	ssyncset.done @!p2 $0x0  }
0x1e3: {  	s19 =	sshrl.u32 @!p2 s19, $0x2;
	[sflag:s21] =	ssyncadd.s32 @!p2 s22;
	s21 =	sshrl.u32 @!p2 s15, $0x3  }
0x1e4: {  	s19 =	sadd.s32 @!p2 $0x3D88, s19;
	s22 =	sand.u32 @!p2 $0x7, s15;
	s21 =	sadd.s32 @!p2 s6, s21  }
0x1e5: {  	[tilespmem:s19], [sflag:$0x9] =	stream.linear.gather @!p2 [hbm4b:s21+s22], s0, $0x38;
	[tilespmem:$0x1F0E8] =	vst v63  }
0x1e6: {  	s19 =	ssub.s32 @!p2 $0x50910, s15  }
0x1e7: {  	p3 =	slt.s32 @!p2 s19, $0x1  }
0x1e8: {  	p3 =	por p2, p3  }
.Ltmp2:
0x1e9: {  	_ = 	snop;
	(pc) =	sbr.rel @p3 .LBB2_7-.Ltmp2, $1  }
0x1ea: {  	_ =	sdelay $0x3  }
0x1eb: {  	s0 =	smulhi.u32 $0xAAAAAAAB, s20;
	_ =	sdelay $0x1  }
0x1ec: {  	s0 =	sshrl.u32 s0, $0x1  }
0x1ed: {  	s0 =	smul.u32 $0x3, s0;
	_ =	sdelay $0x1  }
0x1ee: {  	s0 =	ssub.s32 s20, s0  }
0x1ef: {  	s21 =	simm.s32 $0x1;
	s0 =	smul.u32 $0x6C0, s0  }
.Ltmp3:
0x1f0: {  	s21 =	simm.s32 @!p0 $0x0;
	(pc) =	sbr.rel .LBB2_4-.Ltmp3, $4  }
0x1f1: {  	s31 =	smul.u32 $0x36000, s21  }
0x1f2: {  	p3 =	slt.s32 @!p2 s19, $0x1B0;
	s0 =	sshrl.u32 s0, $0x2  }
0x1f3: {  	p2 =	por !p3, p2;
	s20 =	sshrl.u32 s31, $0x2;
	s0 =	sadd.s32 $0x3878, s0  }
0x1f4: {  	s19 =	simm.s32 @p2 $0x1B0;
	s21 =	simm.s32 $0x0;
	s20 =	sadd.s32 $0x40E8, s20;
	v1 =	vmov s0  }
.LBB2_3:
0x1f5: {  	p2 =	sge.s32 s21, s19  }
.Ltmp4:
0x1f6: {  	_ = 	snop;
	(pc) =	sbr.rel @p2 .LBB2_7-.Ltmp4, $2  }
0x1f7: {  	_ =	sdelay $0x2  }
0x1f8: {  	s20 =	sadd.s32 $0x800, s20  }
.LBB2_4:
0x1f9: {  	p2 =	sle.s32 s19, s21  }
.Ltmp5:
0x1fa: {  	_ = 	snop;
	(pc) =	sbr.rel @p2 .LBB2_3-.Ltmp5, $2  }
0x1fb: {  	_ =	sdelay $0x2  }
0x1fc: {  	s22 =	smov.u32 s21;
	s21 =	sadd.s32 $0x10, s21  }
0x1fd: {  	s0 =	ssub.s32 s19, s22  }
0x1fe: {  	p2 =	slt.s32 s0, $0x10  }
0x1ff: {  	s0 =	simm.s32 @!p2 $0x10  }
0x200: {  	v2 =	vmov s0  }
0x201: {  	vm0 =	vgt.s32 v2, v0;
	_ =	sdelay $0x5  }
0x202: {  	v2 =	vld.idx.msk [tilespmem:v1+s22+$0x0 ss:$0x1], vm0;
	_ =	sdelay $0x2  }
0x203: {  	s23 =	smov.u32 s19;
	p2 =	slt.s32 s21, s19  }
0x204: {  	s24 =	smov.u32 s20;
	s25 =	simm.s32 $0x0;
	s23 =	smov.u32 @p2 s21  }
.LBB2_6:
0x205: {  	(v2sf) =	vpush v2, s25;
	_ =	sdelay $0xc  }
0x206: {  	s25 =	sadd.s32 $0x1, s25  }
0x207: {  	s31 =	sadd.s32 s25, s22  }
0x208: {  	p2 =	slt.s32 s31, s23;
	s0 =	spop (v2sf)  }
.Ltmp6:
0x209: {  	s0 =	sshll.u32 s0, $0x4;
	(pc) =	sbr.rel @p2 .LBB2_6-.Ltmp6, $4  }
0x20a: {  	s0 =	sand.u32 $0x1FFFFFF0, s0  }
0x20b: {  	s0 =	sadd.s32 s7, s0  }
0x20c: {  	[tilespmem:s24], [sflag:$0x7] =	stream.linear.gather [hbm4b:s0+s13], $0x2, $0x38;
	[tilespmem:$0x1F0E8] =	vst v63  }
0x20d: {  	s24 =	sadd.s32 $0x80, s24  }
.Ltmp7:
0x20e: {  	_ = 	snop;
	(pc) =	sbr.rel .LBB2_3-.Ltmp7, $1  }
0x20f: {  	_ =	sdelay $0x3  }
.LBB2_7:
0x210: {  	p2 =	slt.u32 s17, $0x2  }
.Ltmp8:
0x211: {  	_ = 	snop;
	(pc) =	sbr.rel @p2 .LBB2_20-.Ltmp8, $1  }
0x212: {  	_ =	sdelay $0x3  }
0x213: {  	p2 =	sgt.s32 s18, $0x50760;
	s0 =	smov.u32 s18  }
0x214: {  	s19 =	sshra.s32 s18, $0x1F;
	s20 =	ssub.s32 $0x50910, s18;
	s0 =	simm.s32 @!p2 $0x50760  }
0x215: {  	s19 =	sand.u32 s19, s18;
	p2 =	slt.s32 s20, $0x1B0;
	s21 =	smov.u32 s20  }
0x216: {  	s0 =	ssub.s32 s0, s19;
	s21 =	simm.s32 @!p2 $0x1B0  }
0x217: {  	s0 =	sadd.s32 $0xFFFAF8A0, s0;
	s26 =	sshll.u32 s21, $0x1  }
0x218: {  	s2 =	simm.s32 $0x7;
	s28 =	sshll.u32 s0, $0x2;
	s19 =	sand.u32 $0x3FFFFFFE, s26  }
0x219: {  	p2 =	sgt.s32 s0, $0x1AF;
	s29 =	ssub.s32 $0x6C0, s28;
	_ =	swait.ge [sflag:s2], s19  }
0x21a: {  	s19 =	ssub.s32 $0x0, s19;
	[sflag:s2] =	ssyncset.done $0x0;
	s0 =	sshrl.u32 s29, $0x2  }
0x21b: {  	s30 =	simm.s32 $0x9;
	[sflag:s2] =	ssyncadd.s32 s19;
	s0 =	simm.s32 @p2 $0x0  }
0x21c: {  	_ =	swait.ge [sflag:s30], s0  }
0x21d: {  	s0 =	ssub.s32 $0x0, s0;
	[sflag:s30] =	ssyncset.done $0x0  }
0x21e: {  	[sflag:s30] =	ssyncadd.s32 s0  }
0x21f: {  	v1 =	vld [tilespmem:$0x3648];
	_ =	sdelay $0x4  }
0x220: {  	(v2sf) =	vpush v1, $0x0  }
0x221: {  	(v2sf) =	vpush v1, $0x1  }
0x222: {  	(v2sf) =	vpush v1, $0x2;
	_ =	sdelay $0x3  }
0x223: {  	s0 =	sadd.s32 $0x1B0, s18  }
0x224: {  	p2 =	slt.s32 s4, s0  }
0x225: {  	s0 =	smov.u32 @p2 s4;
	p2 =	sgt.s32 s20, $0x0  }
0x226: {  	s22 =	ssub.s32 s0, s18;
	s20 =	simm.s32 @!p2 $0x0  }
0x227: {  	p2 =	slt.s32 s20, s22  }
0x228: {  	s22 =	smov.u32 @p2 s20  }
0x229: {  	s21 =	simm.s32 $0x1;
	p2 =	slt.s32 s22, $0x1  }
.Ltmp9:
0x22a: {  	s21 =	simm.s32 @!p4 $0x0;
	(pc) =	sbr.rel @p2 .LBB2_12-.Ltmp9, $4  }
0x22b: {  	s31 =	smul.u32 $0x6C0, s21  }
0x22c: {  	s23 =	spop (v2sf)  }
0x22d: {  	s0 =	sshrl.u32 s31, $0x2;
	s25 =	spop (v2sf)  }
0x22e: {  	s19 =	sadd.s32 $0x3D88, s0;
	s18 =	spop (v2sf)  }
0x22f: {  	s0 =	smin.u32 s22, $0x10  }
0x230: {  	v1 =	vmov s0  }
0x231: {  	p3 =	sgt.s32 s22, $0x10;
	vm1 =	vgt.u32 v1, v0  }
.Ltmp10:
0x232: {  	_ = 	snop;
	(pc) =	sbr.rel @!p3 .LBB2_11-.Ltmp10, $2  }
0x233: {  	_ =	sdelay $0x2  }
0x234: {  	s24 =	simm.s32 $0x10;
	s26 =	sadd.s32 $0xFFFFFFF0, s22;
	s20 =	smov.u32 s19;
	vm0 =	vmmov vm1  }
.LBB2_10:
0x235: {  	s0 =	smin.u32 s26, $0x10;
	s24 =	sadd.s32 $0x10, s24;
	v1 =	vld.msk [tilespmem:s20+$0x0 ss:$0x1], vm1  }
0x236: {  	v2 =	vmov s0;
	p3 =	slt.s32 s24, s22  }
0x237: {  	vm1 =	vgt.u32 v2, v0  }
.Ltmp11:
0x238: {  	(pc) =	sbr.rel @p3 .LBB2_10-.Ltmp11, $3  }
0x239: {  	_ =	sdelay $0x1  }
0x23a: {  	v1 =	vshll.u32 v1, $0x4  }
0x23b: {  	s26 =	sadd.s32 $0xFFFFFFF0, s26;
	[tilespmem:s20+$0x0] =	vst.msk vm0, v1;
	s20 =	sadd.s32 $0x10, s20;
	vm0 =	vmmov vm1  }
.LBB2_11:
0x23c: {  	_ =	sdelay $0x4  }
0x23d: {  	v1 =	vld.msk [tilespmem:s20+$0x0 ss:$0x1], vm1;
	_ =	sdelay $0x4  }
0x23e: {  	v1 =	vshll.u32 v1, $0x4  }
0x23f: {  	[tilespmem:s20+$0x0] =	vst.msk vm0, v1  }
.LBB2_12:
0x240: {  	s0 =	sand.u32 $0x1, s17  }
0x241: {  	s0 =	smul.u32 $0x1B0, s0  }
0x242: {  	p3 =	sne.s32 s25, $0xFFFFFFFF  }
0x243: {  	v1 =	vld.msk @!p3 [tilespmem:s0+$0x3D88], $0x1;
	_ =	sdelay $0x4  }
0x244: {  	(v2sf) =	vpush @!p3 v1, $0x0;
	_ =	sdelay $0xc  }
.Ltmp12:
0x245: {  	_ = 	snop;
	(pc) =	sbr.rel @p2 .LBB2_18-.Ltmp12, $4  }
0x246: {  	_ = 	snop  }
0x247: {  	s24 =	spop @!p3 (v2sf)  }
0x248: {  	s18 =	simm.s32 @!p3 $0x0;
	s20 =	smov.u32 s24  }
0x249: {  	[sflag:s14] =	ssyncpa.u1 $0x0;
	s24 =	smov.u32 @p3 s23;
	s20 =	smov.u32 @p3 s25  }
0x24a: {  	v1 =	vld.msk [tilespmem:s19+$0x0], $0x1;
	_ =	sdelay $0x4  }
0x24b: {  	(v2sf) =	vpush v1, $0x0;
	_ =	sdelay $0xd  }
0x24c: {  	s0 =	simm.s32 @!p4 $0x0  }
0x24d: {  	s26 =	smul.u32 $0x36000, s21;
	s25 =	ssub.s32 $0x0, s22;
	s28 =	spop (v2sf)  }
0x24e: {  	s0 =	simm.s32 @p4 $0x1;
	s23 =	sadd.s32 $0x1, s25;
	p2 =	seq.s32 s24, s28  }
0x24f: {  	[smem:$0x7FD] =	sst s0;
	s0 =	sshrl.u32 s26, $0x2;
	p3 =	sgt.s32 @!p2 s24, $0x0  }
0x250: {  	s21 =	sadd.s32 $0x40E8, s0;
	s0 =	smov.u32 s24;
	p3 =	por !p3, p2  }
0x251: {  	s0 =	simm.s32 @p3 $0x0;
	p3 =	seq.s32 s23, $0x0  }
.Ltmp13:
0x252: {  	_ = 	snop;
	(pc) =	sbr.rel @p3 .LBB2_15-.Ltmp13, $4  }
0x253: {  	s3 =	smov.u32 s8;
	s12 =	smov.u32 s5;
	s8 =	smov.u32 s6  }
0x254: {  	s22 =	simm.s32 $0x0;
	s29 =	simm.s32 @!p2 $0x1;
	s0 =	smin.u32 @!p2 s0, $0x270FF  }
0x255: {  	s30 =	simm.s32 @!p2 $0x1B38;
	s29 =	smov.u32 @p2 s22;
	s26 =	sand.u32 @!p2 $0x3FFF8, s0  }
0x256: {  	s31 =	sand.u32 @!p2 $0x7, s0;
	s0 =	sadd.s32 @!p2 s1, s26;
	s26 =	sadd.s32 $0x1, s19  }
.LBB2_14:
0x257: {  	s2 =	smov.u32 s29  }
0x258: {  	[tilespmem:s30], [sflag:$0x2] =	stream.linear.gather @!p2 [hbm4b:s0+s31], $0x2, $0x38;
	[tilespmem:$0x1F0E8] =	vst v63  }
0x259: {  	s23 =	sadd.s32 $0x1, s23;
	s0 =	smov.u32 s28;
	v1 =	vld.msk [tilespmem:s26+$0x0], $0x1  }
0x25a: {  	p3 =	seq.s32 s23, $0x0;
	_ =	sdelay $0x3  }
0x25b: {  	(v2sf) =	vpush v1, $0x0;
	_ =	sdelay $0xe  }
0x25c: {  	s28 =	spop (v2sf)  }
0x25d: {  	p2 =	seq.s32 s0, s28  }
0x25e: {  	p4 =	sgt.s32 @!p2 s0, $0x0;
	s30 =	sshll.u32 @!p2 s29, $0x6;
	s29 =	sadd.s32 @!p2 $0x1, s29  }
.Ltmp14:
0x25f: {  	p4 =	por !p4, p2;
	s30 =	sshra.s32 @!p2 s30, $0x2;
	(pc) =	sbr.rel @!p3 .LBB2_14-.Ltmp14, $4  }
0x260: {  	s29 =	smov.u32 @p2 s2;
	s0 =	simm.s32 @p4 $0x0;
	s30 =	sadd.s32 @!p2 $0x1B38, s30  }
0x261: {  	s0 =	smin.u32 @!p2 s0, $0x270FF  }
0x262: {  	s2 =	sand.u32 @!p2 $0x3FFF8, s0;
	s31 =	sand.u32 @!p2 $0x7, s0  }
0x263: {  	s26 =	sadd.s32 $0x1, s26;
	s0 =	sadd.s32 @!p2 s1, s2  }
.LBB2_15:
0x264: {  	[tilespmem:s30], [sflag:$0x2] =	stream.linear.gather @!p2 [hbm4b:s0+s31], $0x2, $0x38;
	[tilespmem:$0x1F0E8] =	vst v63  }
0x265: {  	s31 =	sshll.u32 s29, $0x1  }
0x266: {  	s2 =	simm.s32 $0x2;
	s0 =	sand.u32 $0x3FFFFFFE, s31  }
0x267: {  	_ =	swait.ge [sflag:s2], s0  }
0x268: {  	s0 =	ssub.s32 $0x0, s0;
	[sflag:s2] =	ssyncset.done $0x0  }
0x269: {  	[sflag:s2] =	ssyncadd.s32 s0  }
0x26a: {  	v1 =	vld.msk [tilespmem:s19+$0x0], $0x1;
	_ =	sdelay $0x4  }
0x26b: {  	(v2sf) =	vpush v1, $0x0;
	_ =	sdelay $0xe  }
0x26c: {  	s23 =	spop (v2sf)  }
0x26d: {  	p2 =	sne.s32 s24, s23  }
0x26e: {  	p4 =	sne.s32 @p2 s24, s20  }
0x26f: {  	p3 =	por !p4, !p2  }
0x270: {  	s0 =	simm.s32 @!p3 $0x0  }
0x271: {  	v1 =	vld.msk @!p3 [tilespmem:s0+$0x1B38], $0x3  }
0x272: {  	p5 =	sgt.u32 @!p3 s24, $0x270FF  }
0x273: {  	s2 =	sshll.u32 @!p3 s18, $0x6;
	p6 =	por @p2 p5, !p4  }
0x274: {  	s2 =	sshra.s32 @!p3 s2, $0x2;
	p1 =	por p6, !p2;
	p6 =	por p4, !p2  }
0x275: {  	s26 =	sadd.s32 @!p3 $0x28, s2;
	s28 =	sand.u32 @!p1 $0x3FFF8, s24;
	s29 =	sshll.u32 @!p6 s18, $0x6  }
0x276: {  	s24 =	sand.u32 @!p1 $0x7, s24;
	[tilespmem:s2+$0x28] =	vst.add.f32.msk @!p3 $0x3, v1;
	s2 =	sadd.s32 @!p1 s1, s28;
	s28 =	sshra.s32 @!p6 s29, $0x2  }
0x277: {  	[hbm4b:s2+s24] =	stream.linear.scatter @!p1 [tilespmem:s26], [sflag:$0xA], $0x2, $0x38;
	[tilespmem:$0x1F0E8] =	vst v63  }
0x278: {  	s0 =	rddreg [dreg:$0x3];
	s2 =	sadd.s32 @!p6 $0x28, s28;
	s24 =	simm.s32 @!p6 $0x1  }
0x279: {  	[spmem:s0] =	stream.linear.scatter @!p6 [tilespmem:s2], [sflag:$0x1], $0x2, $0x38;
	[tilespmem:$0x1F0E8] =	vst v63  }
0x27a: {  	s0 =	sadd.s32 @p2 $0x1, s18;
	_ =	swait.ge @!p6 [sflag:s24], $0x2  }
0x27b: {  	s2 =	sshrl.u32 @p2 s0, $0x4;
	[sflag:s24] =	ssyncset.done @!p6 $0x0  }
0x27c: {  	s2 =	smulhi.u32 @p2 $0x97B425F, s2;
	[sflag:s24] =	ssyncadd.s32 @!p6 $0xFFFFFFFE  }
0x27d: {  	s24 =	sadd.s32 $0x1, s25;
	v1 =	vld.msk @p2 [tilespmem:s21+$0x0], $0x3  }
0x27e: {  	p1 =	por @p2 !p5, !p4;
	s2 =	smul.u32 @p2 $0x1B0, s2;
	p4 =	seq.s32 s24, $0x0  }
.Ltmp15:
0x27f: {  	p1 =	por !p1, !p2;
	s25 =	simm.s32 @!p3 $0x0;
	(pc) =	sbr.rel @p4 .LBB2_17-.Ltmp15, $4  }
0x280: {  	s26 =	sshll.u32 @!p2 s18, $0x6;
	s25 =	simm.s32 @!p1 $0x8;
	s0 =	ssub.s32 @p2 s0, s2  }
0x281: {  	s26 =	sshra.s32 @!p2 s26, $0x2;
	s28 =	sadd.s32 @!p3 $0x0, s25;
	s29 =	sshll.u32 @p2 s0, $0x4  }
0x282: {  	s25 =	simm.s32 $0x0;
	s2 =	simm.s32 @p2 $0x1;
	s28 =	smov.u32 @p3 s22;
	[tilespmem:s29+$0x28] =	vst.msk @p2 $0x3, v1  }
0x283: {  	s18 =	smov.u32 @p2 s0;
	s25 =	smov.u32 @p2 s28;
	s22 =	smov.u32 @p2 s2;
	v1 =	vld.msk @!p2 [tilespmem:s21+$0x0], $0x3  }
.LBB2_16:
0x284: {  	_ =	sdelay $0x3  }
0x285: {  	s19 =	sadd.s32 $0x1, s19;
	[tilespmem:s26+$0x28] =	vst.add.f32.msk @!p2 $0x3, v1  }
0x286: {  	v1 =	vld.msk [tilespmem:s19+$0x0], $0x1;
	_ =	sdelay $0x4  }
0x287: {  	(v2sf) =	vpush v1, $0x0;
	_ =	sdelay $0xe  }
0x288: {  	s0 =	smov.u32 s23;
	s23 =	spop (v2sf)  }
0x289: {  	p2 =	sne.s32 s0, s23  }
0x28a: {  	p5 =	sne.s32 @p2 s0, s20  }
0x28b: {  	p4 =	por !p5, !p2  }
0x28c: {  	s30 =	sshll.u32 @!p4 s22, $0x6  }
0x28d: {  	s30 =	sshra.s32 @!p4 s30, $0x2  }
0x28e: {  	p1 =	sgt.u32 @!p4 s0, $0x270FF;
	v1 =	vld.msk @!p4 [tilespmem:s30+$0x1B38], $0x3  }
0x28f: {  	s31 =	sshll.u32 @!p4 s18, $0x6;
	p6 =	por @p2 p1, !p5;
	p1 =	por @p2 !p1, !p5  }
0x290: {  	s5 =	simm.s32 @!p4 $0x0;
	s31 =	sshra.s32 @!p4 s31, $0x2;
	p1 =	por !p1, !p2  }
0x291: {  	p5 =	por p5, !p2;
	s5 =	simm.s32 @!p1 $0x8;
	p1 =	por p6, !p2  }
0x292: {  	s30 =	sadd.s32 @!p4 $0x28, s31;
	s6 =	sshll.u32 @!p5 s18, $0x6;
	s10 =	sand.u32 @!p1 $0x3FFF8, s0  }
0x293: {  	s6 =	sshra.s32 @!p5 s6, $0x2;
	s0 =	sand.u32 @!p1 $0x7, s0;
	s10 =	sadd.s32 @!p1 s1, s10;
	[tilespmem:s31+$0x28] =	vst.add.f32.msk @!p4 $0x3, v1  }
0x294: {  	[hbm4b:s10+s0] =	stream.linear.scatter @!p1 [tilespmem:s30], [sflag:$0xA], $0x2, $0x38;
	[tilespmem:$0x1F0E8] =	vst v63  }
0x295: {  	s2 =	rddreg [dreg:$0x3];
	s0 =	sadd.s32 @!p5 $0x28, s6;
	s6 =	simm.s32 @!p5 $0x1  }
0x296: {  	[spmem:s2] =	stream.linear.scatter @!p5 [tilespmem:s0], [sflag:$0x1], $0x2, $0x38;
	[tilespmem:$0x1F0E8] =	vst v63  }
0x297: {  	s28 =	sadd.s32 @p2 $0x1, s18;
	_ =	swait.ge @!p5 [sflag:s6], $0x2  }
0x298: {  	s29 =	sshrl.u32 @p2 s28, $0x4;
	[sflag:s6] =	ssyncset.done @!p5 $0x0  }
0x299: {  	s21 =	sadd.s32 $0x80, s21;
	s29 =	smulhi.u32 @p2 $0x97B425F, s29;
	[sflag:s6] =	ssyncadd.s32 @!p5 $0xFFFFFFFE  }
0x29a: {  	s24 =	sadd.s32 $0x1, s24;
	v1 =	vld.msk @p2 [tilespmem:s21+$0x0], $0x3  }
0x29b: {  	p3 =	seq.s32 s24, $0x0;
	s29 =	smul.u32 @p2 $0x1B0, s29  }
.Ltmp16:
0x29c: {  	_ = 	snop;
	(pc) =	sbr.rel @!p3 .LBB2_16-.Ltmp16, $4  }
0x29d: {  	s28 =	ssub.s32 @p2 s28, s29  }
0x29e: {  	s26 =	sshll.u32 @!p2 s18, $0x6;
	s5 =	sadd.s32 @!p4 s5, s25;
	s10 =	sshll.u32 @p2 s28, $0x4  }
0x29f: {  	s9 =	sadd.s32 @p2 $0x1, s22;
	s26 =	sshra.s32 @!p2 s26, $0x2;
	s5 =	smov.u32 @p4 s25;
	[tilespmem:s10+$0x28] =	vst.msk @p2 $0x3, v1  }
0x2a0: {  	s22 =	smov.u32 @p2 s9;
	s18 =	smov.u32 @p2 s28;
	s25 =	smov.u32 @p2 s5;
	v1 =	vld.msk @!p2 [tilespmem:s21+$0x0], $0x3  }
.LBB2_17:
.Ltmp17:
0x2a1: {  	_ = 	snop;
	(pc) =	sbr.rel .LBB2_19-.Ltmp17, $4  }
0x2a2: {  	s2 =	sld [smem:$0x7FD]  }
0x2a3: {  	s0 =	sshrl.u32 s25, $0x2  }
0x2a4: {  	s24 =	smov.u32 s23;
	s6 =	smov.u32 s8;
	s5 =	smov.u32 s12  }
0x2a5: {  	s8 =	smov.u32 s3;
	s3 =	rddreg [dreg:$0x4];
	p4 =	seq.s32 s2, $0x1;
	[tilespmem:s26+$0x28] =	vst.add.f32.msk @!p2 $0x3, v1  }
.LBB2_21:
0x2a6: {  	_ =	sfence.sel $0x180000  }
0x2a7: {  	s0 =	simm.s32 $0x7;
	[bflag:$0x0] =	sbarrier.arrive $0xFFFF  }
0x2a8: {  	s25 =	simm.s32 $0x8;
	[sflag:s0] =	ssyncpa.u1 $0x1  }
0x2a9: {  	s26 =	simm.s32 $0x9;
	[sflag:s25] =	ssyncpa.u1 $0x1  }
0x2aa: {  	s28 =	simm.s32 $0x2;
	[sflag:s26] =	ssyncpa.u1 $0x1  }
0x2ab: {  	[sflag:s28] =	ssyncpa.u1 $0x1  }
0x2ac: {  	v0 =	vld [tilespmem:$0x3648];
	_ =	sdelay $0x4  }
0x2ad: {  	(v2sf) =	vpush v0, $0x0  }
0x2ae: {  	(v2sf) =	vpush v0, $0x1;
	_ =	sdelay $0x1  }
0x2af: {  	(v2sf) =	vpush v0, $0x2;
	_ =	sdelay $0xb  }
0x2b0: {  	s0 =	spop (v2sf)  }
0x2b1: {  	s2 =	spop (v2sf)  }
0x2b2: {  	s3 =	smov.u32 s0;
	p0 =	sne.s32 s0, s2  }
0x2b3: {  	s4 =	spop (v2sf);
	s3 =	simm.s32 @!p0 $0xFFFFFFFF  }
0x2b4: {  	v2 =	vimm.s32 $0x1;
	v3 =	vlaneseq.u32;
	p0 =	seq.s32 s4, $0xFFFFFFFF;
	v1 =	vmov s3  }
0x2b5: {  	s7 =	stileid.u32;
	v0 =	vperm.xlane v0, v2;
	p1 =	sne.s32 @!p0 s0, s2;
	v1 =	vperm.xlane v1, v3  }
0x2b6: {  	vm0 =	vcmask $0x3F04;
	s6 =	simm.s32 $0x3648;
	s0 =	simm.s32 @!p0 $0x1;
	p1 =	por !p1, p0  }
0x2b7: {  	s3 =	sshll.u32 s7, $0x1;
	s2 =	sshll.u32 @!p0 s4, $0x6;
	s0 =	simm.s32 @p1 $0x0;
	v0 =	vsel vm0, v1, v0  }
0x2b8: {  	s5 =	sor.u32 $0x200, s3;
	s2 =	sshra.s32 @!p0 s2, $0x2;
	s0 =	sor.u32 @!p0 s0, s3;
	[tilespmem:$0x3648] =	vst v0  }
0x2b9: {  	[spmem:s5] =	stream.linear.scatter [tilespmem:s6], [sflag:$0x1], $0x2, $0x38;
	[tilespmem:$0x1F0E8] =	vst v63  }
0x2ba: {  	s2 =	sadd.s32 @!p0 $0x28, s2;
	s0 =	sshll.u32 @!p0 s0, $0x4  }
0x2bb: {  	[spmem:s0] =	stream.linear.scatter @!p0 [tilespmem:s2], [sflag:$0x1], $0x10, $0x38;
	[tilespmem:$0x1F0E8] =	vst v63  }
0x2bc: {  	s0 =	simm.s32 @!p0 $0x12  }
0x2bd: {  	s3 =	simm.s32 $0x1;
	s0 =	simm.s32 @p0 $0x2  }
0x2be: {  	_ =	swait.ge [sflag:s3], s0  }
0x2bf: {  	s0 =	ssub.s32 $0x0, s0;
	[sflag:s3] =	ssyncset.done $0x0  }
0x2c0: {  	[sflag:s3] =	ssyncadd.s32 s0  }
0x2c1: {  	_ =	sfence.stream.spmem  }
0x2c2: {  	s29 =	simm.s32 $0x3;
	[bflag:$0x0] =	sbarrier.arrive $0xFFFF  }
0x2c3: {  	s30 =	simm.s32 $0x4;
	[sflag:s29] =	ssyncpa.u1 $0x1  }
0x2c4: {  	s31 =	simm.s32 $0x3C;
	[sflag:s30] =	ssyncpa.u1 $0x1  }
0x2c5: {  	p0 =	sne.s32 s7, $0x0;
	[sflag:s31] =	ssyncpa.u1 $0x1  }
0x2c6: {  	_ =	sfence @p0  }
0x2c7: {  	[sflag:s3] =	ssyncpa.u1 @p0 $0x1  }
0x2c8: {  	_ =	strace @p0 $0x9000004A  }
0x2c9: {  	[bflag:$0x2] =	sbarrier.arrive @p0 $0xFFFF  }
0x2ca: {  	_ =	shalt @p0  }
.LBB2_22:
0x2cb: {  	_ =	sfence.stream.spmem;
	s0 =	simm.s32 $0x5  }
0x2cc: {  	s2 =	simm.s32 $0x200;
	s3 =	simm.s32 $0x3658;
	[sflag:s0] =	ssyncpa.u1 $0x0  }
0x2cd: {  	[tilespmem:s3], [sflag:$0x5] =	stream.linear.gather [spmem:s2], $0x20, $0x38;
	[tilespmem:$0x1F0E8] =	vst v63  }
0x2ce: {  	s30 =	simm.s32 $0x3678;
	s2 =	simm.s32 $0x0  }
0x2cf: {  	[tilespmem:s30], [sflag:$0x5] =	stream.linear.gather [spmem:s2], $0x200, $0x38;
	[tilespmem:$0x1F0E8] =	vst v63  }
.Ltmp18:
0x2d0: {  	_ = 	snop;
	(pc) =	sbr.rel .LBB2_23-.Ltmp18, $4  }
0x2d1: {  	_ =	swait.ge [sflag:s0], $0x220  }
0x2d2: {  	[sflag:s0] =	ssyncset.done $0x0  }
0x2d3: {  	s31 =	simm.s32 $0x6;
	[sflag:s0] =	ssyncadd.s32 $0xFFFFFDE0  }
0x2d4: {  	s3 =	simm.s32 $0x0;
	[sflag:s31] =	ssyncpa.u1 $0x0  }
.LBB2_28:
0x2d5: {  	p0 =	slt.u32 s4, $0x27100  }
0x2d6: {  	s0 =	sand.u32 @p0 $0x3FFF8, s4  }
0x2d7: {  	s4 =	sand.u32 @p0 $0x7, s4;
	s5 =	simm.s32 @p0 $0x3638;
	s0 =	sadd.s32 @p0 s1, s0  }
0x2d8: {  	[tilespmem:s5], [sflag:$0x6] =	stream.linear.gather @p0 [hbm4b:s0+s4], $0x2, $0x38;
	[tilespmem:$0x1F0E8] =	vst v63  }
0x2d9: {  	s0 =	simm.s32 @p0 $0x6  }
0x2da: {  	_ =	swait.ge @p0 [sflag:s0], $0x2  }
0x2db: {  	[sflag:s0] =	ssyncset.done @p0 $0x0  }
0x2dc: {  	[sflag:s0] =	ssyncadd.s32 @p0 $0xFFFFFFFE  }
0x2dd: {  	v1 =	vld @p0 [tilespmem:$0x3638];
	_ =	sdelay $0x2  }
0x2de: {  	s0 =	sshll.u32 @p0 s3, $0x6  }
0x2df: {  	s5 =	sshll.u32 @!p0 s3, $0x6;
	s4 =	sshrl.u32 @p0 s0, $0x2  }
0x2e0: {  	s5 =	smov.u32 @p0 s0;
	[tilespmem:s4+$0x3678] =	vst.add.f32.msk @p0 $0xffff, v1  }
0x2e1: {  	s0 =	sshrl.u32 s5, $0x2;
	[tilespmem:s2+$0x3658] =	vst.msk $0x1, v0  }
0x2e2: {  	v0 =	vld [tilespmem:s0+$0x3678];
	_ =	sdelay $0x2  }
0x2e3: {  	s31 =	sshll.u32 s2, $0x6  }
0x2e4: {  	s0 =	sshra.s32 s31, $0x2  }
0x2e5: {  	s2 =	sadd.s32 $0x1, s2;
	[tilespmem:s0+$0x3678] =	vst v0  }
.LBB2_30:
0x2e6: {  	s3 =	sadd.s32 $0x1, s3  }
0x2e7: {  	p0 =	sne.s32 s3, $0x20  }
.Ltmp19:
0x2e8: {  	_ = 	snop;
	(pc) =	sbr.rel @!p0 .LBB2_31-.Ltmp19, $1  }
0x2e9: {  	_ =	sdelay $0x3  }
.LBB2_23:
0x2ea: {  	v0 =	vld.msk [tilespmem:s3+$0x3658], $0x1;
	_ =	sdelay $0x4  }
0x2eb: {  	(v2sf) =	vpush v0, $0x0;
	_ =	sdelay $0xe  }
0x2ec: {  	s4 =	spop (v2sf)  }
0x2ed: {  	p0 =	seq.s32 s4, $0xFFFFFFFF  }
.Ltmp20:
0x2ee: {  	_ = 	snop;
	(pc) =	sbr.rel @p0 .LBB2_30-.Ltmp20, $1  }
0x2ef: {  	_ =	sdelay $0x3  }
0x2f0: {  	p0 =	slt.s32 s2, $0x1  }
.Ltmp21:
0x2f1: {  	_ = 	snop;
	(pc) =	sbr.rel @p0 .LBB2_28-.Ltmp21, $1  }
0x2f2: {  	_ =	sdelay $0x3  }
0x2f3: {  	s5 =	simm.s32 $0x3658;
	p0 =	por $0x0, $0x0  }
0x2f4: {  	v1 =	vld.msk @!p0 [tilespmem:s5+$0x0], $0x1;
	_ =	sdelay $0x4  }
0x2f5: {  	(v2sf) =	vpush @!p0 v1, $0x0;
	_ =	sdelay $0xd  }
0x2f6: {  	p2 =	sne.s32 s2, $0x1  }
.Ltmp22:
0x2f7: {  	s0 =	spop @!p0 (v2sf);
	(pc) =	sbr.rel @!p2 .LBB2_27-.Ltmp22, $4  }
0x2f8: {  	p1 =	seq.s32 @!p0 s4, s0  }
0x2f9: {  	s6 =	simm.s32 $0x0;
	p1 =	por !p1, p0  }
0x2fa: {  	s0 =	simm.s32 $0xFFFFFFFF;
	s6 =	simm.s32 @p1 $0xFFFFFFFF  }
0x2fb: {  	s7 =	simm.s32 $0x1;
	s6 =	smov.u32 @p0 s0  }
.LBB2_26:
0x2fc: {  	s0 =	smov.u32 s6;
	p0 =	sne.s32 s6, $0xFFFFFFFF  }
0x2fd: {  	s5 =	sadd.s32 $0x1, s5;
	s6 =	smov.u32 s7;
	s7 =	sadd.s32 $0x1, s7  }
0x2fe: {  	p1 =	sne.s32 s2, s7;
	v1 =	vld.msk @!p0 [tilespmem:s5+$0x0], $0x1;
	_ =	sdelay $0x4  }
0x2ff: {  	(v2sf) =	vpush @!p0 v1, $0x0;
	_ =	sdelay $0xe  }
.Ltmp23:
0x300: {  	s8 =	spop @!p0 (v2sf);
	(pc) =	sbr.rel @p1 .LBB2_26-.Ltmp23, $4  }
0x301: {  	p2 =	seq.s32 @!p0 s4, s8  }
0x302: {  	p2 =	por !p2, p0  }
0x303: {  	s6 =	simm.s32 @p2 $0xFFFFFFFF  }
0x304: {  	s6 =	smov.u32 @p0 s0  }
.LBB2_27:
0x305: {  	p0 =	sne.s32 s6, $0xFFFFFFFF  }
.Ltmp24:
0x306: {  	_ = 	snop;
	(pc) =	sbr.rel @!p0 .LBB2_28-.Ltmp24, $1  }
0x307: {  	_ =	sdelay $0x3  }
0x308: {  	s0 =	sshll.u32 s3, $0x4  }
0x309: {  	s0 =	sand.u32 $0x3FFFFFF0, s0  }
0x30a: {  	v0 =	vld [tilespmem:s0+$0x3678]  }
.Ltmp25:
0x30b: {  	_ = 	snop;
	(pc) =	sbr.rel .LBB2_30-.Ltmp25, $4  }
0x30c: {  	_ = 	snop  }
0x30d: {  	s31 =	sshll.u32 s6, $0x6  }
0x30e: {  	s0 =	sshra.s32 s31, $0x2  }
0x30f: {  	[tilespmem:s0+$0x3678] =	vst.add.f32.msk $0xffff, v0  }
.LBB2_31:
0x310: {  	p0 =	slt.s32 s2, $0x1  }
.Ltmp26:
0x311: {  	_ = 	snop;
	(pc) =	sbr.rel @p0 .LBB2_35-.Ltmp26, $3  }
0x312: {  	_ =	sdelay $0x1  }
0x313: {  	s0 =	simm.s32 $0x6  }
0x314: {  	s3 =	simm.s32 $0x0;
	[sflag:s0] =	ssyncpa.u1 $0x1  }
0x315: {  	s0 =	simm.s32 $0x3658  }
0x316: {  	v0 =	vld.msk [tilespmem:s0+$0x0], $0x1;
	_ =	sdelay $0x4  }
0x317: {  	(v2sf) =	vpush v0, $0x0;
	_ =	sdelay $0xd  }
0x318: {  	s2 =	sadd.s32 $0xFFFFFFFF, s2  }
0x319: {  	p1 =	sne.s32 s2, $0x0;
	s0 =	spop (v2sf)  }
.Ltmp27:
0x31a: {  	p0 =	sgt.u32 s0, $0x270FF;
	(pc) =	sbr.rel @!p1 .LBB2_34-.Ltmp27, $4  }
0x31b: {  	s4 =	simm.s32 $0x3678;
	s5 =	sand.u32 @!p0 $0x3FFF8, s0  }
0x31c: {  	s6 =	simm.s32 $0x0;
	s0 =	sand.u32 @!p0 $0x7, s0;
	s5 =	sadd.s32 @!p0 s1, s5  }
0x31d: {  	[hbm4b:s5+s0] =	stream.linear.scatter @!p0 [tilespmem:s4], [sflag:$0x5], $0x2, $0x38;
	[tilespmem:$0x1F0E8] =	vst v63  }
0x31e: {  	s6 =	simm.s32 @!p0 $0x8;
	s5 =	simm.s32 $0x3659  }
.LBB2_33:
0x31f: {  	v0 =	vld.msk [tilespmem:s5+$0x0], $0x1;
	s2 =	sadd.s32 $0xFFFFFFFF, s2;
	s3 =	sadd.s32 s3, s6  }
0x320: {  	p0 =	sne.s32 s2, $0x0;
	_ =	sdelay $0x3  }
0x321: {  	(v2sf) =	vpush v0, $0x0;
	_ =	sdelay $0xe  }
.Ltmp28:
0x322: {  	s0 =	spop (v2sf);
	(pc) =	sbr.rel @p0 .LBB2_33-.Ltmp28, $4  }
0x323: {  	s6 =	simm.s32 $0x0;
	p1 =	sgt.u32 s0, $0x270FF  }
0x324: {  	s4 =	sadd.s32 $0x10, s4;
	s6 =	simm.s32 @!p1 $0x8;
	s7 =	sand.u32 @!p1 $0x3FFF8, s0  }
0x325: {  	s5 =	sadd.s32 $0x1, s5;
	s0 =	sand.u32 @!p1 $0x7, s0;
	s7 =	sadd.s32 @!p1 s1, s7  }
0x326: {  	[hbm4b:s7+s0] =	stream.linear.scatter @!p1 [tilespmem:s4], [sflag:$0x5], $0x2, $0x38;
	[tilespmem:$0x1F0E8] =	vst v63  }
.LBB2_34:
0x327: {  	s0 =	sadd.s32 s3, s6  }
0x328: {  	s3 =	sshrl.u32 s0, $0x2  }
.LBB2_35:
0x329: {  	s0 =	simm.s32 $0x5  }
0x32a: {  	_ =	swait.ge [sflag:s0], s3  }
0x32b: {  	s1 =	ssub.s32 $0x0, s3;
	[sflag:s0] =	ssyncset.done $0x0  }
0x32c: {  	[sflag:s0] =	ssyncadd.s32 s1  }
0x32d: {  	[sflag:s0] =	ssyncpa.u1 $0x1  }
0x32e: {  	s30 =	simm.s32 $0x1;
	_ =	sfence  }
0x32f: {  	[sflag:s30] =	ssyncpa.u1 $0x1  }
0x330: {  	_ =	strace $0x9000004A  }
0x331: {  	[bflag:$0x2] =	sbarrier.arrive $0xFFFF  }
0x332: {  	s31 =	rddreg [dreg:$0x2]  }
0x333: {  	s0 =	sadd.s32 $0x100000, s31  }
0x334: {  	[sflag:s0] =	ssyncadd.tile.s32 $0x1;
	_ =	shalt  }
.Lfunc_end2:
_tile_overlayer_lowered:
.L_overlay_start_2:
0x335: {  	(tag) =	ssettag $0x2  }
0x336: {  	s0 =	rddreg [dreg:$0x0];
	s2 =	stileid.u32  }
0x337: {  	s1 =	rddreg [dreg:$0x1];
	p0 =	sne.s32 s2, $0x0  }
0x338: {  	s3 =	rddreg [dreg:$0x2];
	[bflag:$0x3] =	sbarrier.arrive $0xFFFF;
	s2 =	simm.s32 @!p0 $0x1C01  }
0x339: {  	[timem:s3], [sflag:s2] =	dma.local @!p0 [hbm:s0], s1  }
0x33a: {  	s0 =	simm.s32 @!p0 $0x1  }
0x33b: {  	_ =	swait.ge @!p0 [sflag:s0], s1  }
0x33c: {  	s1 =	ssub.s32 @!p0 $0x0, s1;
	[sflag:s0] =	ssyncset.done @!p0 $0x0  }
0x33d: {  	[sflag:s0] =	ssyncadd.s32 @!p0 s1  }
0x33e: {  	[bflag:$0x3] =	sbarrier.arrive $0xFFFF  }
0x33f: {  	_ =	shalt  }

// kernel: scatter_offload_async_start
scs
__scs_entry_jumppad:
0x0: {  	(pc) =	sbr.rel $0x88, $3  }
0x1: {  	(tag) =	ssettag $0x0;
	lr =	simm.s32 $0x1  }
0x2: {  	[smem:$0x3F99] =	sst lr;
	_ =	strace $0xD0000000  }
0x3: {  	_ = 	snop  }
0x4: {  	_ = 	snop  }
0x5: {  	_ = 	snop  }
0x6: {  	_ = 	snop  }
0x7: {  	_ = 	snop  }
__scs_overlays_trampoline_lowered:
0x8: {  	[smem:$0x3FA8] =	sst s0  }
0x9: {  	[smem:$0x3FA9] =	sst s1  }
0xa: {  	[smem:$0x3FAA] =	sst s2  }
0xb: {  	[smem:$0x3FAB] =	sst s3  }
0xc: {  	[smem:$0x3FAC] =	sst s4  }
0xd: {  	[smem:$0x3FAD] =	sst s5  }
0xe: {  	[smem:$0x3FAE] =	sst s6  }
0xf: {  	[smem:$0x3FAF] =	sst s7  }
0x10: {  	[smem:$0x3FB0] =	sst s8  }
0x11: {  	[smem:$0x3FB1] =	sst s9;
	s0 =	simm.s32 @!p0 $0x0  }
0x12: {  	s1 =	sld [smem:$0x3F97];
	s0 =	simm.s32 @p0 $0x1  }
0x13: {  	[smem:$0x3FB2] =	sst s0;
	s0 =	simm.s32 @!p1 $0x0  }
0x14: {  	s2 =	sld [smem:$0x3F96];
	s0 =	simm.s32 @p1 $0x1  }
0x15: {  	[smem:$0x3FB3] =	sst s0;
	s0 =	simm.s32 @!p2 $0x0  }
0x16: {  	s3 =	sld [smem:$0x3FDB];
	s0 =	simm.s32 @p2 $0x1  }
0x17: {  	s4 =	simm.s32 $0x1BF5;
	[smem:$0x3FB5] =	sst s0  }
0x18: {  	s0 =	sld [smem:$0x3F98];
	_ =	swait.ge [sflag:s4], $0x0  }
0x19: {  	s7 =	sld [smem:$0x3F99]  }
0x1a: {  	s8 =	sadd.s32 $0xFFFFE003, lr  }
0x1b: {  	s9 =	sadd.s32 $0xFFFFFEF7, lr;
	s5 =	simm.s32 $0xFFFFFFFF;
	p2 =	slt.u32 s8, $0xFFFFF086  }
0x1c: {  	p1 =	slt.u32 s9, $0xF7A;
	s5 =	simm.s32 @!p2 $0x0  }
0x1d: {  	s5 =	simm.s32 @p1 $0x1;
	p0 =	seq.s32 s7, s2  }
0x1e: {  	s7 =	smul.u32 @!p0 $0xF7A, s2;
	p2 =	seq.s32 @!p0 s5, $0x0  }
0x1f: {  	s9 =	smul.u32 $0xF7A, s1;
	s8 =	simm.s32 @!p0 $0x1BF5;
	p2 =	por !p2, p0  }
0x20: {  	[sflag:s8] =	ssyncset.s32 @!p0 $0xFFFFF086;
	s6 =	sadd.s32 @!p0 s3, s7;
	s7 =	simm.s32 @!p0 $0x108  }
0x21: {  	s3 =	sadd.s32 s3, s9;
	s6 =	sadd.s32 @!p0 $0x88, s6;
	s7 =	simm.s32 @p2 $0x1082  }
0x22: {  	[simem:s7], [sflag:s8] =	dma.local @!p0 [hbm:s6], $0xF7A  }
0x23: {  	s9 =	sor.u32 $0xD0000000, s2;
	s6 =	simm.s32 $0x108;
	_ =	swait.ge @!p0 [sflag:s8], $0x0  }
0x24: {  	s3 =	sadd.s32 $0x88, s3;
	s6 =	simm.s32 @!p1 $0x1082;
	[sflag:s4] =	ssyncset.s32 $0xFFFFF086  }
0x25: {  	[simem:s6], [sflag:s4] =	dma.local [hbm:s3], $0xF7A  }
0x26: {  	[smem:$0x3F99] =	sst s1;
	(tag) =	ssettag s2;
	_ =	strace s9  }
0x27: {  	s1 =	sld [smem:$0x3FA9]  }
0x28: {  	s2 =	sld [smem:$0x3FAA]  }
0x29: {  	s4 =	sld [smem:$0x3FAC]  }
0x2a: {  	p0 =	seq.s32 s5, $0x0;
	s5 =	sld [smem:$0x3FAD]  }
0x2b: {  	s6 =	sld [smem:$0x3FAE]  }
0x2c: {  	s7 =	sld [smem:$0x3FAF]  }
0x2d: {  	s3 =	simm.s32 $0x108;
	s8 =	sld [smem:$0x3FB0]  }
0x2e: {  	s3 =	simm.s32 @!p0 $0x1082;
	s9 =	sld [smem:$0x3FB1]  }
0x2f: {  	lr =	sadd.s32 s0, s3;
	s0 =	sld [smem:$0x3FA8]  }
0x30: {  	s3 =	sld [smem:$0x3FAB]  }
0x31: {  	[smem:$0x3FB4] =	sst s10  }
0x32: {  	s10 =	sld [smem:$0x3FB2];
	_ =	sdelay $0x3  }
0x33: {  	p0 =	seq.s32 s10, $0x1;
	s10 =	sld [smem:$0x3FB4];
	_ =	sdelay $0x3  }
0x34: {  	[smem:$0x3FB4] =	sst s10  }
0x35: {  	s10 =	sld [smem:$0x3FB3];
	_ =	sdelay $0x3  }
0x36: {  	p1 =	seq.s32 s10, $0x1;
	s10 =	sld [smem:$0x3FB4];
	_ =	sdelay $0x3  }
0x37: {  	[smem:$0x3FB4] =	sst s10  }
0x38: {  	s10 =	sld [smem:$0x3FB5]  }
0x39: {  	_ = 	snop;
	(pc) =	sbr.ind lr, $3  }
0x3a: {  	_ = 	snop  }
0x3b: {  	_ = 	snop  }
0x3c: {  	p2 =	seq.s32 s10, $0x1;
	s10 =	sld [smem:$0x3FB4]  }
0x3d: {  	_ =	shalt  }
0x3e: {  	_ =	shalt  }
0x3f: {  	_ =	shalt  }
0x40: {  	_ =	shalt  }
0x41: {  	_ =	shalt  }
0x42: {  	_ =	shalt  }
0x43: {  	_ =	shalt  }
0x44: {  	_ =	shalt  }
0x45: {  	_ =	shalt  }
0x46: {  	_ =	shalt  }
0x47: {  	_ =	shalt  }
0x48: {  	_ =	shalt  }
0x49: {  	_ =	shalt  }
0x4a: {  	_ =	shalt  }
0x4b: {  	_ =	shalt  }
0x4c: {  	_ =	shalt  }
0x4d: {  	_ =	shalt  }
0x4e: {  	_ =	shalt  }
0x4f: {  	_ =	shalt  }
0x50: {  	_ =	shalt  }
0x51: {  	_ =	shalt  }
0x52: {  	_ =	shalt  }
0x53: {  	_ =	shalt  }
0x54: {  	_ =	shalt  }
0x55: {  	_ =	shalt  }
0x56: {  	_ =	shalt  }
0x57: {  	_ =	shalt  }
0x58: {  	_ =	shalt  }
0x59: {  	_ =	shalt  }
0x5a: {  	_ =	shalt  }
0x5b: {  	_ =	shalt  }
0x5c: {  	_ =	shalt  }
0x5d: {  	_ =	shalt  }
0x5e: {  	_ =	shalt  }
0x5f: {  	_ =	shalt  }
0x60: {  	_ =	shalt  }
0x61: {  	_ =	shalt  }
0x62: {  	_ =	shalt  }
0x63: {  	_ =	shalt  }
0x64: {  	_ =	shalt  }
0x65: {  	_ =	shalt  }
0x66: {  	_ =	shalt  }
0x67: {  	_ =	shalt  }
0x68: {  	_ =	shalt  }
0x69: {  	_ =	shalt  }
0x6a: {  	_ =	shalt  }
0x6b: {  	_ =	shalt  }
0x6c: {  	_ =	shalt  }
0x6d: {  	_ =	shalt  }
0x6e: {  	_ =	shalt  }
0x6f: {  	_ =	shalt  }
0x70: {  	_ =	shalt  }
0x71: {  	_ =	shalt  }
0x72: {  	_ =	shalt  }
0x73: {  	_ =	shalt  }
0x74: {  	_ =	shalt  }
0x75: {  	_ =	shalt  }
0x76: {  	_ =	shalt  }
0x77: {  	_ =	shalt  }
0x78: {  	_ =	shalt  }
0x79: {  	_ =	shalt  }
0x7a: {  	_ =	shalt  }
0x7b: {  	_ =	shalt  }
0x7c: {  	_ =	shalt  }
0x7d: {  	_ =	shalt  }
0x7e: {  	_ =	shalt  }
0x7f: {  	_ =	shalt  }
0x80: {  	_ =	shalt  }
0x81: {  	_ =	shalt  }
0x82: {  	_ =	shalt  }
0x83: {  	_ =	shalt  }
0x84: {  	_ =	shalt  }
0x85: {  	_ =	shalt  }
0x86: {  	_ =	shalt  }
0x87: {  	_ =	shalt  }
.Lfunc_end0:
.L_simem_size_0:
called_computation_lowered:
.L_overlay_start_0:
0x88: {  	s0 =	sld [smem:$0x3FD9]  }
0x89: {  	s1 =	sld [smem:$0x3FFE];
	_ =	sdelay $0x3  }
0x8a: {  	s0 =	sadd.s32 s1, s0  }
0x8b: {  	[smem:$0x3FC0] =	sst s0  }
0x8c: {  	_ = 	snop  }
0x8d: {  	s0 =	sld [smem:$0x3FD0];
	_ =	sdelay $0x2  }
0x8e: {  	s13 =	simm.s32 $0xB;
	s2 =	simm.s32 $0x10  }
0x8f: {  	[smem:s2], [sflag:s13] =	dma.local [hbm:s0], $0x1  }
0x90: {  	_ =	swait.eq [sflag:s13], $0x1  }
0x91: {  	[sflag:s13] =	ssyncset.done $0x0  }
0x92: {  	[sflag:s13] =	ssyncadd.s32 $0xFFFFFFFF  }
0x93: {  	s14 =	sld [smem:$0x11];
	(tm) =	ssettm $0x1  }
0x94: {  	s15 =	sld [smem:$0x3FFB];
	_ =	sdelay $0x3  }
0x95: {  	_ =	strace s15  }
0x96: {  	s1 =	sld [smem:$0x3FFC];
	_ =	sdelay $0x3  }
0x97: {  	_ =	strace s1  }
0x98: {  	s1 =	sld [smem:$0x3FFD];
	_ =	sdelay $0x3  }
0x99: {  	_ =	strace s1  }
0x9a: {  	_ =	strace $0x8FFFFFFF  }
0x9b: {  	s16 =	sld [smem:$0x3FDB];
	_ =	sdelay $0x1  }
0x9c: {  	s17 =	simm.s32 $_scs_section_size  }
0x9d: {  	s3 =	simm.s32 $_size__tile_overlayer_lowered;
	s4 =	simm.s32 $_tile_overlayer_lowered  }
0x9e: {  	s20 =	simm.s32 $0x1BFF;
	s19 =	sshll.u32 s4, $0x1;
	s1 =	sadd.s32 s17, s16  }
0x9f: {  	s5 =	simm.s32 $0x0;
	s18 =	sshll.u32 s3, $0x1;
	s3 =	sadd.s32 s19, s1  }
0xa0: {  	[timem:s5], [sflag:s20] =	dma.local [hbm:s3], s18  }
0xa1: {  	_ =	swait.ge [sflag:s20], s18  }
0xa2: {  	s2 =	ssub.s32 $0x0, s18;
	[sflag:s20] =	ssyncset.done $0x0  }
0xa3: {  	[sflag:s20] =	ssyncadd.s32 s2;
	_ =	sdelay $0x1  }
0xa4: {  	s21 =	simm.s32 $0x1B8B  }
0xa5: {  	_ =	swait.ge [sflag:s21], $0x1  }
0xa6: {  	[sflag:s21] =	ssyncset.done $0x0  }
0xa7: {  	s23 =	simm.s32 $0x1B8E;
	s22 =	sld [smem:$0x3FFE];
	[sflag:s21] =	ssyncadd.s32 $0xFFFFFFFF  }
0xa8: {  	s24 =	simm.s32 $execute0_lowered;
	[smem:$0x3FD2] =	sst s23  }
0xa9: {  	s3 =	sshll.u32 s24, $0x1;
	_ =	strace $0x80000046;
	[dreg:$0x1] =	wrdreg $0xFFFFFFFF  }
0xaa: {  	s25 =	simm.s32 $_size_execute0_lowered;
	s1 =	sadd.s32 s1, s3;
	[dreg:$0x0] =	wrdreg $0x0  }
0xab: {  	s3 =	sshll.u32 s25, $0x1;
	[dreg:$0x2] =	wrdreg s1  }
0xac: {  	[dreg:$0x3] =	wrdreg s3  }
0xad: {  	[dreg:$0x4] =	wrdreg $0xC0  }
0xae: {  	_ =	task [dreg:s5], $0x5FFFF  }
0xaf: {  	[dreg:$0x1] =	wrdreg $0xFFFFFFFF  }
0xb0: {  	[dreg:$0x0] =	wrdreg $0x60  }
0xb1: {  	[dreg:$0x2] =	wrdreg s14  }
0xb2: {  	[dreg:$0x3] =	wrdreg s22  }
0xb3: {  	[dreg:$0x4] =	wrdreg $0x9  }
0xb4: {  	_ =	task.clear_ibuf [dreg:s5], $0x5FFFF;
	_ =	strace $0x90000046  }
0xb5: {  	s26 =	simm.s32 $0x9;
	_ =	strace $0x80000048  }
0xb6: {  	_ =	swait.ge [sflag:s26], $0x1  }
0xb7: {  	[sflag:s26] =	ssyncadd.s32 $0xFFFFFFFF  }
0xb8: {  	_ =	strace $0x90000048  }
0xb9: {  	_ =	sfence  }
0xba: {  	s28 =	sld [smem:$0x0];
	_ =	sdelay $0x1  }
0xbb: {  	s29 =	srdreg.scid  }
0xbc: {  	s30 =	sshll.u32 s29, $0xD;
	s31 =	sshrl.u32 s29, $0x2  }
0xbd: {  	s2 =	sand.u32 $0x4000, s30;
	s1 =	sand.u32 $0x1, s29;
	s0 =	sadd.s32 s31, s28  }
0xbe: {  	s1 =	sor.u32 s2, s1;
	s0 =	sshll.u32 s0, $0x11  }
0xbf: {  	s0 =	sor.u32 s0, s1  }
0xc0: {  	s0 =	sadd.s32 $0x8F2B, s0  }
0xc1: {  	[sflag:s0] =	ssyncadd.remote.s32 $0x1  }
0xc2: {  	_ =	sfence.sel $0xFFFF  }
0xc3: {  	[dreg:$0x0] =	wrdreg $0xFFFFFFFF;
	(pc) =	sbr.abs _section_cstart, $3  }
0xc4: {  	[dreg:$0x1] =	wrdreg $0xFFFFFFFF  }
0xc5: {  	_ =	task.clear_ibuf [dreg:s5], $0x2FFFF;
	_ =	strace $0x9FFFFFFF  }
0xc6: {  	(tm) =	ssettm $0x7FFFFFFF  }
0xc7: {  	_ =	shalt  }
tec
execute0_lowered:
.L_overlay_start_1:
0x0: {  	(tag) =	ssettag $0x1  }
0x1: {  	s1 =	rddreg [dreg:$0x0]  }
0x2: {  	s8 =	rddreg [dreg:$0x1];
	_ =	strace $0x80000047;
	s11 =	simm.s32 $0x1  }
0x3: {  	v0 =	vimm.s32 $0x0;
	[sflag:s11] =	ssyncpa.u1 $0x0  }
0x4: {  	[tilespmem:$0x28] =	vst v0  }
0x5: {  	[tilespmem:$0x38] =	vst v0  }
0x6: {  	[tilespmem:$0x48] =	vst v0  }
0x7: {  	[tilespmem:$0x58] =	vst v0  }
0x8: {  	[tilespmem:$0x68] =	vst v0  }
0x9: {  	[tilespmem:$0x78] =	vst v0  }
0xa: {  	[tilespmem:$0x88] =	vst v0  }
0xb: {  	[tilespmem:$0x98] =	vst v0  }
0xc: {  	[tilespmem:$0xA8] =	vst v0  }
0xd: {  	[tilespmem:$0xB8] =	vst v0  }
0xe: {  	[tilespmem:$0xC8] =	vst v0  }
0xf: {  	[tilespmem:$0xD8] =	vst v0  }
0x10: {  	[tilespmem:$0xE8] =	vst v0  }
0x11: {  	[tilespmem:$0xF8] =	vst v0  }
0x12: {  	[tilespmem:$0x108] =	vst v0  }
0x13: {  	[tilespmem:$0x118] =	vst v0  }
0x14: {  	[tilespmem:$0x128] =	vst v0  }
0x15: {  	[tilespmem:$0x138] =	vst v0  }
0x16: {  	[tilespmem:$0x148] =	vst v0  }
0x17: {  	[tilespmem:$0x158] =	vst v0  }
0x18: {  	[tilespmem:$0x168] =	vst v0  }
0x19: {  	[tilespmem:$0x178] =	vst v0  }
0x1a: {  	[tilespmem:$0x188] =	vst v0  }
0x1b: {  	[tilespmem:$0x198] =	vst v0  }
0x1c: {  	[tilespmem:$0x1A8] =	vst v0  }
0x1d: {  	[tilespmem:$0x1B8] =	vst v0  }
0x1e: {  	[tilespmem:$0x1C8] =	vst v0  }
0x1f: {  	[tilespmem:$0x1D8] =	vst v0  }
0x20: {  	[tilespmem:$0x1E8] =	vst v0  }
0x21: {  	[tilespmem:$0x1F8] =	vst v0  }
0x22: {  	[tilespmem:$0x208] =	vst v0  }
0x23: {  	[tilespmem:$0x218] =	vst v0  }
0x24: {  	[tilespmem:$0x228] =	vst v0  }
0x25: {  	[tilespmem:$0x238] =	vst v0  }
0x26: {  	[tilespmem:$0x248] =	vst v0  }
0x27: {  	[tilespmem:$0x258] =	vst v0  }
0x28: {  	[tilespmem:$0x268] =	vst v0  }
0x29: {  	[tilespmem:$0x278] =	vst v0  }
0x2a: {  	[tilespmem:$0x288] =	vst v0  }
0x2b: {  	[tilespmem:$0x298] =	vst v0  }
0x2c: {  	[tilespmem:$0x2A8] =	vst v0  }
0x2d: {  	[tilespmem:$0x2B8] =	vst v0  }
0x2e: {  	[tilespmem:$0x2C8] =	vst v0  }
0x2f: {  	[tilespmem:$0x2D8] =	vst v0  }
0x30: {  	[tilespmem:$0x2E8] =	vst v0  }
0x31: {  	[tilespmem:$0x2F8] =	vst v0  }
0x32: {  	[tilespmem:$0x308] =	vst v0  }
0x33: {  	[tilespmem:$0x318] =	vst v0  }
0x34: {  	[tilespmem:$0x328] =	vst v0  }
0x35: {  	[tilespmem:$0x338] =	vst v0  }
0x36: {  	[tilespmem:$0x348] =	vst v0  }
0x37: {  	[tilespmem:$0x358] =	vst v0  }
0x38: {  	[tilespmem:$0x368] =	vst v0  }
0x39: {  	[tilespmem:$0x378] =	vst v0  }
0x3a: {  	[tilespmem:$0x388] =	vst v0  }
0x3b: {  	[tilespmem:$0x398] =	vst v0  }
0x3c: {  	[tilespmem:$0x3A8] =	vst v0  }
0x3d: {  	[tilespmem:$0x3B8] =	vst v0  }
0x3e: {  	[tilespmem:$0x3C8] =	vst v0  }
0x3f: {  	[tilespmem:$0x3D8] =	vst v0  }
0x40: {  	[tilespmem:$0x3E8] =	vst v0  }
0x41: {  	[tilespmem:$0x3F8] =	vst v0  }
0x42: {  	[tilespmem:$0x408] =	vst v0  }
0x43: {  	[tilespmem:$0x418] =	vst v0  }
0x44: {  	[tilespmem:$0x428] =	vst v0  }
0x45: {  	[tilespmem:$0x438] =	vst v0  }
0x46: {  	[tilespmem:$0x448] =	vst v0  }
0x47: {  	[tilespmem:$0x458] =	vst v0  }
0x48: {  	[tilespmem:$0x468] =	vst v0  }
0x49: {  	[tilespmem:$0x478] =	vst v0  }
0x4a: {  	[tilespmem:$0x488] =	vst v0  }
0x4b: {  	[tilespmem:$0x498] =	vst v0  }
0x4c: {  	[tilespmem:$0x4A8] =	vst v0  }
0x4d: {  	[tilespmem:$0x4B8] =	vst v0  }
0x4e: {  	[tilespmem:$0x4C8] =	vst v0  }
0x4f: {  	[tilespmem:$0x4D8] =	vst v0  }
0x50: {  	[tilespmem:$0x4E8] =	vst v0  }
0x51: {  	[tilespmem:$0x4F8] =	vst v0  }
0x52: {  	[tilespmem:$0x508] =	vst v0  }
0x53: {  	[tilespmem:$0x518] =	vst v0  }
0x54: {  	[tilespmem:$0x528] =	vst v0  }
0x55: {  	[tilespmem:$0x538] =	vst v0  }
0x56: {  	[tilespmem:$0x548] =	vst v0  }
0x57: {  	[tilespmem:$0x558] =	vst v0  }
0x58: {  	[tilespmem:$0x568] =	vst v0  }
0x59: {  	[tilespmem:$0x578] =	vst v0  }
0x5a: {  	[tilespmem:$0x588] =	vst v0  }
0x5b: {  	[tilespmem:$0x598] =	vst v0  }
0x5c: {  	[tilespmem:$0x5A8] =	vst v0  }
0x5d: {  	[tilespmem:$0x5B8] =	vst v0  }
0x5e: {  	[tilespmem:$0x5C8] =	vst v0  }
0x5f: {  	[tilespmem:$0x5D8] =	vst v0  }
0x60: {  	[tilespmem:$0x5E8] =	vst v0  }
0x61: {  	[tilespmem:$0x5F8] =	vst v0  }
0x62: {  	[tilespmem:$0x608] =	vst v0  }
0x63: {  	[tilespmem:$0x618] =	vst v0  }
0x64: {  	[tilespmem:$0x628] =	vst v0  }
0x65: {  	[tilespmem:$0x638] =	vst v0  }
0x66: {  	[tilespmem:$0x648] =	vst v0  }
0x67: {  	[tilespmem:$0x658] =	vst v0  }
0x68: {  	[tilespmem:$0x668] =	vst v0  }
0x69: {  	[tilespmem:$0x678] =	vst v0  }
0x6a: {  	[tilespmem:$0x688] =	vst v0  }
0x6b: {  	[tilespmem:$0x698] =	vst v0  }
0x6c: {  	[tilespmem:$0x6A8] =	vst v0  }
0x6d: {  	[tilespmem:$0x6B8] =	vst v0  }
0x6e: {  	[tilespmem:$0x6C8] =	vst v0  }
0x6f: {  	[tilespmem:$0x6D8] =	vst v0  }
0x70: {  	[tilespmem:$0x6E8] =	vst v0  }
0x71: {  	[tilespmem:$0x6F8] =	vst v0  }
0x72: {  	[tilespmem:$0x708] =	vst v0  }
0x73: {  	[tilespmem:$0x718] =	vst v0  }
0x74: {  	[tilespmem:$0x728] =	vst v0  }
0x75: {  	[tilespmem:$0x738] =	vst v0  }
0x76: {  	[tilespmem:$0x748] =	vst v0  }
0x77: {  	[tilespmem:$0x758] =	vst v0  }
0x78: {  	[tilespmem:$0x768] =	vst v0  }
0x79: {  	[tilespmem:$0x778] =	vst v0  }
0x7a: {  	[tilespmem:$0x788] =	vst v0  }
0x7b: {  	[tilespmem:$0x798] =	vst v0  }
0x7c: {  	[tilespmem:$0x7A8] =	vst v0  }
0x7d: {  	[tilespmem:$0x7B8] =	vst v0  }
0x7e: {  	[tilespmem:$0x7C8] =	vst v0  }
0x7f: {  	[tilespmem:$0x7D8] =	vst v0  }
0x80: {  	[tilespmem:$0x7E8] =	vst v0  }
0x81: {  	[tilespmem:$0x7F8] =	vst v0  }
0x82: {  	[tilespmem:$0x808] =	vst v0  }
0x83: {  	[tilespmem:$0x818] =	vst v0  }
0x84: {  	[tilespmem:$0x828] =	vst v0  }
0x85: {  	[tilespmem:$0x838] =	vst v0  }
0x86: {  	[tilespmem:$0x848] =	vst v0  }
0x87: {  	[tilespmem:$0x858] =	vst v0  }
0x88: {  	[tilespmem:$0x868] =	vst v0  }
0x89: {  	[tilespmem:$0x878] =	vst v0  }
0x8a: {  	[tilespmem:$0x888] =	vst v0  }
0x8b: {  	[tilespmem:$0x898] =	vst v0  }
0x8c: {  	[tilespmem:$0x8A8] =	vst v0  }
0x8d: {  	[tilespmem:$0x8B8] =	vst v0  }
0x8e: {  	[tilespmem:$0x8C8] =	vst v0  }
0x8f: {  	[tilespmem:$0x8D8] =	vst v0  }
0x90: {  	[tilespmem:$0x8E8] =	vst v0  }
0x91: {  	[tilespmem:$0x8F8] =	vst v0  }
0x92: {  	[tilespmem:$0x908] =	vst v0  }
0x93: {  	[tilespmem:$0x918] =	vst v0  }
0x94: {  	[tilespmem:$0x928] =	vst v0  }
0x95: {  	[tilespmem:$0x938] =	vst v0  }
0x96: {  	[tilespmem:$0x948] =	vst v0  }
0x97: {  	[tilespmem:$0x958] =	vst v0  }
0x98: {  	[tilespmem:$0x968] =	vst v0  }
0x99: {  	[tilespmem:$0x978] =	vst v0  }
0x9a: {  	[tilespmem:$0x988] =	vst v0  }
0x9b: {  	[tilespmem:$0x998] =	vst v0  }
0x9c: {  	[tilespmem:$0x9A8] =	vst v0  }
0x9d: {  	[tilespmem:$0x9B8] =	vst v0  }
0x9e: {  	[tilespmem:$0x9C8] =	vst v0  }
0x9f: {  	[tilespmem:$0x9D8] =	vst v0  }
0xa0: {  	[tilespmem:$0x9E8] =	vst v0  }
0xa1: {  	[tilespmem:$0x9F8] =	vst v0  }
0xa2: {  	[tilespmem:$0xA08] =	vst v0  }
0xa3: {  	[tilespmem:$0xA18] =	vst v0  }
0xa4: {  	[tilespmem:$0xA28] =	vst v0  }
0xa5: {  	[tilespmem:$0xA38] =	vst v0  }
0xa6: {  	[tilespmem:$0xA48] =	vst v0  }
0xa7: {  	[tilespmem:$0xA58] =	vst v0  }
0xa8: {  	[tilespmem:$0xA68] =	vst v0  }
0xa9: {  	[tilespmem:$0xA78] =	vst v0  }
0xaa: {  	[tilespmem:$0xA88] =	vst v0  }
0xab: {  	[tilespmem:$0xA98] =	vst v0  }
0xac: {  	[tilespmem:$0xAA8] =	vst v0  }
0xad: {  	[tilespmem:$0xAB8] =	vst v0  }
0xae: {  	[tilespmem:$0xAC8] =	vst v0  }
0xaf: {  	[tilespmem:$0xAD8] =	vst v0  }
0xb0: {  	[tilespmem:$0xAE8] =	vst v0  }
0xb1: {  	[tilespmem:$0xAF8] =	vst v0  }
0xb2: {  	[tilespmem:$0xB08] =	vst v0  }
0xb3: {  	[tilespmem:$0xB18] =	vst v0  }
0xb4: {  	[tilespmem:$0xB28] =	vst v0  }
0xb5: {  	[tilespmem:$0xB38] =	vst v0  }
0xb6: {  	[tilespmem:$0xB48] =	vst v0  }
0xb7: {  	[tilespmem:$0xB58] =	vst v0  }
0xb8: {  	[tilespmem:$0xB68] =	vst v0  }
0xb9: {  	[tilespmem:$0xB78] =	vst v0  }
0xba: {  	[tilespmem:$0xB88] =	vst v0  }
0xbb: {  	[tilespmem:$0xB98] =	vst v0  }
0xbc: {  	[tilespmem:$0xBA8] =	vst v0  }
0xbd: {  	[tilespmem:$0xBB8] =	vst v0  }
0xbe: {  	[tilespmem:$0xBC8] =	vst v0  }
0xbf: {  	[tilespmem:$0xBD8] =	vst v0  }
0xc0: {  	[tilespmem:$0xBE8] =	vst v0  }
0xc1: {  	[tilespmem:$0xBF8] =	vst v0  }
0xc2: {  	[tilespmem:$0xC08] =	vst v0  }
0xc3: {  	[tilespmem:$0xC18] =	vst v0  }
0xc4: {  	[tilespmem:$0xC28] =	vst v0  }
0xc5: {  	[tilespmem:$0xC38] =	vst v0  }
0xc6: {  	[tilespmem:$0xC48] =	vst v0  }
0xc7: {  	[tilespmem:$0xC58] =	vst v0  }
0xc8: {  	[tilespmem:$0xC68] =	vst v0  }
0xc9: {  	[tilespmem:$0xC78] =	vst v0  }
0xca: {  	[tilespmem:$0xC88] =	vst v0  }
0xcb: {  	[tilespmem:$0xC98] =	vst v0  }
0xcc: {  	[tilespmem:$0xCA8] =	vst v0  }
0xcd: {  	[tilespmem:$0xCB8] =	vst v0  }
0xce: {  	[tilespmem:$0xCC8] =	vst v0  }
0xcf: {  	[tilespmem:$0xCD8] =	vst v0  }
0xd0: {  	[tilespmem:$0xCE8] =	vst v0  }
0xd1: {  	[tilespmem:$0xCF8] =	vst v0  }
0xd2: {  	[tilespmem:$0xD08] =	vst v0  }
0xd3: {  	[tilespmem:$0xD18] =	vst v0  }
0xd4: {  	[tilespmem:$0xD28] =	vst v0  }
0xd5: {  	[tilespmem:$0xD38] =	vst v0  }
0xd6: {  	[tilespmem:$0xD48] =	vst v0  }
0xd7: {  	[tilespmem:$0xD58] =	vst v0  }
0xd8: {  	[tilespmem:$0xD68] =	vst v0  }
0xd9: {  	[tilespmem:$0xD78] =	vst v0  }
0xda: {  	[tilespmem:$0xD88] =	vst v0  }
0xdb: {  	[tilespmem:$0xD98] =	vst v0  }
0xdc: {  	[tilespmem:$0xDA8] =	vst v0  }
0xdd: {  	[tilespmem:$0xDB8] =	vst v0  }
0xde: {  	[tilespmem:$0xDC8] =	vst v0  }
0xdf: {  	[tilespmem:$0xDD8] =	vst v0  }
0xe0: {  	[tilespmem:$0xDE8] =	vst v0  }
0xe1: {  	[tilespmem:$0xDF8] =	vst v0  }
0xe2: {  	[tilespmem:$0xE08] =	vst v0  }
0xe3: {  	[tilespmem:$0xE18] =	vst v0  }
0xe4: {  	[tilespmem:$0xE28] =	vst v0  }
0xe5: {  	[tilespmem:$0xE38] =	vst v0  }
0xe6: {  	[tilespmem:$0xE48] =	vst v0  }
0xe7: {  	[tilespmem:$0xE58] =	vst v0  }
0xe8: {  	[tilespmem:$0xE68] =	vst v0  }
0xe9: {  	[tilespmem:$0xE78] =	vst v0  }
0xea: {  	[tilespmem:$0xE88] =	vst v0  }
0xeb: {  	[tilespmem:$0xE98] =	vst v0  }
0xec: {  	[tilespmem:$0xEA8] =	vst v0  }
0xed: {  	[tilespmem:$0xEB8] =	vst v0  }
0xee: {  	[tilespmem:$0xEC8] =	vst v0  }
0xef: {  	[tilespmem:$0xED8] =	vst v0  }
0xf0: {  	[tilespmem:$0xEE8] =	vst v0  }
0xf1: {  	[tilespmem:$0xEF8] =	vst v0  }
0xf2: {  	[tilespmem:$0xF08] =	vst v0  }
0xf3: {  	[tilespmem:$0xF18] =	vst v0  }
0xf4: {  	[tilespmem:$0xF28] =	vst v0  }
0xf5: {  	[tilespmem:$0xF38] =	vst v0  }
0xf6: {  	[tilespmem:$0xF48] =	vst v0  }
0xf7: {  	[tilespmem:$0xF58] =	vst v0  }
0xf8: {  	[tilespmem:$0xF68] =	vst v0  }
0xf9: {  	[tilespmem:$0xF78] =	vst v0  }
0xfa: {  	[tilespmem:$0xF88] =	vst v0  }
0xfb: {  	[tilespmem:$0xF98] =	vst v0  }
0xfc: {  	[tilespmem:$0xFA8] =	vst v0  }
0xfd: {  	[tilespmem:$0xFB8] =	vst v0  }
0xfe: {  	[tilespmem:$0xFC8] =	vst v0  }
0xff: {  	[tilespmem:$0xFD8] =	vst v0  }
0x100: {  	[tilespmem:$0xFE8] =	vst v0  }
0x101: {  	[tilespmem:$0xFF8] =	vst v0  }
0x102: {  	[tilespmem:$0x1008] =	vst v0  }
0x103: {  	[tilespmem:$0x10D8] =	vst v0  }
0x104: {  	[tilespmem:$0x1B28] =	vst v0  }
0x105: {  	[tilespmem:$0x1B18] =	vst v0  }
0x106: {  	[tilespmem:$0x1B08] =	vst v0  }
0x107: {  	[tilespmem:$0x1AF8] =	vst v0  }
0x108: {  	[tilespmem:$0x1AE8] =	vst v0  }
0x109: {  	[tilespmem:$0x1AD8] =	vst v0  }
0x10a: {  	[tilespmem:$0x1AC8] =	vst v0  }
0x10b: {  	[tilespmem:$0x1AB8] =	vst v0  }
0x10c: {  	[tilespmem:$0x1AA8] =	vst v0  }
0x10d: {  	[tilespmem:$0x1A98] =	vst v0  }
0x10e: {  	[tilespmem:$0x1A88] =	vst v0  }
0x10f: {  	[tilespmem:$0x1A78] =	vst v0  }
0x110: {  	[tilespmem:$0x1A68] =	vst v0  }
0x111: {  	[tilespmem:$0x1A58] =	vst v0  }
0x112: {  	[tilespmem:$0x1A48] =	vst v0  }
0x113: {  	[tilespmem:$0x1A38] =	vst v0  }
0x114: {  	[tilespmem:$0x1A28] =	vst v0  }
0x115: {  	[tilespmem:$0x1A18] =	vst v0  }
0x116: {  	[tilespmem:$0x1A08] =	vst v0  }
0x117: {  	[tilespmem:$0x19F8] =	vst v0  }
0x118: {  	[tilespmem:$0x19E8] =	vst v0  }
0x119: {  	[tilespmem:$0x19D8] =	vst v0  }
0x11a: {  	[tilespmem:$0x19C8] =	vst v0  }
0x11b: {  	[tilespmem:$0x19B8] =	vst v0  }
0x11c: {  	[tilespmem:$0x19A8] =	vst v0  }
0x11d: {  	[tilespmem:$0x1998] =	vst v0  }
0x11e: {  	[tilespmem:$0x1988] =	vst v0  }
0x11f: {  	[tilespmem:$0x1978] =	vst v0  }
0x120: {  	[tilespmem:$0x1968] =	vst v0  }
0x121: {  	[tilespmem:$0x1958] =	vst v0  }
0x122: {  	[tilespmem:$0x1948] =	vst v0  }
0x123: {  	[tilespmem:$0x1938] =	vst v0  }
0x124: {  	[tilespmem:$0x1928] =	vst v0  }
0x125: {  	[tilespmem:$0x1918] =	vst v0  }
0x126: {  	[tilespmem:$0x1908] =	vst v0  }
0x127: {  	[tilespmem:$0x18F8] =	vst v0  }
0x128: {  	[tilespmem:$0x18E8] =	vst v0  }
0x129: {  	[tilespmem:$0x18D8] =	vst v0  }
0x12a: {  	[tilespmem:$0x18C8] =	vst v0  }
0x12b: {  	[tilespmem:$0x18B8] =	vst v0  }
0x12c: {  	[tilespmem:$0x18A8] =	vst v0  }
0x12d: {  	[tilespmem:$0x1898] =	vst v0  }
0x12e: {  	[tilespmem:$0x1888] =	vst v0  }
0x12f: {  	[tilespmem:$0x1878] =	vst v0  }
0x130: {  	[tilespmem:$0x1868] =	vst v0  }
0x131: {  	[tilespmem:$0x1858] =	vst v0  }
0x132: {  	[tilespmem:$0x1848] =	vst v0  }
0x133: {  	[tilespmem:$0x1838] =	vst v0  }
0x134: {  	[tilespmem:$0x1828] =	vst v0  }
0x135: {  	[tilespmem:$0x1818] =	vst v0  }
0x136: {  	[tilespmem:$0x1808] =	vst v0  }
0x137: {  	[tilespmem:$0x17F8] =	vst v0  }
0x138: {  	[tilespmem:$0x17E8] =	vst v0  }
0x139: {  	[tilespmem:$0x17D8] =	vst v0  }
0x13a: {  	[tilespmem:$0x17C8] =	vst v0  }
0x13b: {  	[tilespmem:$0x17B8] =	vst v0  }
0x13c: {  	[tilespmem:$0x17A8] =	vst v0  }
0x13d: {  	[tilespmem:$0x1798] =	vst v0  }
0x13e: {  	[tilespmem:$0x1788] =	vst v0  }
0x13f: {  	[tilespmem:$0x1778] =	vst v0  }
0x140: {  	[tilespmem:$0x1768] =	vst v0  }
0x141: {  	[tilespmem:$0x1758] =	vst v0  }
0x142: {  	[tilespmem:$0x1748] =	vst v0  }
0x143: {  	[tilespmem:$0x1738] =	vst v0  }
0x144: {  	[tilespmem:$0x1728] =	vst v0  }
0x145: {  	[tilespmem:$0x1718] =	vst v0  }
0x146: {  	[tilespmem:$0x1708] =	vst v0  }
0x147: {  	[tilespmem:$0x16F8] =	vst v0  }
0x148: {  	[tilespmem:$0x16E8] =	vst v0  }
0x149: {  	[tilespmem:$0x16D8] =	vst v0  }
0x14a: {  	[tilespmem:$0x16C8] =	vst v0  }
0x14b: {  	[tilespmem:$0x16B8] =	vst v0  }
0x14c: {  	[tilespmem:$0x16A8] =	vst v0  }
0x14d: {  	[tilespmem:$0x1698] =	vst v0  }
0x14e: {  	[tilespmem:$0x1688] =	vst v0  }
0x14f: {  	[tilespmem:$0x1678] =	vst v0  }
0x150: {  	[tilespmem:$0x1668] =	vst v0  }
0x151: {  	[tilespmem:$0x1658] =	vst v0  }
0x152: {  	[tilespmem:$0x1648] =	vst v0  }
0x153: {  	[tilespmem:$0x1638] =	vst v0  }
0x154: {  	[tilespmem:$0x1628] =	vst v0  }
0x155: {  	[tilespmem:$0x1618] =	vst v0  }
0x156: {  	[tilespmem:$0x1608] =	vst v0  }
0x157: {  	[tilespmem:$0x15F8] =	vst v0  }
0x158: {  	[tilespmem:$0x15E8] =	vst v0  }
0x159: {  	[tilespmem:$0x15D8] =	vst v0  }
0x15a: {  	[tilespmem:$0x15C8] =	vst v0  }
0x15b: {  	[tilespmem:$0x15B8] =	vst v0  }
0x15c: {  	[tilespmem:$0x15A8] =	vst v0  }
0x15d: {  	[tilespmem:$0x1598] =	vst v0  }
0x15e: {  	[tilespmem:$0x1588] =	vst v0  }
0x15f: {  	[tilespmem:$0x1578] =	vst v0  }
0x160: {  	[tilespmem:$0x1568] =	vst v0  }
0x161: {  	[tilespmem:$0x1558] =	vst v0  }
0x162: {  	[tilespmem:$0x1548] =	vst v0  }
0x163: {  	[tilespmem:$0x1538] =	vst v0  }
0x164: {  	[tilespmem:$0x1528] =	vst v0  }
0x165: {  	[tilespmem:$0x1518] =	vst v0  }
0x166: {  	[tilespmem:$0x1508] =	vst v0  }
0x167: {  	[tilespmem:$0x14F8] =	vst v0  }
0x168: {  	[tilespmem:$0x14E8] =	vst v0  }
0x169: {  	[tilespmem:$0x14D8] =	vst v0  }
0x16a: {  	[tilespmem:$0x14C8] =	vst v0  }
0x16b: {  	[tilespmem:$0x14B8] =	vst v0  }
0x16c: {  	[tilespmem:$0x14A8] =	vst v0  }
0x16d: {  	[tilespmem:$0x1498] =	vst v0  }
0x16e: {  	[tilespmem:$0x1488] =	vst v0  }
0x16f: {  	[tilespmem:$0x1478] =	vst v0  }
0x170: {  	[tilespmem:$0x1468] =	vst v0  }
0x171: {  	[tilespmem:$0x1458] =	vst v0  }
0x172: {  	[tilespmem:$0x1448] =	vst v0  }
0x173: {  	[tilespmem:$0x1438] =	vst v0  }
0x174: {  	[tilespmem:$0x1428] =	vst v0  }
0x175: {  	[tilespmem:$0x1418] =	vst v0  }
0x176: {  	[tilespmem:$0x1408] =	vst v0  }
0x177: {  	[tilespmem:$0x13F8] =	vst v0  }
0x178: {  	[tilespmem:$0x13E8] =	vst v0  }
0x179: {  	[tilespmem:$0x13D8] =	vst v0  }
0x17a: {  	[tilespmem:$0x13C8] =	vst v0  }
0x17b: {  	[tilespmem:$0x13B8] =	vst v0  }
0x17c: {  	[tilespmem:$0x13A8] =	vst v0  }
0x17d: {  	[tilespmem:$0x1398] =	vst v0  }
0x17e: {  	[tilespmem:$0x1388] =	vst v0  }
0x17f: {  	[tilespmem:$0x1378] =	vst v0  }
0x180: {  	[tilespmem:$0x1368] =	vst v0  }
0x181: {  	[tilespmem:$0x1358] =	vst v0  }
0x182: {  	[tilespmem:$0x1348] =	vst v0  }
0x183: {  	[tilespmem:$0x1338] =	vst v0  }
0x184: {  	[tilespmem:$0x1328] =	vst v0  }
0x185: {  	[tilespmem:$0x1318] =	vst v0  }
0x186: {  	[tilespmem:$0x1308] =	vst v0  }
0x187: {  	[tilespmem:$0x12F8] =	vst v0  }
0x188: {  	[tilespmem:$0x12E8] =	vst v0  }
0x189: {  	[tilespmem:$0x12D8] =	vst v0  }
0x18a: {  	[tilespmem:$0x12C8] =	vst v0  }
0x18b: {  	[tilespmem:$0x12B8] =	vst v0  }
0x18c: {  	[tilespmem:$0x12A8] =	vst v0  }
0x18d: {  	[tilespmem:$0x1298] =	vst v0  }
0x18e: {  	[tilespmem:$0x1288] =	vst v0  }
0x18f: {  	[tilespmem:$0x1278] =	vst v0  }
0x190: {  	[tilespmem:$0x1268] =	vst v0  }
0x191: {  	[tilespmem:$0x1258] =	vst v0  }
0x192: {  	[tilespmem:$0x1248] =	vst v0  }
0x193: {  	[tilespmem:$0x1238] =	vst v0  }
0x194: {  	[tilespmem:$0x1228] =	vst v0  }
0x195: {  	[tilespmem:$0x1218] =	vst v0  }
0x196: {  	[tilespmem:$0x1208] =	vst v0  }
0x197: {  	[tilespmem:$0x11F8] =	vst v0  }
0x198: {  	[tilespmem:$0x11E8] =	vst v0  }
0x199: {  	[tilespmem:$0x11D8] =	vst v0  }
0x19a: {  	[tilespmem:$0x11C8] =	vst v0  }
0x19b: {  	[tilespmem:$0x11B8] =	vst v0  }
0x19c: {  	[tilespmem:$0x11A8] =	vst v0  }
0x19d: {  	[tilespmem:$0x1198] =	vst v0  }
0x19e: {  	[tilespmem:$0x1188] =	vst v0  }
0x19f: {  	[tilespmem:$0x1178] =	vst v0  }
0x1a0: {  	[tilespmem:$0x1168] =	vst v0  }
0x1a1: {  	[tilespmem:$0x1158] =	vst v0  }
0x1a2: {  	[tilespmem:$0x1148] =	vst v0  }
0x1a3: {  	[tilespmem:$0x1138] =	vst v0  }
0x1a4: {  	[tilespmem:$0x1128] =	vst v0  }
0x1a5: {  	[tilespmem:$0x1118] =	vst v0  }
0x1a6: {  	s2 =	stileid.u32;
	[tilespmem:$0x1108] =	vst v0  }
0x1a7: {  	s0 =	smul.u32 $0x2F, s2;
	[tilespmem:$0x10F8] =	vst v0  }
0x1a8: {  	s3 =	smin.u32 s2, $0xC;
	[tilespmem:$0x10E8] =	vst v0  }
0x1a9: {  	[tilespmem:$0x10B8] =	vst v0;
	s0 =	sadd.s32 s3, s0  }
0x1aa: {  	s4 =	simm.s32 $0x5100;
	p0 =	slt.u32 s2, $0xC;
	[tilespmem:$0x10C8] =	vst v0;
	s3 =	smul.u32 $0x1B0, s0  }
0x1ab: {  	s4 =	simm.s32 @!p0 $0x4F50;
	[tilespmem:$0x10A8] =	vst v0  }
0x1ac: {  	[tilespmem:$0x1038] =	vst v0;
	s0 =	sadd.s32 s4, s3  }
0x1ad: {  	[tilespmem:$0x1098] =	vst v0;
	s4 =	smin.u32 s0, $0x50910  }
0x1ae: {  	[tilespmem:$0x1088] =	vst v0;
	s0 =	ssub.s32 s4, s3  }
0x1af: {  	[tilespmem:$0x1078] =	vst v0;
	p0 =	sgt.s32 s0, $0x0  }
0x1b0: {  	s5 =	simm.s32 $0x2;
	s29 =	simm.s32 $0x7;
	[tilespmem:$0x1068] =	vst v0;
	s0 =	simm.s32 @!p0 $0x0  }
0x1b1: {  	s13 =	simm.s32 $0x8;
	s30 =	simm.s32 $0x9;
	[tilespmem:$0x1058] =	vst v0;
	s6 =	smulhi.u32 $0x4BDA12F7, s0  }
0x1b2: {  	p4 =	por $0x0, $0x0;
	s14 =	simm.s32 $0xA;
	s18 =	simm.s32 $0x0;
	[tilespmem:$0x1048] =	vst v0  }
0x1b3: {  	s15 =	simm.s32 $0x0;
	s17 =	simm.s32 $0x0;
	[tilespmem:$0x1028] =	vst v0;
	s12 =	sshrl.u32 s6, $0x7  }
0x1b4: {  	s7 =	sadd.s32 $0xBAD200, s8;
	[tilespmem:$0x1018] =	vst v0;
	[sflag:s5] =	ssyncpa.u1 $0x0;
	v0 =	vimm.s32 $0xFFFFFFFF;
	s10 =	smul.u32 $0x1B0, s12  }
.Ltmp0:
0x1b5: {  	s31 =	sshll.u32 s2, $0x5;
	[tilespmem:$0x3648] =	vst v0;
	[sflag:s29] =	ssyncpa.u1 $0x0;
	(pc) =	sbr.rel .LBB2_1-.Ltmp0, $4  }
0x1b6: {  	[dreg:$0x3] =	wrdreg s31;
	[sflag:s13] =	ssyncpa.u1 $0x0;
	p0 =	sne.s32 s0, s10  }
0x1b7: {  	s13 =	simm.s32 $0x0;
	[sflag:s30] =	ssyncpa.u1 $0x0;
	s11 =	simm.s32 @!p0 $0x0  }
0x1b8: {  	s16 =	smov.u32 s3;
	s6 =	sadd.s32 $0x10B6400, s8;
	s11 =	sadd.s32 s11, s12  }
0x1b9: {  	v0 =	vlaneseq.u32;
	s8 =	sadd.s32 $0x10C0600, s8;
	p0 =	por $0x1, $0x1;
	s12 =	sadd.s32 $0x1, s11  }
.LBB2_18:
0x1ba: {  	s0 =	simm.s32 $0x2  }
0x1bb: {  	_ =	swait.ge [sflag:s0], $0x0  }
0x1bc: {  	[sflag:s0] =	ssyncset.done $0x0;
	s0 =	simm.s32 $0x0  }
.LBB2_19:
0x1bd: {  	_ =	swait.ge [sflag:s14], s0  }
0x1be: {  	s31 =	ssub.s32 $0x0, s0;
	v1 =	vmov s20;
	vm0 =	veq.s32 v0, $0x0;
	[sflag:s14] =	ssyncset.done $0x0  }
0x1bf: {  	vm15 =	veq.s32 v0, $0x2;
	v1 =	vsel vm0, s24, v1;
	[sflag:s14] =	ssyncadd.s32 s31  }
0x1c0: {  	v1 =	vsel vm15, s18, v1;
	[sflag:s14] =	ssyncpa.u1 $0x1  }
0x1c1: {  	[tilespmem:$0x3648] =	vst v1  }
.LBB2_20:
0x1c2: {  	s0 =	sadd.s32 $0x1B0, s16  }
0x1c3: {  	s2 =	smov.u32 s3;
	p1 =	slt.s32 s0, s4  }
0x1c4: {  	s2 =	smov.u32 @p1 s0;
	p1 =	sne.s32 s17, s12  }
.Ltmp1:
0x1c5: {  	_ = 	snop;
	(pc) =	sbr.rel @!p1 .LBB2_21-.Ltmp1, $4  }
0x1c6: {  	_ = 	snop  }
0x1c7: {  	s18 =	smov.u32 s15  }
0x1c8: {  	s31 =	sadd.s32 $0x1, s17;
	s15 =	smov.u32 s16;
	p0 =	por !p0, !p0  }
0x1c9: {  	p4 =	por !p4, !p4;
	s17 =	smov.u32 s31;
	s16 =	smov.u32 s2  }
.LBB2_1:
0x1ca: {  	p2 =	sge.u32 s17, s11  }
0x1cb: {  	s0 =	smulhi.u32 @!p2 $0xAAAAAAAB, s17  }
0x1cc: {  	s19 =	smov.u32 s16;
	p3 =	sgt.s32 @!p2 s16, $0x50760  }
0x1cd: {  	s20 =	sshra.s32 @!p2 s16, $0x1F;
	p3 =	por !p3, p2;
	s0 =	sshrl.u32 @!p2 s0, $0x1  }
0x1ce: {  	s20 =	sand.u32 @!p2 s20, s16;
	s19 =	simm.s32 @p3 $0x50760;
	s0 =	smul.u32 @!p2 $0x3, s0  }
0x1cf: {  	s19 =	ssub.s32 @!p2 s19, s20  }
0x1d0: {  	s19 =	sadd.s32 @!p2 $0xFFFAF8A0, s19;
	s0 =	ssub.s32 @!p2 s17, s0  }
0x1d1: {  	s20 =	sshll.u32 @!p2 s19, $0x2;
	p3 =	sgt.s32 @!p2 s19, $0x1AF;
	s0 =	smul.u32 @!p2 $0x6C0, s0  }
0x1d2: {  	s21 =	sand.u32 @!p2 $0x7, s16;
	s19 =	ssub.s32 @!p2 $0x6C0, s20;
	p3 =	por !p3, p2  }
0x1d3: {  	s20 =	sshrl.u32 @!p2 s16, $0x3;
	s19 =	sshrl.u32 @!p2 s19, $0x2;
	s0 =	sshrl.u32 @!p2 s0, $0x2  }
0x1d4: {  	s20 =	sadd.s32 @!p2 s8, s20;
	s19 =	simm.s32 @!p3 $0x0;
	s0 =	sadd.s32 @!p2 $0x3878, s0  }
0x1d5: {  	[tilespmem:s0], [sflag:$0x8] =	stream.linear.gather @!p2 [hbm4b:s20+s21], s19, $0x38;
	[tilespmem:$0x1F0E8] =	vst v63  }
0x1d6: {  	s20 =	sadd.s32 $0xFFFFFFFF, s17  }
0x1d7: {  	p2 =	sge.u32 s20, s11  }
0x1d8: {  	p3 =	sgt.s32 @!p2 s15, $0x50760  }
0x1d9: {  	s0 =	smov.u32 s15;
	s19 =	sshra.s32 @!p2 s15, $0x1F;
	p3 =	por !p3, p2  }
0x1da: {  	s19 =	sand.u32 @!p2 s19, s15;
	s0 =	simm.s32 @p3 $0x50760  }
0x1db: {  	s0 =	ssub.s32 @!p2 s0, s19  }
0x1dc: {  	s0 =	sadd.s32 @!p2 $0xFFFAF8A0, s0  }
0x1dd: {  	s19 =	sshll.u32 @!p2 s0, $0x2  }
0x1de: {  	p3 =	sgt.s32 @!p2 s0, $0x1AF;
	s0 =	ssub.s32 @!p2 $0x6C0, s19  }
0x1df: {  	p3 =	por !p3, p2;
	s0 =	sshrl.u32 @!p2 s0, $0x2  }
0x1e0: {  	s21 =	simm.s32 @!p2 $0x8;
	s19 =	sand.u32 @!p2 $0x1, s20;
	s0 =	simm.s32 @!p3 $0x0  }
0x1e1: {  	s19 =	smul.u32 @!p2 $0x6C0, s19;
	_ =	swait.ge @!p2 [sflag:s21], s0  }
0x1e2: {  	s22 =	ssub.s32 @!p2 $0x0, s0;
	[sflag:s21] =	ssyncset.done @!p2 $0x0  }
0x1e3: {  	s19 =	sshrl.u32 @!p2 s19, $0x2;
	[sflag:s21] =	ssyncadd.s32 @!p2 s22;
	s21 =	sshrl.u32 @!p2 s15, $0x3  }
0x1e4: {  	s19 =	sadd.s32 @!p2 $0x3D88, s19;
	s22 =	sand.u32 @!p2 $0x7, s15;
	s21 =	sadd.s32 @!p2 s6, s21  }
0x1e5: {  	[tilespmem:s19], [sflag:$0x9] =	stream.linear.gather @!p2 [hbm4b:s21+s22], s0, $0x38;
	[tilespmem:$0x1F0E8] =	vst v63  }
0x1e6: {  	s19 =	ssub.s32 @!p2 $0x50910, s15  }
0x1e7: {  	p3 =	slt.s32 @!p2 s19, $0x1  }
0x1e8: {  	p3 =	por p2, p3  }
.Ltmp2:
0x1e9: {  	_ = 	snop;
	(pc) =	sbr.rel @p3 .LBB2_7-.Ltmp2, $1  }
0x1ea: {  	_ =	sdelay $0x3  }
0x1eb: {  	s0 =	smulhi.u32 $0xAAAAAAAB, s20;
	_ =	sdelay $0x1  }
0x1ec: {  	s0 =	sshrl.u32 s0, $0x1  }
0x1ed: {  	s0 =	smul.u32 $0x3, s0;
	_ =	sdelay $0x1  }
0x1ee: {  	s0 =	ssub.s32 s20, s0  }
0x1ef: {  	s21 =	simm.s32 $0x1;
	s0 =	smul.u32 $0x6C0, s0  }
.Ltmp3:
0x1f0: {  	s21 =	simm.s32 @!p0 $0x0;
	(pc) =	sbr.rel .LBB2_4-.Ltmp3, $4  }
0x1f1: {  	s31 =	smul.u32 $0x36000, s21  }
0x1f2: {  	p3 =	slt.s32 @!p2 s19, $0x1B0;
	s0 =	sshrl.u32 s0, $0x2  }
0x1f3: {  	p2 =	por !p3, p2;
	s20 =	sshrl.u32 s31, $0x2;
	s0 =	sadd.s32 $0x3878, s0  }
0x1f4: {  	s19 =	simm.s32 @p2 $0x1B0;
	s21 =	simm.s32 $0x0;
	s20 =	sadd.s32 $0x40E8, s20;
	v1 =	vmov s0  }
.LBB2_3:
0x1f5: {  	p2 =	sge.s32 s21, s19  }
.Ltmp4:
0x1f6: {  	_ = 	snop;
	(pc) =	sbr.rel @p2 .LBB2_7-.Ltmp4, $2  }
0x1f7: {  	_ =	sdelay $0x2  }
0x1f8: {  	s20 =	sadd.s32 $0x800, s20  }
.LBB2_4:
0x1f9: {  	p2 =	sle.s32 s19, s21  }
.Ltmp5:
0x1fa: {  	_ = 	snop;
	(pc) =	sbr.rel @p2 .LBB2_3-.Ltmp5, $2  }
0x1fb: {  	_ =	sdelay $0x2  }
0x1fc: {  	s22 =	smov.u32 s21;
	s21 =	sadd.s32 $0x10, s21  }
0x1fd: {  	s0 =	ssub.s32 s19, s22  }
0x1fe: {  	p2 =	slt.s32 s0, $0x10  }
0x1ff: {  	s0 =	simm.s32 @!p2 $0x10  }
0x200: {  	v2 =	vmov s0  }
0x201: {  	vm0 =	vgt.s32 v2, v0;
	_ =	sdelay $0x5  }
0x202: {  	v2 =	vld.idx.msk [tilespmem:v1+s22+$0x0 ss:$0x1], vm0;
	_ =	sdelay $0x2  }
0x203: {  	s23 =	smov.u32 s19;
	p2 =	slt.s32 s21, s19  }
0x204: {  	s24 =	smov.u32 s20;
	s25 =	simm.s32 $0x0;
	s23 =	smov.u32 @p2 s21  }
.LBB2_6:
0x205: {  	(v2sf) =	vpush v2, s25;
	_ =	sdelay $0xc  }
0x206: {  	s25 =	sadd.s32 $0x1, s25  }
0x207: {  	s31 =	sadd.s32 s25, s22  }
0x208: {  	p2 =	slt.s32 s31, s23;
	s0 =	spop (v2sf)  }
.Ltmp6:
0x209: {  	s0 =	sshll.u32 s0, $0x4;
	(pc) =	sbr.rel @p2 .LBB2_6-.Ltmp6, $4  }
0x20a: {  	s0 =	sand.u32 $0x1FFFFFF0, s0  }
0x20b: {  	s0 =	sadd.s32 s7, s0  }
0x20c: {  	[tilespmem:s24], [sflag:$0x7] =	stream.linear.gather [hbm4b:s0+s13], $0x2, $0x38;
	[tilespmem:$0x1F0E8] =	vst v63  }
0x20d: {  	s24 =	sadd.s32 $0x80, s24  }
.Ltmp7:
0x20e: {  	_ = 	snop;
	(pc) =	sbr.rel .LBB2_3-.Ltmp7, $1  }
0x20f: {  	_ =	sdelay $0x3  }
.LBB2_7:
0x210: {  	p2 =	slt.u32 s17, $0x2  }
.Ltmp8:
0x211: {  	_ = 	snop;
	(pc) =	sbr.rel @p2 .LBB2_20-.Ltmp8, $1  }
0x212: {  	_ =	sdelay $0x3  }
0x213: {  	p2 =	sgt.s32 s18, $0x50760;
	s0 =	smov.u32 s18  }
0x214: {  	s19 =	sshra.s32 s18, $0x1F;
	s20 =	ssub.s32 $0x50910, s18;
	s0 =	simm.s32 @!p2 $0x50760  }
0x215: {  	s19 =	sand.u32 s19, s18;
	p2 =	slt.s32 s20, $0x1B0;
	s21 =	smov.u32 s20  }
0x216: {  	s0 =	ssub.s32 s0, s19;
	s21 =	simm.s32 @!p2 $0x1B0  }
0x217: {  	s0 =	sadd.s32 $0xFFFAF8A0, s0;
	s26 =	sshll.u32 s21, $0x1  }
0x218: {  	s2 =	simm.s32 $0x7;
	s28 =	sshll.u32 s0, $0x2;
	s19 =	sand.u32 $0x3FFFFFFE, s26  }
0x219: {  	p2 =	sgt.s32 s0, $0x1AF;
	s29 =	ssub.s32 $0x6C0, s28;
	_ =	swait.ge [sflag:s2], s19  }
0x21a: {  	s19 =	ssub.s32 $0x0, s19;
	[sflag:s2] =	ssyncset.done $0x0;
	s0 =	sshrl.u32 s29, $0x2  }
0x21b: {  	s30 =	simm.s32 $0x9;
	[sflag:s2] =	ssyncadd.s32 s19;
	s0 =	simm.s32 @p2 $0x0  }
0x21c: {  	_ =	swait.ge [sflag:s30], s0  }
0x21d: {  	s0 =	ssub.s32 $0x0, s0;
	[sflag:s30] =	ssyncset.done $0x0  }
0x21e: {  	[sflag:s30] =	ssyncadd.s32 s0  }
0x21f: {  	v1 =	vld [tilespmem:$0x3648];
	_ =	sdelay $0x4  }
0x220: {  	(v2sf) =	vpush v1, $0x0  }
0x221: {  	(v2sf) =	vpush v1, $0x1  }
0x222: {  	(v2sf) =	vpush v1, $0x2;
	_ =	sdelay $0x3  }
0x223: {  	s0 =	sadd.s32 $0x1B0, s18  }
0x224: {  	p2 =	slt.s32 s4, s0  }
0x225: {  	s0 =	smov.u32 @p2 s4;
	p2 =	sgt.s32 s20, $0x0  }
0x226: {  	s22 =	ssub.s32 s0, s18;
	s20 =	simm.s32 @!p2 $0x0  }
0x227: {  	p2 =	slt.s32 s20, s22  }
0x228: {  	s22 =	smov.u32 @p2 s20  }
0x229: {  	s21 =	simm.s32 $0x1;
	p2 =	slt.s32 s22, $0x1  }
.Ltmp9:
0x22a: {  	s21 =	simm.s32 @!p4 $0x0;
	(pc) =	sbr.rel @p2 .LBB2_12-.Ltmp9, $4  }
0x22b: {  	s31 =	smul.u32 $0x6C0, s21  }
0x22c: {  	s23 =	spop (v2sf)  }
0x22d: {  	s0 =	sshrl.u32 s31, $0x2;
	s25 =	spop (v2sf)  }
0x22e: {  	s19 =	sadd.s32 $0x3D88, s0;
	s18 =	spop (v2sf)  }
0x22f: {  	s0 =	smin.u32 s22, $0x10  }
0x230: {  	v1 =	vmov s0  }
0x231: {  	p3 =	sgt.s32 s22, $0x10;
	vm1 =	vgt.u32 v1, v0  }
.Ltmp10:
0x232: {  	_ = 	snop;
	(pc) =	sbr.rel @!p3 .LBB2_11-.Ltmp10, $2  }
0x233: {  	_ =	sdelay $0x2  }
0x234: {  	s24 =	simm.s32 $0x10;
	s26 =	sadd.s32 $0xFFFFFFF0, s22;
	s20 =	smov.u32 s19;
	vm0 =	vmmov vm1  }
.LBB2_10:
0x235: {  	s0 =	smin.u32 s26, $0x10;
	s24 =	sadd.s32 $0x10, s24;
	v1 =	vld.msk [tilespmem:s20+$0x0 ss:$0x1], vm1  }
0x236: {  	v2 =	vmov s0;
	p3 =	slt.s32 s24, s22  }
0x237: {  	vm1 =	vgt.u32 v2, v0  }
.Ltmp11:
0x238: {  	(pc) =	sbr.rel @p3 .LBB2_10-.Ltmp11, $3  }
0x239: {  	_ =	sdelay $0x1  }
0x23a: {  	v1 =	vshll.u32 v1, $0x4  }
0x23b: {  	s26 =	sadd.s32 $0xFFFFFFF0, s26;
	[tilespmem:s20+$0x0] =	vst.msk vm0, v1;
	s20 =	sadd.s32 $0x10, s20;
	vm0 =	vmmov vm1  }
.LBB2_11:
0x23c: {  	_ =	sdelay $0x4  }
0x23d: {  	v1 =	vld.msk [tilespmem:s20+$0x0 ss:$0x1], vm1;
	_ =	sdelay $0x4  }
0x23e: {  	v1 =	vshll.u32 v1, $0x4  }
0x23f: {  	[tilespmem:s20+$0x0] =	vst.msk vm0, v1  }
.LBB2_12:
0x240: {  	s0 =	sand.u32 $0x1, s17  }
0x241: {  	s20 =	smul.u32 $0x1B0, s0  }
0x242: {  	p3 =	sne.s32 s25, $0xFFFFFFFF  }
0x243: {  	v1 =	vld.msk @!p3 [tilespmem:s20+$0x3D88], $0x1;
	_ =	sdelay $0x4  }
0x244: {  	(v2sf) =	vpush @!p3 v1, $0x0;
	_ =	sdelay $0x9  }
0x245: {  	s0 =	smul.u32 $0xD800, s0;
	_ =	sdelay $0x1  }
0x246: {  	v1 =	vld.msk @!p3 [tilespmem:s0+$0x40E8], $0x3  }
.Ltmp12:
0x247: {  	_ = 	snop;
	(pc) =	sbr.rel @p2 .LBB2_18-.Ltmp12, $4  }
0x248: {  	_ = 	snop  }
0x249: {  	s24 =	spop @!p3 (v2sf)  }
0x24a: {  	s18 =	simm.s32 @!p3 $0x0;
	s0 =	simm.s32 @!p3 $0x28;
	s20 =	smov.u32 s24  }
0x24b: {  	[tilespmem:s0+$0x0] =	vst.msk @!p3 $0x3, v1;
	[sflag:s14] =	ssyncpa.u1 $0x0;
	s24 =	smov.u32 @p3 s23;
	s20 =	smov.u32 @p3 s25  }
0x24c: {  	v1 =	vld.msk [tilespmem:s19+$0x0], $0x1;
	_ =	sdelay $0x4  }
0x24d: {  	(v2sf) =	vpush v1, $0x0;
	_ =	sdelay $0xd  }
0x24e: {  	s0 =	simm.s32 @!p4 $0x0  }
0x24f: {  	s26 =	smul.u32 $0x36000, s21;
	s25 =	ssub.s32 $0x0, s22;
	s28 =	spop (v2sf)  }
0x250: {  	s0 =	simm.s32 @p4 $0x1;
	s23 =	sadd.s32 $0x1, s25;
	p2 =	seq.s32 s24, s28  }
0x251: {  	[smem:$0x7FD] =	sst s0;
	s0 =	sshrl.u32 s26, $0x2;
	p3 =	sgt.s32 @!p2 s24, $0x0  }
0x252: {  	s21 =	sadd.s32 $0x40E8, s0;
	s0 =	smov.u32 s24;
	p3 =	por !p3, p2  }
0x253: {  	s0 =	simm.s32 @p3 $0x0;
	p3 =	seq.s32 s23, $0x0  }
.Ltmp13:
0x254: {  	_ = 	snop;
	(pc) =	sbr.rel @p3 .LBB2_15-.Ltmp13, $4  }
0x255: {  	_ = 	snop  }
0x256: {  	s22 =	simm.s32 $0x0;
	s29 =	simm.s32 @!p2 $0x1;
	s0 =	smin.u32 @!p2 s0, $0x270FF  }
0x257: {  	s30 =	simm.s32 @!p2 $0x1B38;
	s29 =	smov.u32 @p2 s22;
	s26 =	sand.u32 @!p2 $0x3FFF8, s0  }
0x258: {  	s31 =	sand.u32 @!p2 $0x7, s0;
	s0 =	sadd.s32 @!p2 s1, s26;
	s26 =	sadd.s32 $0x1, s19  }
.LBB2_14:
0x259: {  	s2 =	smov.u32 s29  }
0x25a: {  	[tilespmem:s30], [sflag:$0x2] =	stream.linear.gather @!p2 [hbm4b:s0+s31], $0x2, $0x38;
	[tilespmem:$0x1F0E8] =	vst v63  }
0x25b: {  	s23 =	sadd.s32 $0x1, s23;
	s0 =	smov.u32 s28;
	v1 =	vld.msk [tilespmem:s26+$0x0], $0x1  }
0x25c: {  	p3 =	seq.s32 s23, $0x0;
	_ =	sdelay $0x3  }
0x25d: {  	(v2sf) =	vpush v1, $0x0;
	_ =	sdelay $0xe  }
0x25e: {  	s28 =	spop (v2sf)  }
0x25f: {  	p2 =	seq.s32 s0, s28  }
0x260: {  	p4 =	sgt.s32 @!p2 s0, $0x0;
	s30 =	sshll.u32 @!p2 s29, $0x6;
	s29 =	sadd.s32 @!p2 $0x1, s29  }
.Ltmp14:
0x261: {  	p4 =	por !p4, p2;
	s30 =	sshra.s32 @!p2 s30, $0x2;
	(pc) =	sbr.rel @!p3 .LBB2_14-.Ltmp14, $4  }
0x262: {  	s29 =	smov.u32 @p2 s2;
	s0 =	simm.s32 @p4 $0x0;
	s30 =	sadd.s32 @!p2 $0x1B38, s30  }
0x263: {  	s0 =	smin.u32 @!p2 s0, $0x270FF  }
0x264: {  	s2 =	sand.u32 @!p2 $0x3FFF8, s0;
	s31 =	sand.u32 @!p2 $0x7, s0  }
0x265: {  	s26 =	sadd.s32 $0x1, s26;
	s0 =	sadd.s32 @!p2 s1, s2  }
.LBB2_15:
0x266: {  	[tilespmem:s30], [sflag:$0x2] =	stream.linear.gather @!p2 [hbm4b:s0+s31], $0x2, $0x38;
	[tilespmem:$0x1F0E8] =	vst v63  }
0x267: {  	s31 =	sshll.u32 s29, $0x1  }
0x268: {  	s2 =	simm.s32 $0x2;
	s0 =	sand.u32 $0x3FFFFFFE, s31  }
0x269: {  	_ =	swait.ge [sflag:s2], s0  }
0x26a: {  	s0 =	ssub.s32 $0x0, s0;
	[sflag:s2] =	ssyncset.done $0x0  }
0x26b: {  	[sflag:s2] =	ssyncadd.s32 s0  }
0x26c: {  	v1 =	vld.msk [tilespmem:s19+$0x0], $0x1;
	_ =	sdelay $0x4  }
0x26d: {  	(v2sf) =	vpush v1, $0x0;
	_ =	sdelay $0xe  }
0x26e: {  	s23 =	spop (v2sf)  }
0x26f: {  	p2 =	sne.s32 s24, s23  }
0x270: {  	p4 =	sne.s32 @p2 s24, s20  }
0x271: {  	p3 =	por !p4, !p2  }
0x272: {  	s0 =	sshll.u32 @!p3 s18, $0x6;
	s2 =	simm.s32 @!p3 $0x0  }
0x273: {  	s0 =	sshra.s32 @!p3 s0, $0x2;
	v1 =	vld.msk @!p3 [tilespmem:s2+$0x1B38], $0x3  }
0x274: {  	v2 =	vld.msk @!p3 [tilespmem:s0+$0x28], $0x3;
	_ =	sdelay $0x1  }
0x275: {  	p5 =	sgt.u32 @!p3 s24, $0x270FF  }
0x276: {  	p6 =	por @p2 p5, !p4  }
0x277: {  	p1 =	por p6, !p2;
	p6 =	por p4, !p2  }
0x278: {  	s26 =	sadd.s32 @!p3 $0x28, s0;
	s2 =	sand.u32 @!p1 $0x3FFF8, s24;
	s28 =	sshll.u32 @!p6 s18, $0x6;
	v1 =	vmax.f32 @!p3 v1, v2  }
0x279: {  	s24 =	sand.u32 @!p1 $0x7, s24;
	s2 =	sadd.s32 @!p1 s1, s2;
	[tilespmem:s0+$0x28] =	vst.msk @!p3 $0x3, v1;
	s0 =	sshra.s32 @!p6 s28, $0x2  }
0x27a: {  	[hbm4b:s2+s24] =	stream.linear.scatter @!p1 [tilespmem:s26], [sflag:$0xA], $0x2, $0x38;
	[tilespmem:$0x1F0E8] =	vst v63  }
0x27b: {  	s29 =	rddreg [dreg:$0x3];
	s0 =	sadd.s32 @!p6 $0x28, s0;
	s2 =	simm.s32 @!p6 $0x1  }
0x27c: {  	[spmem:s29] =	stream.linear.scatter @!p6 [tilespmem:s0], [sflag:$0x1], $0x2, $0x38;
	[tilespmem:$0x1F0E8] =	vst v63  }
0x27d: {  	s0 =	sadd.s32 @p2 $0x1, s18;
	_ =	swait.ge @!p6 [sflag:s2], $0x2  }
0x27e: {  	s24 =	sshrl.u32 @p2 s0, $0x4;
	[sflag:s2] =	ssyncset.done @!p6 $0x0  }
0x27f: {  	s26 =	smulhi.u32 @p2 $0x97B425F, s24;
	[sflag:s2] =	ssyncadd.s32 @!p6 $0xFFFFFFFE  }
0x280: {  	v1 =	vld.msk @p2 [tilespmem:s21+$0x0], $0x3  }
0x281: {  	p1 =	por @p2 !p5, !p4;
	s24 =	sadd.s32 $0x1, s25;
	s2 =	smul.u32 @p2 $0x1B0, s26  }
0x282: {  	p1 =	por !p1, !p2;
	p6 =	seq.s32 s24, $0x0  }
.Ltmp15:
0x283: {  	s26 =	simm.s32 @!p3 $0x0;
	s0 =	ssub.s32 @p2 s0, s2;
	(pc) =	sbr.rel @p6 .LBB2_17-.Ltmp15, $4  }
0x284: {  	s26 =	simm.s32 @!p1 $0x8;
	s28 =	sshll.u32 @p2 s0, $0x4  }
0x285: {  	s29 =	simm.s32 @p2 $0x1;
	s2 =	sshll.u32 @!p2 s18, $0x6;
	s26 =	sadd.s32 @!p3 $0x0, s26;
	[tilespmem:s28+$0x28] =	vst.msk @p2 $0x3, v1  }
0x286: {  	s25 =	simm.s32 $0x0;
	s26 =	smov.u32 @p3 s22;
	s28 =	sshra.s32 @!p2 s2, $0x2;
	v1 =	vld.msk @!p2 [tilespmem:s21+$0x0], $0x3  }
0x287: {  	s25 =	smov.u32 @p2 s29;
	s18 =	smov.u32 @p2 s0;
	s22 =	smov.u32 @p2 s26;
	v2 =	vld.msk @!p2 [tilespmem:s28+$0x28], $0x3  }
.LBB2_16:
0x288: {  	_ =	sdelay $0x3  }
0x289: {  	v1 =	vmax.f32 @!p2 v1, v2  }
0x28a: {  	s19 =	sadd.s32 $0x1, s19;
	[tilespmem:s28+$0x28] =	vst.msk @!p2 $0x3, v1  }
0x28b: {  	v1 =	vld.msk [tilespmem:s19+$0x0], $0x1;
	_ =	sdelay $0x4  }
0x28c: {  	(v2sf) =	vpush v1, $0x0;
	_ =	sdelay $0xe  }
0x28d: {  	s26 =	smov.u32 s23;
	s23 =	spop (v2sf)  }
0x28e: {  	p2 =	sne.s32 s26, s23  }
0x28f: {  	p5 =	sne.s32 @p2 s26, s20  }
0x290: {  	s0 =	sadd.s32 @p2 $0x1, s18;
	p4 =	por !p5, !p2  }
0x291: {  	s28 =	sshll.u32 @!p2 s18, $0x6;
	s29 =	sadd.s32 @p2 $0x1, s25;
	s30 =	sshll.u32 @!p4 s25, $0x6  }
0x292: {  	s2 =	sshrl.u32 @p2 s0, $0x4;
	s31 =	sshll.u32 @!p4 s18, $0x6;
	s30 =	sshra.s32 @!p4 s30, $0x2  }
0x293: {  	p1 =	sgt.u32 @!p4 s26, $0x270FF;
	s2 =	smulhi.u32 @p2 $0x97B425F, s2;
	s31 =	sshra.s32 @!p4 s31, $0x2;
	v1 =	vld.msk @!p4 [tilespmem:s30+$0x1B38], $0x3  }
0x294: {  	s5 =	simm.s32 @!p4 $0x0;
	s25 =	smov.u32 @p2 s29;
	s29 =	rddreg [dreg:$0x3];
	v2 =	vld.msk @!p4 [tilespmem:s31+$0x28], $0x3  }
0x295: {  	p6 =	por @p2 p1, !p5;
	p1 =	por @p2 !p1, !p5;
	p5 =	por p5, !p2  }
0x296: {  	s30 =	sadd.s32 @!p4 $0x28, s31;
	p6 =	por p6, !p2;
	p1 =	por !p1, !p2  }
0x297: {  	s2 =	smul.u32 @p2 $0x1B0, s2;
	s10 =	sshll.u32 @!p5 s18, $0x6;
	s5 =	simm.s32 @!p1 $0x8  }
0x298: {  	s9 =	sand.u32 @!p6 $0x3FFF8, s26;
	s26 =	sand.u32 @!p6 $0x7, s26;
	s5 =	sadd.s32 @!p4 s5, s22  }
0x299: {  	s9 =	sadd.s32 @!p6 s1, s9;
	s0 =	ssub.s32 @p2 s0, s2;
	s5 =	smov.u32 @p4 s22;
	v1 =	vmax.f32 @!p4 v1, v2  }
0x29a: {  	s2 =	sshll.u32 @p2 s0, $0x4;
	s22 =	smov.u32 @p2 s5;
	s5 =	sshra.s32 @!p5 s10, $0x2;
	[tilespmem:s31+$0x28] =	vst.msk @!p4 $0x3, v1  }
0x29b: {  	[hbm4b:s9+s26] =	stream.linear.scatter @!p6 [tilespmem:s30], [sflag:$0xA], $0x2, $0x38;
	[tilespmem:$0x1F0E8] =	vst v63  }
0x29c: {  	s18 =	smov.u32 @p2 s0;
	s0 =	sadd.s32 @!p5 $0x28, s5;
	s5 =	simm.s32 @!p5 $0x1  }
0x29d: {  	[spmem:s29] =	stream.linear.scatter @!p5 [tilespmem:s0], [sflag:$0x1], $0x2, $0x38;
	[tilespmem:$0x1F0E8] =	vst v63  }
0x29e: {  	_ =	swait.ge @!p5 [sflag:s5], $0x2  }
0x29f: {  	[sflag:s5] =	ssyncset.done @!p5 $0x0  }
0x2a0: {  	s21 =	sadd.s32 $0x80, s21;
	[sflag:s5] =	ssyncadd.s32 @!p5 $0xFFFFFFFE  }
0x2a1: {  	v1 =	vld.msk @p2 [tilespmem:s21+$0x0], $0x3  }
0x2a2: {  	s24 =	sadd.s32 $0x1, s24  }
0x2a3: {  	p3 =	seq.s32 s24, $0x0  }
.Ltmp16:
0x2a4: {  	_ = 	snop;
	(pc) =	sbr.rel @!p3 .LBB2_16-.Ltmp16, $4  }
0x2a5: {  	_ = 	snop  }
0x2a6: {  	[tilespmem:s2+$0x28] =	vst.msk @p2 $0x3, v1  }
0x2a7: {  	s28 =	sshra.s32 @!p2 s28, $0x2;
	v1 =	vld.msk @!p2 [tilespmem:s21+$0x0], $0x3  }
0x2a8: {  	v2 =	vld.msk @!p2 [tilespmem:s28+$0x28], $0x3  }
.LBB2_17:
0x2a9: {  	_ = 	snop  }
.Ltmp17:
0x2aa: {  	_ = 	snop;
	(pc) =	sbr.rel .LBB2_19-.Ltmp17, $3  }
0x2ab: {  	s2 =	sld [smem:$0x7FD];
	_ =	sdelay $0x1  }
0x2ac: {  	v1 =	vmax.f32 @!p2 v1, v2  }
0x2ad: {  	s0 =	sshrl.u32 s22, $0x2;
	s24 =	smov.u32 s23;
	p4 =	seq.s32 s2, $0x1;
	[tilespmem:s28+$0x28] =	vst.msk @!p2 $0x3, v1  }
.LBB2_21:
0x2ae: {  	_ =	sfence.sel $0x180000  }
0x2af: {  	s0 =	simm.s32 $0x7;
	[bflag:$0x0] =	sbarrier.arrive $0xFFFF  }
0x2b0: {  	s25 =	simm.s32 $0x8;
	[sflag:s0] =	ssyncpa.u1 $0x1  }
0x2b1: {  	s26 =	simm.s32 $0x9;
	[sflag:s25] =	ssyncpa.u1 $0x1  }
0x2b2: {  	s28 =	simm.s32 $0x2;
	[sflag:s26] =	ssyncpa.u1 $0x1  }
0x2b3: {  	[sflag:s28] =	ssyncpa.u1 $0x1  }
0x2b4: {  	v0 =	vld [tilespmem:$0x3648];
	_ =	sdelay $0x4  }
0x2b5: {  	(v2sf) =	vpush v0, $0x0  }
0x2b6: {  	(v2sf) =	vpush v0, $0x1;
	_ =	sdelay $0x1  }
0x2b7: {  	(v2sf) =	vpush v0, $0x2;
	_ =	sdelay $0xb  }
0x2b8: {  	s0 =	spop (v2sf)  }
0x2b9: {  	s2 =	spop (v2sf)  }
0x2ba: {  	s3 =	smov.u32 s0;
	p0 =	sne.s32 s0, s2  }
0x2bb: {  	s4 =	spop (v2sf);
	s3 =	simm.s32 @!p0 $0xFFFFFFFF  }
0x2bc: {  	v2 =	vimm.s32 $0x1;
	v3 =	vlaneseq.u32;
	p0 =	seq.s32 s4, $0xFFFFFFFF;
	v1 =	vmov s3  }
0x2bd: {  	s7 =	stileid.u32;
	v0 =	vperm.xlane v0, v2;
	p1 =	sne.s32 @!p0 s0, s2;
	v1 =	vperm.xlane v1, v3  }
0x2be: {  	vm0 =	vcmask $0x3F04;
	s6 =	simm.s32 $0x3648;
	s0 =	simm.s32 @!p0 $0x1;
	p1 =	por !p1, p0  }
0x2bf: {  	s3 =	sshll.u32 s7, $0x1;
	s2 =	sshll.u32 @!p0 s4, $0x6;
	s0 =	simm.s32 @p1 $0x0;
	v0 =	vsel vm0, v1, v0  }
0x2c0: {  	s5 =	sor.u32 $0x200, s3;
	s2 =	sshra.s32 @!p0 s2, $0x2;
	s0 =	sor.u32 @!p0 s0, s3;
	[tilespmem:$0x3648] =	vst v0  }
0x2c1: {  	[spmem:s5] =	stream.linear.scatter [tilespmem:s6], [sflag:$0x1], $0x2, $0x38;
	[tilespmem:$0x1F0E8] =	vst v63  }
0x2c2: {  	s2 =	sadd.s32 @!p0 $0x28, s2;
	s0 =	sshll.u32 @!p0 s0, $0x4  }
0x2c3: {  	[spmem:s0] =	stream.linear.scatter @!p0 [tilespmem:s2], [sflag:$0x1], $0x10, $0x38;
	[tilespmem:$0x1F0E8] =	vst v63  }
0x2c4: {  	s0 =	simm.s32 @!p0 $0x12  }
0x2c5: {  	s3 =	simm.s32 $0x1;
	s0 =	simm.s32 @p0 $0x2  }
0x2c6: {  	_ =	swait.ge [sflag:s3], s0  }
0x2c7: {  	s0 =	ssub.s32 $0x0, s0;
	[sflag:s3] =	ssyncset.done $0x0  }
0x2c8: {  	[sflag:s3] =	ssyncadd.s32 s0  }
0x2c9: {  	_ =	sfence.stream.spmem  }
0x2ca: {  	s29 =	simm.s32 $0x3;
	[bflag:$0x0] =	sbarrier.arrive $0xFFFF  }
0x2cb: {  	s30 =	simm.s32 $0x4;
	[sflag:s29] =	ssyncpa.u1 $0x1  }
0x2cc: {  	s31 =	simm.s32 $0x3C;
	[sflag:s30] =	ssyncpa.u1 $0x1  }
0x2cd: {  	p0 =	sne.s32 s7, $0x0;
	[sflag:s31] =	ssyncpa.u1 $0x1  }
0x2ce: {  	_ =	sfence @p0  }
0x2cf: {  	[sflag:s3] =	ssyncpa.u1 @p0 $0x1  }
0x2d0: {  	_ =	strace @p0 $0x90000047  }
0x2d1: {  	[bflag:$0x2] =	sbarrier.arrive @p0 $0xFFFF  }
0x2d2: {  	_ =	shalt @p0  }
.LBB2_22:
0x2d3: {  	_ =	sfence.stream.spmem;
	s0 =	simm.s32 $0x5  }
0x2d4: {  	s2 =	simm.s32 $0x200;
	s3 =	simm.s32 $0x3658;
	[sflag:s0] =	ssyncpa.u1 $0x0  }
0x2d5: {  	[tilespmem:s3], [sflag:$0x5] =	stream.linear.gather [spmem:s2], $0x20, $0x38;
	[tilespmem:$0x1F0E8] =	vst v63  }
0x2d6: {  	s30 =	simm.s32 $0x3678;
	s2 =	simm.s32 $0x0  }
0x2d7: {  	[tilespmem:s30], [sflag:$0x5] =	stream.linear.gather [spmem:s2], $0x200, $0x38;
	[tilespmem:$0x1F0E8] =	vst v63  }
.Ltmp18:
0x2d8: {  	_ = 	snop;
	(pc) =	sbr.rel .LBB2_23-.Ltmp18, $4  }
0x2d9: {  	_ =	swait.ge [sflag:s0], $0x220  }
0x2da: {  	[sflag:s0] =	ssyncset.done $0x0  }
0x2db: {  	s31 =	simm.s32 $0x6;
	[sflag:s0] =	ssyncadd.s32 $0xFFFFFDE0  }
0x2dc: {  	s3 =	simm.s32 $0x0;
	[sflag:s31] =	ssyncpa.u1 $0x0  }
.LBB2_28:
0x2dd: {  	p0 =	slt.u32 s4, $0x27100  }
0x2de: {  	s0 =	sand.u32 @p0 $0x3FFF8, s4  }
0x2df: {  	s4 =	sand.u32 @p0 $0x7, s4;
	s5 =	simm.s32 @p0 $0x3638;
	s0 =	sadd.s32 @p0 s1, s0  }
0x2e0: {  	[tilespmem:s5], [sflag:$0x6] =	stream.linear.gather @p0 [hbm4b:s0+s4], $0x2, $0x38;
	[tilespmem:$0x1F0E8] =	vst v63  }
0x2e1: {  	s0 =	simm.s32 @p0 $0x6  }
0x2e2: {  	_ =	swait.ge @p0 [sflag:s0], $0x2  }
0x2e3: {  	[sflag:s0] =	ssyncset.done @p0 $0x0  }
0x2e4: {  	[sflag:s0] =	ssyncadd.s32 @p0 $0xFFFFFFFE;
	s0 =	sshll.u32 @p0 s3, $0x6  }
0x2e5: {  	v1 =	vld @p0 [tilespmem:$0x3638];
	s4 =	sshrl.u32 @p0 s0, $0x2  }
0x2e6: {  	v2 =	vld @p0 [tilespmem:s4+$0x3678];
	_ =	sdelay $0x4  }
0x2e7: {  	s5 =	sshll.u32 @!p0 s3, $0x6;
	v1 =	vmax.f32 @p0 v1, v2  }
0x2e8: {  	s5 =	smov.u32 @p0 s0;
	[tilespmem:s4+$0x3678] =	vst @p0 v1  }
0x2e9: {  	s0 =	sshrl.u32 s5, $0x2;
	[tilespmem:s2+$0x3658] =	vst.msk $0x1, v0  }
0x2ea: {  	v0 =	vld [tilespmem:s0+$0x3678];
	_ =	sdelay $0x2  }
0x2eb: {  	s31 =	sshll.u32 s2, $0x6  }
0x2ec: {  	s0 =	sshra.s32 s31, $0x2  }
0x2ed: {  	s2 =	sadd.s32 $0x1, s2;
	[tilespmem:s0+$0x3678] =	vst v0  }
.LBB2_30:
0x2ee: {  	s3 =	sadd.s32 $0x1, s3  }
0x2ef: {  	p0 =	sne.s32 s3, $0x20  }
.Ltmp19:
0x2f0: {  	_ = 	snop;
	(pc) =	sbr.rel @!p0 .LBB2_31-.Ltmp19, $1  }
0x2f1: {  	_ =	sdelay $0x3  }
.LBB2_23:
0x2f2: {  	v0 =	vld.msk [tilespmem:s3+$0x3658], $0x1;
	_ =	sdelay $0x4  }
0x2f3: {  	(v2sf) =	vpush v0, $0x0;
	_ =	sdelay $0xe  }
0x2f4: {  	s4 =	spop (v2sf)  }
0x2f5: {  	p0 =	seq.s32 s4, $0xFFFFFFFF  }
.Ltmp20:
0x2f6: {  	_ = 	snop;
	(pc) =	sbr.rel @p0 .LBB2_30-.Ltmp20, $1  }
0x2f7: {  	_ =	sdelay $0x3  }
0x2f8: {  	p0 =	slt.s32 s2, $0x1  }
.Ltmp21:
0x2f9: {  	_ = 	snop;
	(pc) =	sbr.rel @p0 .LBB2_28-.Ltmp21, $1  }
0x2fa: {  	_ =	sdelay $0x3  }
0x2fb: {  	s5 =	simm.s32 $0x3658;
	p0 =	por $0x0, $0x0  }
0x2fc: {  	v1 =	vld.msk @!p0 [tilespmem:s5+$0x0], $0x1;
	_ =	sdelay $0x4  }
0x2fd: {  	(v2sf) =	vpush @!p0 v1, $0x0;
	_ =	sdelay $0xd  }
0x2fe: {  	p2 =	sne.s32 s2, $0x1  }
.Ltmp22:
0x2ff: {  	s0 =	spop @!p0 (v2sf);
	(pc) =	sbr.rel @!p2 .LBB2_27-.Ltmp22, $4  }
0x300: {  	p1 =	seq.s32 @!p0 s4, s0  }
0x301: {  	s6 =	simm.s32 $0x0;
	p1 =	por !p1, p0  }
0x302: {  	s0 =	simm.s32 $0xFFFFFFFF;
	s6 =	simm.s32 @p1 $0xFFFFFFFF  }
0x303: {  	s7 =	simm.s32 $0x1;
	s6 =	smov.u32 @p0 s0  }
.LBB2_26:
0x304: {  	s0 =	smov.u32 s6;
	p0 =	sne.s32 s6, $0xFFFFFFFF  }
0x305: {  	s5 =	sadd.s32 $0x1, s5;
	s6 =	smov.u32 s7;
	s7 =	sadd.s32 $0x1, s7  }
0x306: {  	p1 =	sne.s32 s2, s7;
	v1 =	vld.msk @!p0 [tilespmem:s5+$0x0], $0x1;
	_ =	sdelay $0x4  }
0x307: {  	(v2sf) =	vpush @!p0 v1, $0x0;
	_ =	sdelay $0xe  }
.Ltmp23:
0x308: {  	s8 =	spop @!p0 (v2sf);
	(pc) =	sbr.rel @p1 .LBB2_26-.Ltmp23, $4  }
0x309: {  	p2 =	seq.s32 @!p0 s4, s8  }
0x30a: {  	p2 =	por !p2, p0  }
0x30b: {  	s6 =	simm.s32 @p2 $0xFFFFFFFF  }
0x30c: {  	s6 =	smov.u32 @p0 s0  }
.LBB2_27:
0x30d: {  	p0 =	sne.s32 s6, $0xFFFFFFFF  }
.Ltmp24:
0x30e: {  	_ = 	snop;
	(pc) =	sbr.rel @!p0 .LBB2_28-.Ltmp24, $1  }
0x30f: {  	_ =	sdelay $0x3  }
0x310: {  	s0 =	sshll.u32 s3, $0x4  }
0x311: {  	s4 =	sshll.u32 s6, $0x6;
	s0 =	sand.u32 $0x3FFFFFF0, s0  }
0x312: {  	s31 =	sshra.s32 s4, $0x2;
	v0 =	vld [tilespmem:s0+$0x3678]  }
0x313: {  	v1 =	vld [tilespmem:s31+$0x3678];
	_ =	sdelay $0x1  }
.Ltmp25:
0x314: {  	_ = 	snop;
	(pc) =	sbr.rel .LBB2_30-.Ltmp25, $3  }
0x315: {  	_ =	sdelay $0x1  }
0x316: {  	v0 =	vmax.f32 v0, v1  }
0x317: {  	[tilespmem:s31+$0x3678] =	vst v0  }
.LBB2_31:
0x318: {  	p0 =	slt.s32 s2, $0x1  }
.Ltmp26:
0x319: {  	_ = 	snop;
	(pc) =	sbr.rel @p0 .LBB2_35-.Ltmp26, $3  }
0x31a: {  	_ =	sdelay $0x1  }
0x31b: {  	s0 =	simm.s32 $0x6  }
0x31c: {  	s3 =	simm.s32 $0x0;
	[sflag:s0] =	ssyncpa.u1 $0x1  }
0x31d: {  	s0 =	simm.s32 $0x3658  }
0x31e: {  	v0 =	vld.msk [tilespmem:s0+$0x0], $0x1;
	_ =	sdelay $0x4  }
0x31f: {  	(v2sf) =	vpush v0, $0x0;
	_ =	sdelay $0xd  }
0x320: {  	s2 =	sadd.s32 $0xFFFFFFFF, s2  }
0x321: {  	p1 =	sne.s32 s2, $0x0;
	s0 =	spop (v2sf)  }
.Ltmp27:
0x322: {  	p0 =	sgt.u32 s0, $0x270FF;
	(pc) =	sbr.rel @!p1 .LBB2_34-.Ltmp27, $4  }
0x323: {  	s4 =	simm.s32 $0x3678;
	s5 =	sand.u32 @!p0 $0x3FFF8, s0  }
0x324: {  	s6 =	simm.s32 $0x0;
	s0 =	sand.u32 @!p0 $0x7, s0;
	s5 =	sadd.s32 @!p0 s1, s5  }
0x325: {  	[hbm4b:s5+s0] =	stream.linear.scatter @!p0 [tilespmem:s4], [sflag:$0x5], $0x2, $0x38;
	[tilespmem:$0x1F0E8] =	vst v63  }
0x326: {  	s6 =	simm.s32 @!p0 $0x8;
	s5 =	simm.s32 $0x3659  }
.LBB2_33:
0x327: {  	v0 =	vld.msk [tilespmem:s5+$0x0], $0x1;
	s2 =	sadd.s32 $0xFFFFFFFF, s2;
	s3 =	sadd.s32 s3, s6  }
0x328: {  	p0 =	sne.s32 s2, $0x0;
	_ =	sdelay $0x3  }
0x329: {  	(v2sf) =	vpush v0, $0x0;
	_ =	sdelay $0xe  }
.Ltmp28:
0x32a: {  	s0 =	spop (v2sf);
	(pc) =	sbr.rel @p0 .LBB2_33-.Ltmp28, $4  }
0x32b: {  	s6 =	simm.s32 $0x0;
	p1 =	sgt.u32 s0, $0x270FF  }
0x32c: {  	s4 =	sadd.s32 $0x10, s4;
	s6 =	simm.s32 @!p1 $0x8;
	s7 =	sand.u32 @!p1 $0x3FFF8, s0  }
0x32d: {  	s5 =	sadd.s32 $0x1, s5;
	s0 =	sand.u32 @!p1 $0x7, s0;
	s7 =	sadd.s32 @!p1 s1, s7  }
0x32e: {  	[hbm4b:s7+s0] =	stream.linear.scatter @!p1 [tilespmem:s4], [sflag:$0x5], $0x2, $0x38;
	[tilespmem:$0x1F0E8] =	vst v63  }
.LBB2_34:
0x32f: {  	s0 =	sadd.s32 s3, s6  }
0x330: {  	s3 =	sshrl.u32 s0, $0x2  }
.LBB2_35:
0x331: {  	s0 =	simm.s32 $0x5  }
0x332: {  	_ =	swait.ge [sflag:s0], s3  }
0x333: {  	s1 =	ssub.s32 $0x0, s3;
	[sflag:s0] =	ssyncset.done $0x0  }
0x334: {  	[sflag:s0] =	ssyncadd.s32 s1  }
0x335: {  	[sflag:s0] =	ssyncpa.u1 $0x1  }
0x336: {  	s30 =	simm.s32 $0x1;
	_ =	sfence  }
0x337: {  	[sflag:s30] =	ssyncpa.u1 $0x1  }
0x338: {  	_ =	strace $0x90000047  }
0x339: {  	[bflag:$0x2] =	sbarrier.arrive $0xFFFF  }
0x33a: {  	s31 =	rddreg [dreg:$0x2]  }
0x33b: {  	s0 =	sadd.s32 $0x100000, s31  }
0x33c: {  	[sflag:s0] =	ssyncadd.tile.s32 $0x1;
	_ =	shalt  }
.Lfunc_end2:
_tile_overlayer_lowered:
.L_overlay_start_2:
0x33d: {  	(tag) =	ssettag $0x2  }
0x33e: {  	s0 =	rddreg [dreg:$0x0];
	s2 =	stileid.u32  }
0x33f: {  	s1 =	rddreg [dreg:$0x1];
	p0 =	sne.s32 s2, $0x0  }
0x340: {  	s3 =	rddreg [dreg:$0x2];
	[bflag:$0x3] =	sbarrier.arrive $0xFFFF;
	s2 =	simm.s32 @!p0 $0x1C01  }
0x341: {  	[timem:s3], [sflag:s2] =	dma.local @!p0 [hbm:s0], s1  }
0x342: {  	s0 =	simm.s32 @!p0 $0x1  }
0x343: {  	_ =	swait.ge @!p0 [sflag:s0], s1  }
0x344: {  	s1 =	ssub.s32 @!p0 $0x0, s1;
	[sflag:s0] =	ssyncset.done @!p0 $0x0  }
0x345: {  	[sflag:s0] =	ssyncadd.s32 @!p0 s1  }
0x346: {  	[bflag:$0x3] =	sbarrier.arrive $0xFFFF  }
0x347: {  	_ =	shalt  }

// kernel: sparse-core-data-format-call.1.cloned.1.call-start
scs
called_computation.3_lowered:
.L_overlay_start_0:
0x0: {  	s2 =	sld [smem:$0x3FD9]  }
0x1: {  	s3 =	sld [smem:$0x3FFE];
	_ =	sdelay $0x1  }
0x2: {  	s1 =	srdreg.scid  }
0x3: {  	s0 =	sand.u32 $0x1, s1  }
0x4: {  	s18 =	sshll.u32 s0, $0xA;
	s2 =	sadd.s32 s3, s2  }
0x5: {  	s2 =	sadd.s32 s2, s18  }
0x6: {  	[smem:$0x3FC0] =	sst s2  }
0x7: {  	_ = 	snop  }
0x8: {  	(tm) =	ssettm $0x1  }
0x9: {  	s19 =	sld [smem:$0x3FFB];
	_ =	sdelay $0x3  }
0xa: {  	_ =	strace s19  }
0xb: {  	s2 =	sld [smem:$0x3FFC];
	_ =	sdelay $0x3  }
0xc: {  	_ =	strace s2  }
0xd: {  	s2 =	sld [smem:$0x3FFD];
	_ =	sdelay $0x3  }
0xe: {  	_ =	strace s2  }
0xf: {  	_ =	strace $0x8FFFFFFF  }
0x10: {  	s20 =	sld [smem:$0x3FDB];
	_ =	sdelay $0x1  }
0x11: {  	s21 =	simm.s32 $_scs_section_size  }
0x12: {  	s4 =	simm.s32 $_size__tile_overlayer_lowered;
	s5 =	simm.s32 $_tile_overlayer_lowered  }
0x13: {  	s6 =	simm.s32 $0x1BFF;
	s22 =	sshll.u32 s5, $0x1;
	s3 =	sadd.s32 s21, s20  }
0x14: {  	s23 =	simm.s32 $0x0;
	s4 =	sshll.u32 s4, $0x1;
	s5 =	sadd.s32 s22, s3  }
0x15: {  	[timem:s23], [sflag:s6] =	dma.local [hbm:s5], s4  }
0x16: {  	_ =	swait.ge [sflag:s6], s4  }
0x17: {  	s4 =	ssub.s32 $0x0, s4;
	[sflag:s6] =	ssyncset.done $0x0  }
0x18: {  	[sflag:s6] =	ssyncadd.s32 s4;
	_ =	sdelay $0x1  }
0x19: {  	s24 =	simm.s32 $0x1B8B  }
0x1a: {  	_ =	swait.ge [sflag:s24], $0x1  }
0x1b: {  	[sflag:s24] =	ssyncset.done $0x0  }
0x1c: {  	[sflag:s24] =	ssyncadd.s32 $0xFFFFFFFF  }
0x1d: {  	s4 =	sld [smem:$0x0]  }
0x1e: {  	s5 =	sand.u32 $0xFFFFFFFE, s1  }
0x1f: {  	p0 =	sne.s32 s1, s5  }
0x20: {  	s5 =	sshll.u32 @p0 s5, $0xE  }
0x21: {  	s5 =	sadd.s32 @p0 $0x11B8D, s5;
	s6 =	sshll.u32 @p0 s4, $0x11  }
0x22: {  	s5 =	sor.u32 @p0 s6, s5  }
0x23: {  	[sflag:s5] =	ssyncadd.remote.s32 @p0 $0x1;
	_ =	sdelay $0x1  }
0x24: {  	s5 =	simm.s32 @p0 $0x1B8D  }
0x25: {  	_ =	swait.eq @p0 [sflag:s5], $0x1  }
0x26: {  	[sflag:s5] =	ssyncadd.s32 @p0 $0xFFFFFFFF  }
0x27: {  	s6 =	sshll.u32 @!p0 s1, $0xE  }
0x28: {  	s6 =	sor.u32 @!p0 $0x4000, s6;
	s5 =	simm.s32 @!p0 $0x1B8D  }
0x29: {  	s4 =	sshll.u32 @!p0 s4, $0x11;
	s6 =	sadd.s32 @!p0 $0x11B8D, s6;
	_ =	swait.eq @!p0 [sflag:s5], $0x1  }
0x2a: {  	s4 =	sor.u32 @!p0 s4, s6;
	[sflag:s5] =	ssyncadd.s32 @!p0 $0xFFFFFFFF  }
0x2b: {  	s26 =	simm.s32 $0x1B8E;
	s25 =	sld [smem:$0x3FFE];
	[sflag:s4] =	ssyncadd.remote.s32 @!p0 $0x1  }
0x2c: {  	s27 =	simm.s32 $execute0_lowered;
	[smem:$0x3FD2] =	sst s26  }
0x2d: {  	s5 =	sshll.u32 s27, $0x1;
	_ =	strace $0x8000004C;
	[dreg:$0x1] =	wrdreg $0xFFFFFFFF  }
0x2e: {  	s28 =	simm.s32 $_size_execute0_lowered;
	s3 =	sadd.s32 s3, s5;
	[dreg:$0x0] =	wrdreg $0x0  }
0x2f: {  	s5 =	sshll.u32 s28, $0x1;
	[dreg:$0x2] =	wrdreg s3  }
0x30: {  	[dreg:$0x3] =	wrdreg s5  }
0x31: {  	[dreg:$0x4] =	wrdreg $0xC0  }
0x32: {  	_ =	task [dreg:s23], $0x5FFFF  }
0x33: {  	[dreg:$0x1] =	wrdreg $0xFFFFFFFF  }
0x34: {  	[dreg:$0x0] =	wrdreg $0x60  }
0x35: {  	[dreg:$0x2] =	wrdreg s25  }
0x36: {  	[dreg:$0x3] =	wrdreg $0xA  }
0x37: {  	_ =	task.clear_ibuf [dreg:s23], $0x4FFFF;
	_ =	strace $0x9000004C  }
0x38: {  	s29 =	simm.s32 $0xA;
	_ =	strace $0x8000004E  }
0x39: {  	_ =	swait.ge [sflag:s29], $0x1  }
0x3a: {  	[sflag:s29] =	ssyncadd.s32 $0xFFFFFFFF  }
0x3b: {  	_ =	strace $0x9000004E  }
0x3c: {  	_ =	sfence  }
0x3d: {  	s30 =	sld [smem:$0x0];
	_ =	sdelay $0x2  }
0x3e: {  	s31 =	sshll.u32 s1, $0xD;
	s1 =	sshrl.u32 s1, $0x2  }
0x3f: {  	s4 =	sand.u32 $0x4000, s31;
	s1 =	sadd.s32 s1, s30  }
0x40: {  	s0 =	sor.u32 s4, s0;
	s1 =	sshll.u32 s1, $0x11  }
0x41: {  	s0 =	sor.u32 s1, s0  }
0x42: {  	s0 =	sadd.s32 $0x8F2B, s0  }
0x43: {  	[sflag:s0] =	ssyncadd.remote.s32 $0x1  }
0x44: {  	_ =	sfence.sel $0xFFFF  }
0x45: {  	[dreg:$0x0] =	wrdreg $0xFFFFFFFF;
	(pc) =	sbr.abs _section_cstart, $3  }
0x46: {  	[dreg:$0x1] =	wrdreg $0xFFFFFFFF  }
0x47: {  	_ =	task.clear_ibuf [dreg:s23], $0x2FFFF;
	_ =	strace $0x9FFFFFFF  }
0x48: {  	(tm) =	ssettm $0x7FFFFFFF  }
0x49: {  	_ =	shalt  }
tec
execute0_lowered:
.L_overlay_start_1:
0x0: {  	(tag) =	ssettag $0x1  }
0x1: {  	s0 =	srdreg.scid  }
0x2: {  	s3 =	rddreg [dreg:$0x0];
	s1 =	sshll.u32 s0, $0x4  }
0x3: {  	s6 =	simm.s32 $0x1;
	s0 =	stileid.u32;
	s1 =	sand.u32 $0x10, s1  }
0x4: {  	s7 =	simm.s32 $0x2;
	s8 =	simm.s32 $0x0;
	s1 =	sor.u32 s0, s1  }
0x5: {  	s9 =	simm.s32 $0x0;
	s13 =	simm.s32 $0x0;
	s2 =	sshll.u32 s1, $0x4  }
0x6: {  	s14 =	simm.s32 $0x0;
	s11 =	simm.s32 $0x0;
	s5 =	ssub.s32 $0x2710, s2  }
.Ltmp0:
0x7: {  	s12 =	simm.s32 $0x0;
	s4 =	sand.u32 $0x1F0, s5;
	(pc) =	sbr.rel .LBB1_1-.Ltmp0, $4  }
0x8: {  	s1 =	rddreg [dreg:$0x1];
	_ =	strace $0x8000004D;
	p0 =	sne.s32 s4, $0x0  }
0x9: {  	s5 =	sshrl.u32 s5, $0x9;
	s4 =	simm.s32 $0x1;
	s6 =	simm.s32 @!p0 $0x0  }
0xa: {  	s10 =	smov.u32 s2;
	[sflag:s4] =	ssyncpa.u1 $0x0;
	s5 =	sadd.s32 s6, s5  }
0xb: {  	s6 =	sadd.s32 $0x15D3A00, s3;
	[sflag:s7] =	ssyncpa.u1 $0x0;
	s7 =	sadd.s32 $0x1, s5  }
.LBB1_7:
0xc: {  	s15 =	sadd.s32 $0x200, s10  }
0xd: {  	s13 =	sadd.s32 $0x2, s11;
	s17 =	smov.u32 s11;
	p1 =	sgt.s32 s15, $0x270F  }
0xe: {  	s17 =	smov.u32 @p1 s13  }
0xf: {  	s15 =	smov.u32 @p1 s2;
	p1 =	sgt.s32 s17, $0x1  }
0x10: {  	s17 =	simm.s32 @p1 $0x0;
	p1 =	sne.s32 s12, s7  }
.Ltmp1:
0x11: {  	p0 =	slt.u32 s12, $0x2;
	(pc) =	sbr.rel @!p1 .LBB1_8-.Ltmp1, $4  }
0x12: {  	s16 =	simm.s32 @!p0 $0x2  }
0x13: {  	s14 =	smov.u32 s11;
	s9 =	sadd.s32 $0x4000, s9;
	_ =	swait.ge @!p0 [sflag:s16], $0x4000  }
0x14: {  	s13 =	smov.u32 s10;
	[sflag:s16] =	ssyncset.done @!p0 $0x0;
	s10 =	smov.u32 s15  }
0x15: {  	s12 =	sadd.s32 $0x1, s12;
	[sflag:s16] =	ssyncadd.s32 @!p0 $0xFFFFC000;
	s11 =	smov.u32 s17  }
.LBB1_1:
0x16: {  	p0 =	sge.u32 s12, s5  }
0x17: {  	s15 =	sshll.u32 @!p0 s10, $0x9;
	s16 =	sshll.u32 @!p0 s10, $0x7  }
0x18: {  	s15 =	sand.u32 @!p0 $0xFFFFF000, s15;
	s16 =	sand.u32 @!p0 $0x200, s16  }
0x19: {  	s15 =	sor.u32 @!p0 s16, s15  }
0x1a: {  	s15 =	sshrl.u32 @!p0 s15, $0x9  }
0x1b: {  	s16 =	smulhi.u32 @!p0 $0x1A36E3, s15;
	_ =	sdelay $0x1  }
0x1c: {  	s16 =	sshrl.u32 @!p0 s16, $0x2  }
0x1d: {  	s16 =	smul.u32 @!p0 $0x2710, s16  }
0x1e: {  	s31 =	sadd.s32 $0xFFFFFFFF, s12;
	s17 =	smul.u32 @!p0 $0x9C400, s11  }
0x1f: {  	s18 =	sxor.u32 @!p0 $0xFFFFFFFF, s12;
	s15 =	ssub.s32 @!p0 s15, s16;
	s16 =	sshll.u32 @!p0 s10, $0x4  }
0x20: {  	s18 =	sshll.u32 @!p0 s18, $0xE;
	s17 =	sadd.s32 @!p0 s6, s17;
	s16 =	sand.u32 @!p0 $0x30, s16  }
0x21: {  	s18 =	sand.u32 @!p0 $0x4000, s18;
	s15 =	sshll.u32 @!p0 s15, $0x6;
	s16 =	sadd.s32 @!p0 s16, s17  }
0x22: {  	s17 =	simm.s32 @!p0 $0x4E2000;
	s15 =	sadd.s32 @!p0 s15, s16;
	s16 =	simm.s32 @!p0 $0x2000  }
0x23: {  	[tilespmem:s18], [sflag:$0x1] =	stream.strided.gather @!p0 [hbm4b:s15+s16], $0x4000, s17, s16, $0x38;
	[tilespmem:$0x10000] =	vst v63  }
0x24: {  	p0 =	sge.u32 s31, s5  }
.Ltmp2:
0x25: {  	_ = 	snop;
	(pc) =	sbr.rel @p0 .LBB1_7-.Ltmp2, $1  }
0x26: {  	_ =	sdelay $0x3  }
0x27: {  	s15 =	sshll.u32 s9, $0x2  }
0x28: {  	_ =	swait.ge [sflag:s4], $0x4000;
	s16 =	sshll.u32 s12, $0xE;
	s18 =	simm.s32 $0x0  }
0x29: {  	p1 =	por $0x1, $0x1;
	s20 =	simm.s32 $0x0;
	s15 =	sand.u32 $0x10000, s15  }
0x2a: {  	[sflag:s4] =	ssyncset.done $0x0;
	s16 =	sand.u32 $0x4000, s16;
	s17 =	sshrl.u32 s15, $0x2  }
0x2b: {  	[sflag:s4] =	ssyncadd.s32 $0xFFFFC000;
	s15 =	sor.u32 $0x8000, s16;
	s17 =	sadd.s32 $0x8200, s17  }
.LBB1_3:
0x2c: {  	s19 =	sshll.u32 s20, $0xD  }
0x2d: {  	s28 =	sand.u32 $0x1000, s18;
	s29 =	sand.u32 $0x380, s18;
	v1 =	vmov s19  }
0x2e: {  	s21 =	sadd.s32 s19, s16;
	s19 =	sor.u32 s29, s28  }
0x2f: {  	v0 =	vmov s21;
	s21 =	sand.u32 $0x1200, s19  }
0x30: {  	s22 =	sand.u32 $0x180, s18;
	s21 =	sadd.s32 s21, s16  }
0x31: {  	s21 =	sadd.s32 s22, s21  }
0x32: {  	v5 =	vld.idx.msk [tilespmem:v1+s21+$0xC00 ss:$0x1], $0xffff  }
0x33: {  	v6 =	vld.idx.msk [tilespmem:v1+s21+$0x0 ss:$0x1], $0xffff  }
0x34: {  	v7 =	vld.idx.msk [tilespmem:v1+s21+$0x10 ss:$0x1], $0xffff  }
0x35: {  	v8 =	vld.idx.msk [tilespmem:v1+s21+$0x20 ss:$0x1], $0xffff  }
0x36: {  	v9 =	vld.idx.msk [tilespmem:v1+s21+$0x30 ss:$0x1], $0xffff  }
0x37: {  	v10 =	vld.idx.msk [tilespmem:v1+s21+$0x40 ss:$0x1], $0xffff  }
0x38: {  	s30 =	sshll.u32 s20, $0x7;
	v11 =	vld.idx.msk [tilespmem:v1+s21+$0x50 ss:$0x1], $0xffff  }
0x39: {  	s20 =	sand.u32 $0x3FFFFF80, s30;
	v2 =	vld.idx.msk [tilespmem:v0+s19+$0x410 ss:$0x1], $0xffff  }
0x3a: {  	s20 =	sadd.s32 s20, s17;
	v3 =	vld.idx.msk [tilespmem:v0+s19+$0x420 ss:$0x1], $0xffff  }
0x3b: {  	v4 =	vld.idx.msk [tilespmem:v0+s19+$0x430 ss:$0x1], $0xffff;
	[tilespmem:s20+$0x100] =	vst v5  }
0x3c: {  	v12 =	vld.idx.msk [tilespmem:v0+s19+$0x810 ss:$0x1], $0xffff;
	[tilespmem:s20+$0xFFFFFE00] =	vst v6  }
0x3d: {  	v13 =	vld.idx.msk [tilespmem:v0+s19+$0x820 ss:$0x1], $0xffff;
	[tilespmem:s20+$0xFFFFFE10] =	vst v7  }
0x3e: {  	v14 =	vld.idx.msk [tilespmem:v0+s19+$0x830 ss:$0x1], $0xffff;
	[tilespmem:s20+$0xFFFFFE20] =	vst v8  }
0x3f: {  	v15 =	vld.idx.msk [tilespmem:v0+s19+$0x840 ss:$0x1], $0xffff;
	[tilespmem:s20+$0xFFFFFE30] =	vst v9  }
0x40: {  	v5 =	vld.idx.msk [tilespmem:v1+s21+$0x60 ss:$0x1], $0xffff;
	[tilespmem:s20+$0xFFFFFE40] =	vst v10  }
0x41: {  	v6 =	vld.idx.msk [tilespmem:v1+s21+$0x70 ss:$0x1], $0xffff;
	[tilespmem:s20+$0xFFFFFE50] =	vst v11  }
0x42: {  	v7 =	vld.idx.msk [tilespmem:v1+s21+$0x400 ss:$0x1], $0xffff;
	[tilespmem:s20+$0xFFFFFF10] =	vst v2  }
0x43: {  	v8 =	vld.idx.msk [tilespmem:v1+s21+$0x800 ss:$0x1], $0xffff;
	[tilespmem:s20+$0xFFFFFF20] =	vst v3  }
0x44: {  	v10 =	vld.idx.msk [tilespmem:v0+s19+$0x440 ss:$0x1], $0xffff;
	[tilespmem:s20+$0xFFFFFF30] =	vst v4  }
0x45: {  	v11 =	vld.idx.msk [tilespmem:v0+s19+$0x450 ss:$0x1], $0xffff;
	[tilespmem:s20+$0x10] =	vst v12  }
0x46: {  	v9 =	vld.idx.msk [tilespmem:v0+s19+$0x850 ss:$0x1], $0xffff;
	[tilespmem:s20+$0x20] =	vst v13  }
0x47: {  	v2 =	vld.idx.msk [tilespmem:v0+s19+$0xC20 ss:$0x1], $0xffff;
	[tilespmem:s20+$0x30] =	vst v14  }
0x48: {  	v3 =	vld.idx.msk [tilespmem:v0+s19+$0xC30 ss:$0x1], $0xffff;
	[tilespmem:s20+$0x40] =	vst v15  }
0x49: {  	v4 =	vld.idx.msk [tilespmem:v0+s19+$0xC40 ss:$0x1], $0xffff;
	[tilespmem:s20+$0xFFFFFE60] =	vst v5  }
0x4a: {  	v5 =	vld.idx.msk [tilespmem:v0+s19+$0x460 ss:$0x1], $0xffff;
	[tilespmem:s20+$0xFFFFFE70] =	vst v6  }
0x4b: {  	v6 =	vld.idx.msk [tilespmem:v0+s19+$0x470 ss:$0x1], $0xffff;
	[tilespmem:s20+$0xFFFFFF00] =	vst v7  }
0x4c: {  	[tilespmem:s20+$0x0] =	vst v8;
	v8 =	vld.idx.msk [tilespmem:v0+s19+$0x860 ss:$0x1], $0xffff  }
0x4d: {  	[tilespmem:s20+$0xFFFFFF40] =	vst v10;
	v7 =	vld.idx.msk [tilespmem:v0+s19+$0x870 ss:$0x1], $0xffff  }
0x4e: {  	[tilespmem:s20+$0xFFFFFF50] =	vst v11;
	v10 =	vld.idx.msk [tilespmem:v0+s19+$0xC60 ss:$0x1], $0xffff  }
0x4f: {  	s31 =	simm.s32 $0x200;
	p0 =	por p1, p1;
	s21 =	simm.s32 $0x80;
	[tilespmem:s20+$0xFFFFFF60] =	vst v5;
	v5 =	vld.idx.msk [tilespmem:v0+s19+$0xC10 ss:$0x1], $0xffff  }
0x50: {  	s23 =	sand.u32 $0x1000, s31;
	s22 =	simm.s32 $0x400;
	s24 =	sand.u32 $0x380, s21;
	[tilespmem:s20+$0xFFFFFF70] =	vst v6;
	v6 =	vld.idx.msk [tilespmem:v0+s19+$0xC50 ss:$0x1], $0xffff  }
.LBB1_4:
0x51: {  	p1 =	sne.s32 s22, $0x1E00;
	[tilespmem:s20+$0x50] =	vst v9;
	v9 =	vld.idx.msk [tilespmem:v0+s19+$0xC70 ss:$0x1], $0xffff;
	s19 =	sor.u32 s24, s23  }
0x52: {  	s23 =	sand.u32 $0x1200, s19;
	v11 =	vld.idx.msk [tilespmem:v0+s19+$0x410 ss:$0x1], $0xffff;
	[tilespmem:s20+$0x60] =	vst v8  }
0x53: {  	s24 =	sand.u32 $0x180, s21;
	s23 =	sadd.s32 s23, s16;
	v8 =	vld.idx.msk [tilespmem:v0+s19+$0x420 ss:$0x1], $0xffff;
	[tilespmem:s20+$0x70] =	vst v7  }
0x54: {  	s23 =	sadd.s32 s24, s23;
	v7 =	vld.idx.msk [tilespmem:v0+s19+$0x430 ss:$0x1], $0xffff;
	[tilespmem:s20+$0x110] =	vst v5  }
0x55: {  	v5 =	vld.idx.msk [tilespmem:v1+s23+$0xC00 ss:$0x1], $0xffff;
	[tilespmem:s20+$0x120] =	vst v2  }
0x56: {  	v2 =	vld.idx.msk [tilespmem:v1+s23+$0x0 ss:$0x1], $0xffff;
	[tilespmem:s20+$0x130] =	vst v3  }
0x57: {  	v3 =	vld.idx.msk [tilespmem:v1+s23+$0x10 ss:$0x1], $0xffff;
	[tilespmem:s20+$0x140] =	vst v4  }
0x58: {  	v4 =	vld.idx.msk [tilespmem:v1+s23+$0x20 ss:$0x1], $0xffff;
	[tilespmem:s20+$0x150] =	vst v6  }
0x59: {  	v6 =	vld.idx.msk [tilespmem:v1+s23+$0x30 ss:$0x1], $0xffff;
	[tilespmem:s20+$0x160] =	vst v10  }
0x5a: {  	v10 =	vld.idx.msk [tilespmem:v1+s23+$0x40 ss:$0x1], $0xffff;
	[tilespmem:s20+$0x170] =	vst v9;
	s20 =	sadd.s32 $0x400, s20  }
0x5b: {  	v9 =	vld.idx.msk [tilespmem:v1+s23+$0x50 ss:$0x1], $0xffff;
	[tilespmem:s20+$0x100] =	vst v5  }
0x5c: {  	[tilespmem:s20+$0xFFFFFE00] =	vst v2;
	v2 =	vld.idx.msk [tilespmem:v1+s23+$0x60 ss:$0x1], $0xffff  }
0x5d: {  	[tilespmem:s20+$0xFFFFFE10] =	vst v3;
	v3 =	vld.idx.msk [tilespmem:v1+s23+$0x70 ss:$0x1], $0xffff  }
0x5e: {  	[tilespmem:s20+$0xFFFFFE20] =	vst v4;
	v4 =	vld.idx.msk [tilespmem:v1+s23+$0x400 ss:$0x1], $0xffff  }
0x5f: {  	[tilespmem:s20+$0xFFFFFE30] =	vst v6;
	v5 =	vld.idx.msk [tilespmem:v1+s23+$0x800 ss:$0x1], $0xffff  }
0x60: {  	[tilespmem:s20+$0xFFFFFE40] =	vst v10;
	v6 =	vld.idx.msk [tilespmem:v0+s19+$0x440 ss:$0x1], $0xffff  }
0x61: {  	[tilespmem:s20+$0xFFFFFE50] =	vst v9;
	v10 =	vld.idx.msk [tilespmem:v0+s19+$0x450 ss:$0x1], $0xffff  }
0x62: {  	[tilespmem:s20+$0xFFFFFE60] =	vst v2;
	v2 =	vld.idx.msk [tilespmem:v0+s19+$0x460 ss:$0x1], $0xffff  }
0x63: {  	[tilespmem:s20+$0xFFFFFE70] =	vst v3;
	v3 =	vld.idx.msk [tilespmem:v0+s19+$0x470 ss:$0x1], $0xffff  }
0x64: {  	[tilespmem:s20+$0xFFFFFF00] =	vst v4;
	v4 =	vld.idx.msk [tilespmem:v0+s19+$0x810 ss:$0x1], $0xffff  }
0x65: {  	[tilespmem:s20+$0x0] =	vst v5;
	v12 =	vld.idx.msk [tilespmem:v0+s19+$0x820 ss:$0x1], $0xffff  }
0x66: {  	[tilespmem:s20+$0xFFFFFF10] =	vst v11;
	v11 =	vld.idx.msk [tilespmem:v0+s19+$0x830 ss:$0x1], $0xffff  }
0x67: {  	[tilespmem:s20+$0xFFFFFF20] =	vst v8;
	v13 =	vld.idx.msk [tilespmem:v0+s19+$0x840 ss:$0x1], $0xffff  }
0x68: {  	[tilespmem:s20+$0xFFFFFF30] =	vst v7;
	v9 =	vld.idx.msk [tilespmem:v0+s19+$0x850 ss:$0x1], $0xffff  }
0x69: {  	[tilespmem:s20+$0xFFFFFF40] =	vst v6;
	v8 =	vld.idx.msk [tilespmem:v0+s19+$0x860 ss:$0x1], $0xffff  }
0x6a: {  	[tilespmem:s20+$0xFFFFFF50] =	vst v10;
	v7 =	vld.idx.msk [tilespmem:v0+s19+$0x870 ss:$0x1], $0xffff  }
0x6b: {  	[tilespmem:s20+$0xFFFFFF60] =	vst v2;
	v5 =	vld.idx.msk [tilespmem:v0+s19+$0xC10 ss:$0x1], $0xffff  }
.Ltmp3:
0x6c: {  	[tilespmem:s20+$0xFFFFFF70] =	vst v3;
	v2 =	vld.idx.msk [tilespmem:v0+s19+$0xC20 ss:$0x1], $0xffff;
	(pc) =	sbr.rel @p1 .LBB1_4-.Ltmp3, $4  }
0x6d: {  	[tilespmem:s20+$0x10] =	vst v4;
	v3 =	vld.idx.msk [tilespmem:v0+s19+$0xC30 ss:$0x1], $0xffff  }
0x6e: {  	[tilespmem:s20+$0x20] =	vst v12;
	v4 =	vld.idx.msk [tilespmem:v0+s19+$0xC40 ss:$0x1], $0xffff  }
0x6f: {  	s21 =	sadd.s32 $0x80, s21;
	[tilespmem:s20+$0x30] =	vst v11;
	v6 =	vld.idx.msk [tilespmem:v0+s19+$0xC50 ss:$0x1], $0xffff  }
0x70: {  	s24 =	sand.u32 $0x380, s21;
	s23 =	sand.u32 $0x1000, s22;
	s22 =	sadd.s32 $0x200, s22;
	[tilespmem:s20+$0x40] =	vst v13;
	v10 =	vld.idx.msk [tilespmem:v0+s19+$0xC60 ss:$0x1], $0xffff  }
0x71: {  	[tilespmem:s20+$0x50] =	vst v9  }
0x72: {  	[tilespmem:s20+$0x60] =	vst v8  }
0x73: {  	[tilespmem:s20+$0x70] =	vst v7  }
0x74: {  	[tilespmem:s20+$0x110] =	vst v5  }
0x75: {  	s22 =	sor.u32 s24, s23;
	v31 =	vld.idx.msk [tilespmem:v0+s19+$0xC70 ss:$0x1], $0xffff;
	[tilespmem:s20+$0x120] =	vst v2  }
0x76: {  	[tilespmem:s20+$0x130] =	vst v3;
	v43 =	vld.idx.msk [tilespmem:v0+s22+$0x410 ss:$0x1], $0xffff  }
0x77: {  	v44 =	vld.idx.msk [tilespmem:v0+s22+$0x420 ss:$0x1], $0xffff;
	[tilespmem:s20+$0x140] =	vst v4  }
0x78: {  	v45 =	vld.idx.msk [tilespmem:v0+s22+$0x430 ss:$0x1], $0xffff;
	[tilespmem:s20+$0x150] =	vst v6  }
0x79: {  	v46 =	vld.idx.msk [tilespmem:v0+s22+$0x440 ss:$0x1], $0xffff;
	[tilespmem:s20+$0x160] =	vst v10  }
0x7a: {  	s31 =	sadd.s32 $0x400, s20;
	v47 =	vld.idx.msk [tilespmem:v0+s22+$0x450 ss:$0x1], $0xffff;
	[tilespmem:s20+$0x170] =	vst v31  }
0x7b: {  	v48 =	vld.idx.msk [tilespmem:v0+s22+$0x460 ss:$0x1], $0xffff;
	[tilespmem:s31+$0xFFFFFF10] =	vst v43  }
0x7c: {  	v49 =	vld.idx.msk [tilespmem:v0+s22+$0x470 ss:$0x1], $0xffff;
	[tilespmem:s31+$0xFFFFFF20] =	vst v44  }
0x7d: {  	v50 =	vld.idx.msk [tilespmem:v0+s22+$0x810 ss:$0x1], $0xffff;
	[tilespmem:s31+$0xFFFFFF30] =	vst v45  }
0x7e: {  	v51 =	vld.idx.msk [tilespmem:v0+s22+$0x820 ss:$0x1], $0xffff;
	[tilespmem:s31+$0xFFFFFF40] =	vst v46  }
0x7f: {  	v52 =	vld.idx.msk [tilespmem:v0+s22+$0x830 ss:$0x1], $0xffff;
	[tilespmem:s31+$0xFFFFFF50] =	vst v47  }
0x80: {  	v53 =	vld.idx.msk [tilespmem:v0+s22+$0x840 ss:$0x1], $0xffff;
	[tilespmem:s31+$0xFFFFFF60] =	vst v48  }
0x81: {  	v54 =	vld.idx.msk [tilespmem:v0+s22+$0x850 ss:$0x1], $0xffff;
	[tilespmem:s31+$0xFFFFFF70] =	vst v49  }
0x82: {  	v55 =	vld.idx.msk [tilespmem:v0+s22+$0x860 ss:$0x1], $0xffff;
	[tilespmem:s31+$0x10] =	vst v50  }
0x83: {  	v56 =	vld.idx.msk [tilespmem:v0+s22+$0x870 ss:$0x1], $0xffff;
	[tilespmem:s31+$0x20] =	vst v51  }
0x84: {  	v57 =	vld.idx.msk [tilespmem:v0+s22+$0xC10 ss:$0x1], $0xffff;
	[tilespmem:s31+$0x30] =	vst v52  }
0x85: {  	v58 =	vld.idx.msk [tilespmem:v0+s22+$0xC20 ss:$0x1], $0xffff;
	[tilespmem:s31+$0x40] =	vst v53  }
0x86: {  	v59 =	vld.idx.msk [tilespmem:v0+s22+$0xC30 ss:$0x1], $0xffff;
	[tilespmem:s31+$0x50] =	vst v54  }
0x87: {  	v60 =	vld.idx.msk [tilespmem:v0+s22+$0xC40 ss:$0x1], $0xffff;
	[tilespmem:s31+$0x60] =	vst v55  }
0x88: {  	s23 =	sand.u32 $0x1200, s22;
	v61 =	vld.idx.msk [tilespmem:v0+s22+$0xC50 ss:$0x1], $0xffff;
	[tilespmem:s31+$0x70] =	vst v56  }
0x89: {  	s21 =	sand.u32 $0x180, s21;
	v62 =	vld.idx.msk [tilespmem:v0+s22+$0xC60 ss:$0x1], $0xffff;
	s23 =	sadd.s32 s23, s16;
	[tilespmem:s31+$0x110] =	vst v57  }
0x8a: {  	v63 =	vld.idx.msk [tilespmem:v0+s22+$0xC70 ss:$0x1], $0xffff;
	s30 =	sadd.s32 s21, s23;
	[tilespmem:s31+$0x120] =	vst v58  }
0x8b: {  	v32 =	vld.idx.msk [tilespmem:v1+s30+$0xC00 ss:$0x1], $0xffff;
	[tilespmem:s31+$0x130] =	vst v59  }
0x8c: {  	v33 =	vld.idx.msk [tilespmem:v1+s30+$0x0 ss:$0x1], $0xffff;
	[tilespmem:s31+$0x140] =	vst v60  }
0x8d: {  	v34 =	vld.idx.msk [tilespmem:v1+s30+$0x10 ss:$0x1], $0xffff;
	[tilespmem:s31+$0x150] =	vst v61  }
0x8e: {  	v35 =	vld.idx.msk [tilespmem:v1+s30+$0x20 ss:$0x1], $0xffff;
	[tilespmem:s31+$0x160] =	vst v62  }
0x8f: {  	v36 =	vld.idx.msk [tilespmem:v1+s30+$0x30 ss:$0x1], $0xffff;
	[tilespmem:s31+$0x170] =	vst v63  }
0x90: {  	v37 =	vld.idx.msk [tilespmem:v1+s30+$0x40 ss:$0x1], $0xffff;
	[tilespmem:s31+$0x100] =	vst v32  }
0x91: {  	v38 =	vld.idx.msk [tilespmem:v1+s30+$0x50 ss:$0x1], $0xffff;
	[tilespmem:s31+$0xFFFFFE00] =	vst v33  }
0x92: {  	v39 =	vld.idx.msk [tilespmem:v1+s30+$0x60 ss:$0x1], $0xffff;
	[tilespmem:s31+$0xFFFFFE10] =	vst v34  }
0x93: {  	v40 =	vld.idx.msk [tilespmem:v1+s30+$0x70 ss:$0x1], $0xffff;
	[tilespmem:s31+$0xFFFFFE20] =	vst v35  }
0x94: {  	v41 =	vld.idx.msk [tilespmem:v1+s30+$0x400 ss:$0x1], $0xffff;
	[tilespmem:s31+$0xFFFFFE30] =	vst v36  }
0x95: {  	v42 =	vld.idx.msk [tilespmem:v1+s30+$0x800 ss:$0x1], $0xffff;
	[tilespmem:s31+$0xFFFFFE40] =	vst v37  }
.Ltmp4:
0x96: {  	[tilespmem:s31+$0xFFFFFE50] =	vst v38;
	(pc) =	sbr.rel @p0 .LBB1_3-.Ltmp4, $4  }
0x97: {  	[tilespmem:s31+$0xFFFFFE60] =	vst v39  }
0x98: {  	[tilespmem:s31+$0xFFFFFE70] =	vst v40  }
0x99: {  	[tilespmem:s31+$0xFFFFFF00] =	vst v41  }
0x9a: {  	p1 =	por $0x0, $0x0;
	s20 =	simm.s32 $0x1;
	[tilespmem:s31+$0x0] =	vst v42  }
.Ltmp5:
0x9b: {  	s14 =	sshll.u32 s14, $0x4;
	(pc) =	sbr.rel .LBB1_7-.Ltmp5, $4  }
0x9c: {  	s14 =	sand.u32 $0x10, s14  }
0x9d: {  	s13 =	sshll.u32 s13, $0x7;
	s14 =	sadd.s32 s3, s14  }
0x9e: {  	s13 =	sadd.s32 s13, s14  }
0x9f: {  	[hbm4b:s13+s8] =	stream.linear.scatter [tilespmem:s15], [sflag:$0x2], $0x4000, $0x38;
	[tilespmem:$0x10000] =	vst v63  }
.LBB1_8:
0xa0: {  	_ =	sfence.sel $0x180000  }
0xa1: {  	s2 =	simm.s32 $0x1;
	[bflag:$0x0] =	sbarrier.arrive $0xFFFF  }
0xa2: {  	s31 =	simm.s32 $0x2;
	[sflag:s2] =	ssyncpa.u1 $0x1  }
0xa3: {  	[sflag:s31] =	ssyncpa.u1 $0x1  }
0xa4: {  	p0 =	sne.s32 s0, $0x0;
	_ =	strace $0x9000004D  }
0xa5: {  	s0 =	sadd.s32 @!p0 $0x100000, s1;
	[bflag:$0x2] =	sbarrier.arrive $0xFFFF  }
0xa6: {  	[sflag:s0] =	ssyncadd.tile.s32 @!p0 $0x1;
	_ =	shalt  }
.Lfunc_end1:
_tile_overlayer_lowered:
.L_overlay_start_2:
0xa7: {  	(tag) =	ssettag $0x2  }
0xa8: {  	s0 =	rddreg [dreg:$0x0];
	s2 =	stileid.u32  }
0xa9: {  	s1 =	rddreg [dreg:$0x1];
	p0 =	sne.s32 s2, $0x0  }
0xaa: {  	s3 =	rddreg [dreg:$0x2];
	[bflag:$0x3] =	sbarrier.arrive $0xFFFF;
	s2 =	simm.s32 @!p0 $0x1C01  }
0xab: {  	[timem:s3], [sflag:s2] =	dma.local @!p0 [hbm:s0], s1  }
0xac: {  	s0 =	simm.s32 @!p0 $0x1  }
0xad: {  	_ =	swait.ge @!p0 [sflag:s0], s1  }
0xae: {  	s1 =	ssub.s32 @!p0 $0x0, s1;
	[sflag:s0] =	ssyncset.done @!p0 $0x0  }
0xaf: {  	[sflag:s0] =	ssyncadd.s32 @!p0 s1  }
0xb0: {  	[bflag:$0x3] =	sbarrier.arrive $0xFFFF  }
0xb1: {  	_ =	shalt  }

// kernel: sparse-core-data-format-call.cloned.1.call-start
scs
called_computation.2_lowered:
.L_overlay_start_0:
0x0: {  	s1 =	sld [smem:$0x3FD9]  }
0x1: {  	s2 =	sld [smem:$0x3FFE];
	_ =	sdelay $0x1  }
0x2: {  	s3 =	srdreg.scid  }
0x3: {  	s0 =	sand.u32 $0x1, s3  }
0x4: {  	s17 =	sshll.u32 s0, $0xA;
	s1 =	sadd.s32 s2, s1  }
0x5: {  	s1 =	sadd.s32 s1, s17  }
0x6: {  	[smem:$0x3FC0] =	sst s1  }
0x7: {  	_ = 	snop  }
0x8: {  	(tm) =	ssettm $0x1  }
0x9: {  	s18 =	sld [smem:$0x3FFB];
	_ =	sdelay $0x3  }
0xa: {  	_ =	strace s18  }
0xb: {  	s1 =	sld [smem:$0x3FFC];
	_ =	sdelay $0x3  }
0xc: {  	_ =	strace s1  }
0xd: {  	s1 =	sld [smem:$0x3FFD];
	_ =	sdelay $0x3  }
0xe: {  	_ =	strace s1  }
0xf: {  	_ =	strace $0x8FFFFFFF  }
0x10: {  	s19 =	sld [smem:$0x3FDB];
	_ =	sdelay $0x1  }
0x11: {  	s20 =	simm.s32 $_scs_section_size  }
0x12: {  	s4 =	simm.s32 $_size__tile_overlayer_lowered;
	s5 =	simm.s32 $_tile_overlayer_lowered  }
0x13: {  	s23 =	simm.s32 $0x1BFF;
	s22 =	sshll.u32 s5, $0x1;
	s1 =	sadd.s32 s20, s19  }
0x14: {  	s6 =	simm.s32 $0x0;
	s21 =	sshll.u32 s4, $0x1;
	s4 =	sadd.s32 s22, s1  }
0x15: {  	[timem:s6], [sflag:s23] =	dma.local [hbm:s4], s21  }
0x16: {  	_ =	swait.ge [sflag:s23], s21  }
0x17: {  	s2 =	ssub.s32 $0x0, s21;
	[sflag:s23] =	ssyncset.done $0x0  }
0x18: {  	[sflag:s23] =	ssyncadd.s32 s2;
	_ =	sdelay $0x1  }
0x19: {  	s24 =	simm.s32 $0x1B8B  }
0x1a: {  	_ =	swait.ge [sflag:s24], $0x1  }
0x1b: {  	[sflag:s24] =	ssyncset.done $0x0  }
0x1c: {  	s26 =	simm.s32 $0x1B8E;
	s25 =	sld [smem:$0x3FFE];
	[sflag:s24] =	ssyncadd.s32 $0xFFFFFFFF  }
0x1d: {  	s27 =	simm.s32 $execute0_lowered;
	[smem:$0x3FD2] =	sst s26  }
0x1e: {  	s4 =	sshll.u32 s27, $0x1;
	_ =	strace $0x80000052;
	[dreg:$0x1] =	wrdreg $0xFFFFFFFF  }
0x1f: {  	s28 =	simm.s32 $_size_execute0_lowered;
	s1 =	sadd.s32 s1, s4;
	[dreg:$0x0] =	wrdreg $0x0  }
0x20: {  	s4 =	sshll.u32 s28, $0x1;
	[dreg:$0x2] =	wrdreg s1  }
0x21: {  	[dreg:$0x3] =	wrdreg s4  }
0x22: {  	[dreg:$0x4] =	wrdreg $0xC0  }
0x23: {  	_ =	task [dreg:s6], $0x5FFFF  }
0x24: {  	[dreg:$0x1] =	wrdreg $0xFFFFFFFF  }
0x25: {  	[dreg:$0x0] =	wrdreg $0x60  }
0x26: {  	[dreg:$0x2] =	wrdreg s25  }
0x27: {  	[dreg:$0x3] =	wrdreg $0x9  }
0x28: {  	_ =	task.clear_ibuf [dreg:s6], $0x4FFFF;
	_ =	strace $0x90000052  }
0x29: {  	s29 =	simm.s32 $0x9;
	_ =	strace $0x80000054  }
0x2a: {  	_ =	swait.ge [sflag:s29], $0x1  }
0x2b: {  	[sflag:s29] =	ssyncadd.s32 $0xFFFFFFFF  }
0x2c: {  	_ =	strace $0x90000054  }
0x2d: {  	_ =	sfence  }
0x2e: {  	s30 =	sld [smem:$0x0];
	_ =	sdelay $0x2  }
0x2f: {  	s31 =	sshll.u32 s3, $0xD;
	s3 =	sshrl.u32 s3, $0x2  }
0x30: {  	s2 =	sand.u32 $0x4000, s31;
	s1 =	sadd.s32 s3, s30  }
0x31: {  	s0 =	sor.u32 s2, s0;
	s1 =	sshll.u32 s1, $0x11  }
0x32: {  	s0 =	sor.u32 s1, s0  }
0x33: {  	s0 =	sadd.s32 $0x8F2B, s0  }
0x34: {  	[sflag:s0] =	ssyncadd.remote.s32 $0x1  }
0x35: {  	_ =	sfence.sel $0xFFFF  }
0x36: {  	[dreg:$0x0] =	wrdreg $0xFFFFFFFF;
	(pc) =	sbr.abs _section_cstart, $3  }
0x37: {  	[dreg:$0x1] =	wrdreg $0xFFFFFFFF  }
0x38: {  	_ =	task.clear_ibuf [dreg:s6], $0x2FFFF;
	_ =	strace $0x9FFFFFFF  }
0x39: {  	(tm) =	ssettm $0x7FFFFFFF  }
tec
execute0_lowered:
.L_overlay_start_1:
0x0: {  	(tag) =	ssettag $0x1  }
0x1: {  	s0 =	srdreg.scid  }
0x2: {  	s1 =	sshll.u32 s0, $0x4  }
0x3: {  	s0 =	stileid.u32;
	s1 =	sand.u32 $0x10, s1  }
0x4: {  	s2 =	rddreg [dreg:$0x0];
	s7 =	simm.s32 $0x1;
	s1 =	sor.u32 s0, s1  }
0x5: {  	s8 =	simm.s32 $0x2;
	s12 =	simm.s32 $0x0;
	s3 =	sshll.u32 s1, $0x4  }
0x6: {  	s9 =	simm.s32 $0x4E2000;
	s11 =	simm.s32 $0x0;
	s6 =	ssub.s32 $0x2710, s3  }
.Ltmp0:
0x7: {  	s4 =	sadd.s32 $0x138800, s2;
	s5 =	sand.u32 $0x1F0, s6;
	(pc) =	sbr.rel .LBB1_1-.Ltmp0, $4  }
0x8: {  	s1 =	rddreg [dreg:$0x1];
	_ =	strace $0x80000053;
	p0 =	sne.s32 s5, $0x0  }
0x9: {  	s6 =	sshrl.u32 s6, $0x9;
	s5 =	simm.s32 $0x1;
	s7 =	simm.s32 @!p0 $0x0  }
0xa: {  	s10 =	smov.u32 s3;
	[sflag:s5] =	ssyncpa.u1 $0x0;
	s6 =	sadd.s32 s7, s6  }
0xb: {  	[sflag:s8] =	ssyncpa.u1 $0x0;
	s8 =	simm.s32 $0x2000;
	s7 =	sadd.s32 $0x1, s6  }
.LBB1_7:
0xc: {  	s14 =	sadd.s32 $0x200, s10  }
0xd: {  	p1 =	sgt.s32 s14, $0x270F  }
0xe: {  	s14 =	smov.u32 @p1 s3;
	p1 =	sne.s32 s11, s7  }
.Ltmp1:
0xf: {  	p0 =	slt.u32 s11, $0x2;
	(pc) =	sbr.rel @!p1 .LBB1_8-.Ltmp1, $4  }
0x10: {  	s13 =	simm.s32 @!p0 $0x2  }
0x11: {  	_ =	swait.ge @!p0 [sflag:s13], $0x4000  }
0x12: {  	s15 =	sadd.s32 $0x1, s11;
	s12 =	smov.u32 s10;
	[sflag:s13] =	ssyncset.done @!p0 $0x0  }
0x13: {  	s11 =	smov.u32 s15;
	s10 =	smov.u32 s14;
	[sflag:s13] =	ssyncadd.s32 @!p0 $0xFFFFC000  }
.LBB1_1:
0x14: {  	p0 =	sge.u32 s11, s6  }
0x15: {  	s13 =	sxor.u32 @!p0 $0xFFFFFFFF, s11  }
0x16: {  	s31 =	sadd.s32 $0xFFFFFFFF, s11;
	s14 =	sshll.u32 @!p0 s10, $0x7;
	s13 =	sshll.u32 @!p0 s13, $0xE  }
0x17: {  	s15 =	simm.s32 @!p0 $0x0;
	s14 =	sadd.s32 @!p0 s2, s14;
	s13 =	sand.u32 @!p0 $0x4000, s13  }
0x18: {  	[tilespmem:s13], [sflag:$0x1] =	stream.linear.gather @!p0 [hbm4b:s14+s15], $0x4000, $0x38;
	[tilespmem:$0x10000] =	vst v63  }
0x19: {  	p0 =	sge.u32 s31, s6  }
.Ltmp2:
0x1a: {  	_ = 	snop;
	(pc) =	sbr.rel @p0 .LBB1_7-.Ltmp2, $1  }
0x1b: {  	_ =	sdelay $0x3  }
0x1c: {  	_ =	swait.ge [sflag:s5], $0x4000;
	s13 =	sshll.u32 s11, $0xE  }
0x1d: {  	[sflag:s5] =	ssyncset.done $0x0;
	s14 =	sand.u32 $0x4000, s13  }
0x1e: {  	s15 =	simm.s32 $0x0;
	[sflag:s5] =	ssyncadd.s32 $0xFFFFC000;
	s13 =	sor.u32 $0x8000, s14  }
.LBB1_3:
0x1f: {  	s16 =	sshll.u32 s15, $0x9;
	s17 =	sshll.u32 s15, $0x7  }
0x20: {  	s16 =	sand.u32 $0x1000, s16;
	s18 =	sand.u32 $0x380, s17  }
0x21: {  	s16 =	sor.u32 s18, s16  }
0x22: {  	s27 =	sshll.u32 s15, $0xA;
	s19 =	sand.u32 $0x1200, s16  }
0x23: {  	s17 =	sand.u32 $0x180, s17;
	s18 =	sand.u32 $0x3FFFFC00, s27;
	s19 =	sadd.s32 s19, s13  }
0x24: {  	s18 =	sadd.s32 s18, s14;
	s17 =	sadd.s32 s17, s19  }
0x25: {  	s16 =	sadd.s32 s16, s13;
	v0 =	vmov s18;
	s19 =	sadd.s32 $0x10, s17  }
0x26: {  	v10 =	vmov s16;
	s20 =	sadd.s32 $0x20, s17;
	s28 =	sadd.s32 $0x30, s17;
	s21 =	sadd.s32 $0x40, s17;
	v1 =	vmov s17;
	v2 =	vmov s19  }
0x27: {  	s22 =	sadd.s32 $0x50, s17;
	s29 =	sadd.s32 $0x60, s17;
	s30 =	sadd.s32 $0x70, s17;
	v3 =	vmov s20;
	v4 =	vmov s28;
	v5 =	vmov s21  }
0x28: {  	s23 =	sadd.s32 $0x400, s17;
	s31 =	sadd.s32 $0x800, s17;
	s17 =	sadd.s32 $0xC00, s17;
	v6 =	vmov s22;
	v7 =	vmov s29;
	v8 =	vmov s30  }
0x29: {  	p0 =	por $0x1, $0x1;
	s16 =	simm.s32 $0x0;
	v9 =	vmov s23;
	v11 =	vmov s31;
	v12 =	vmov s17  }
.LBB1_4:
0x2a: {  	s17 =	sshll.u32 s16, $0x7  }
0x2b: {  	s17 =	sand.u32 $0x3FFFFF80, s17  }
0x2c: {  	v13 =	vld.idx.msk [tilespmem:v0+s17+$0x0 ss:$0x1], $0xffff  }
0x2d: {  	v14 =	vld.idx.msk [tilespmem:v0+s17+$0x10 ss:$0x1], $0xffff  }
0x2e: {  	v15 =	vld.idx.msk [tilespmem:v0+s17+$0x20 ss:$0x1], $0xffff  }
0x2f: {  	v16 =	vld.idx.msk [tilespmem:v0+s17+$0x30 ss:$0x1], $0xffff  }
0x30: {  	s31 =	sshll.u32 s16, $0xD;
	v17 =	vld.idx.msk [tilespmem:v0+s17+$0x40 ss:$0x1], $0xffff  }
0x31: {  	[tilespmem:v1+s31+$0x0 ss:$0x1] =	vst.idx.msk $0xffff, v13;
	v13 =	vld.idx.msk [tilespmem:v0+s17+$0x50 ss:$0x1], $0xffff  }
0x32: {  	[tilespmem:v2+s31+$0x0 ss:$0x1] =	vst.idx.msk $0xffff, v14;
	v14 =	vld.idx.msk [tilespmem:v0+s17+$0x60 ss:$0x1], $0xffff  }
0x33: {  	v54 =	vld.idx.msk [tilespmem:v0+s17+$0x100 ss:$0x1], $0xffff;
	[tilespmem:v3+s31+$0x0 ss:$0x1] =	vst.idx.msk $0xffff, v15  }
0x34: {  	v55 =	vld.idx.msk [tilespmem:v0+s17+$0x110 ss:$0x1], $0xffff;
	[tilespmem:v4+s31+$0x0 ss:$0x1] =	vst.idx.msk $0xffff, v16  }
0x35: {  	v15 =	vld.idx.msk [tilespmem:v0+s17+$0x70 ss:$0x1], $0xffff;
	[tilespmem:v5+s31+$0x0 ss:$0x1] =	vst.idx.msk $0xffff, v17  }
0x36: {  	[tilespmem:v6+s31+$0x0 ss:$0x1] =	vst.idx.msk $0xffff, v13;
	v13 =	vld.idx.msk [tilespmem:v0+s17+$0x120 ss:$0x1], $0xffff  }
0x37: {  	[tilespmem:v7+s31+$0x0 ss:$0x1] =	vst.idx.msk $0xffff, v14;
	v14 =	vld.idx.msk [tilespmem:v0+s17+$0x130 ss:$0x1], $0xffff  }
0x38: {  	v56 =	vld.idx.msk [tilespmem:v0+s17+$0x150 ss:$0x1], $0xffff;
	[tilespmem:v9+s31+$0x0 ss:$0x1] =	vst.idx.msk $0xffff, v54  }
0x39: {  	v57 =	vld.idx.msk [tilespmem:v0+s17+$0x160 ss:$0x1], $0xffff;
	[tilespmem:v10+s31+$0x410 ss:$0x1] =	vst.idx.msk $0xffff, v55  }
0x3a: {  	[tilespmem:v8+s31+$0x0 ss:$0x1] =	vst.idx.msk $0xffff, v15;
	v15 =	vld.idx.msk [tilespmem:v0+s17+$0x140 ss:$0x1], $0xffff  }
0x3b: {  	[tilespmem:v10+s31+$0x420 ss:$0x1] =	vst.idx.msk $0xffff, v13;
	v13 =	vld.idx.msk [tilespmem:v0+s17+$0x170 ss:$0x1], $0xffff  }
0x3c: {  	[tilespmem:v10+s31+$0x430 ss:$0x1] =	vst.idx.msk $0xffff, v14;
	v14 =	vld.idx.msk [tilespmem:v0+s17+$0x200 ss:$0x1], $0xffff  }
0x3d: {  	v58 =	vld.idx.msk [tilespmem:v0+s17+$0x220 ss:$0x1], $0xffff;
	[tilespmem:v10+s31+$0x450 ss:$0x1] =	vst.idx.msk $0xffff, v56  }
0x3e: {  	v59 =	vld.idx.msk [tilespmem:v0+s17+$0x230 ss:$0x1], $0xffff;
	[tilespmem:v10+s31+$0x460 ss:$0x1] =	vst.idx.msk $0xffff, v57  }
0x3f: {  	[tilespmem:v10+s31+$0x440 ss:$0x1] =	vst.idx.msk $0xffff, v15;
	v15 =	vld.idx.msk [tilespmem:v0+s17+$0x210 ss:$0x1], $0xffff  }
0x40: {  	[tilespmem:v10+s31+$0x470 ss:$0x1] =	vst.idx.msk $0xffff, v13;
	v13 =	vld.idx.msk [tilespmem:v0+s17+$0x240 ss:$0x1], $0xffff  }
0x41: {  	[tilespmem:v11+s31+$0x0 ss:$0x1] =	vst.idx.msk $0xffff, v14;
	v14 =	vld.idx.msk [tilespmem:v0+s17+$0x250 ss:$0x1], $0xffff  }
0x42: {  	v60 =	vld.idx.msk [tilespmem:v0+s17+$0x270 ss:$0x1], $0xffff;
	[tilespmem:v10+s31+$0x820 ss:$0x1] =	vst.idx.msk $0xffff, v58  }
0x43: {  	v61 =	vld.idx.msk [tilespmem:v0+s17+$0x300 ss:$0x1], $0xffff;
	[tilespmem:v10+s31+$0x830 ss:$0x1] =	vst.idx.msk $0xffff, v59  }
0x44: {  	[tilespmem:v10+s31+$0x810 ss:$0x1] =	vst.idx.msk $0xffff, v15;
	v15 =	vld.idx.msk [tilespmem:v0+s17+$0x260 ss:$0x1], $0xffff  }
0x45: {  	[tilespmem:v10+s31+$0x840 ss:$0x1] =	vst.idx.msk $0xffff, v13;
	v13 =	vld.idx.msk [tilespmem:v0+s17+$0x310 ss:$0x1], $0xffff  }
0x46: {  	[tilespmem:v10+s31+$0x850 ss:$0x1] =	vst.idx.msk $0xffff, v14;
	v14 =	vld.idx.msk [tilespmem:v0+s17+$0x320 ss:$0x1], $0xffff  }
0x47: {  	v62 =	vld.idx.msk [tilespmem:v0+s17+$0x340 ss:$0x1], $0xffff;
	[tilespmem:v10+s31+$0x870 ss:$0x1] =	vst.idx.msk $0xffff, v60  }
0x48: {  	v63 =	vld.idx.msk [tilespmem:v0+s17+$0x350 ss:$0x1], $0xffff;
	[tilespmem:v12+s31+$0x0 ss:$0x1] =	vst.idx.msk $0xffff, v61  }
0x49: {  	[tilespmem:v10+s31+$0x860 ss:$0x1] =	vst.idx.msk $0xffff, v15;
	v15 =	vld.idx.msk [tilespmem:v0+s17+$0x330 ss:$0x1], $0xffff  }
0x4a: {  	[tilespmem:v10+s31+$0xC10 ss:$0x1] =	vst.idx.msk $0xffff, v13;
	v13 =	vld.idx.msk [tilespmem:v0+s17+$0x360 ss:$0x1], $0xffff  }
0x4b: {  	p1 =	por p0, p0;
	[tilespmem:v10+s31+$0xC20 ss:$0x1] =	vst.idx.msk $0xffff, v14;
	v14 =	vld.idx.msk [tilespmem:v0+s17+$0x370 ss:$0x1], $0xffff  }
.Ltmp3:
0x4c: {  	[tilespmem:v10+s31+$0xC40 ss:$0x1] =	vst.idx.msk $0xffff, v62;
	(pc) =	sbr.rel @p1 .LBB1_4-.Ltmp3, $4  }
0x4d: {  	[tilespmem:v10+s31+$0xC50 ss:$0x1] =	vst.idx.msk $0xffff, v63  }
0x4e: {  	[tilespmem:v10+s31+$0xC30 ss:$0x1] =	vst.idx.msk $0xffff, v15  }
0x4f: {  	[tilespmem:v10+s31+$0xC60 ss:$0x1] =	vst.idx.msk $0xffff, v13  }
0x50: {  	s16 =	simm.s32 $0x1;
	p0 =	por $0x0, $0x0;
	[tilespmem:v10+s31+$0xC70 ss:$0x1] =	vst.idx.msk $0xffff, v14  }
0x51: {  	s15 =	sadd.s32 $0x1, s15  }
0x52: {  	p0 =	sne.s32 s15, $0x10  }
.Ltmp4:
0x53: {  	_ = 	snop;
	(pc) =	sbr.rel @p0 .LBB1_3-.Ltmp4, $1  }
0x54: {  	_ =	sdelay $0x3  }
0x55: {  	s14 =	sshll.u32 s12, $0x9;
	s15 =	sshll.u32 s12, $0x7  }
0x56: {  	s14 =	sand.u32 $0xFFFFF000, s14;
	s15 =	sand.u32 $0x200, s15  }
0x57: {  	s14 =	sor.u32 s15, s14  }
0x58: {  	s14 =	sshrl.u32 s14, $0x9  }
0x59: {  	s30 =	smulhi.u32 $0x1A36E3, s14;
	_ =	sdelay $0x1  }
0x5a: {  	s15 =	sshrl.u32 s30, $0x2  }
0x5b: {  	s15 =	smul.u32 $0x2710, s15  }
.Ltmp5:
0x5c: {  	s31 =	sshll.u32 s12, $0x4;
	(pc) =	sbr.rel .LBB1_7-.Ltmp5, $4  }
0x5d: {  	s12 =	sand.u32 $0x30, s31;
	s14 =	ssub.s32 s14, s15  }
0x5e: {  	s12 =	sadd.s32 s4, s12;
	s14 =	sshll.u32 s14, $0x6  }
0x5f: {  	s12 =	sadd.s32 s14, s12  }
0x60: {  	[hbm4b:s12+s8] =	stream.strided.scatter [tilespmem:s13], [sflag:$0x2], $0x4000, s9, s8, $0x38;
	[tilespmem:$0x10000] =	vst v63  }
.LBB1_8:
0x61: {  	_ =	sfence.sel $0x180000  }
0x62: {  	s2 =	simm.s32 $0x1;
	[bflag:$0x0] =	sbarrier.arrive $0xFFFF  }
0x63: {  	s31 =	simm.s32 $0x2;
	[sflag:s2] =	ssyncpa.u1 $0x1  }
0x64: {  	[sflag:s31] =	ssyncpa.u1 $0x1  }
0x65: {  	p0 =	sne.s32 s0, $0x0;
	_ =	strace $0x90000053  }
0x66: {  	s0 =	sadd.s32 @!p0 $0x100000, s1;
	[bflag:$0x2] =	sbarrier.arrive $0xFFFF  }
0x67: {  	[sflag:s0] =	ssyncadd.tile.s32 @!p0 $0x1;
	_ =	shalt  }
.Lfunc_end1:
_tile_overlayer_lowered:
.L_overlay_start_2:
0x68: {  	(tag) =	ssettag $0x2  }
0x69: {  	s0 =	rddreg [dreg:$0x0];
	s2 =	stileid.u32  }
0x6a: {  	s1 =	rddreg [dreg:$0x1];
	p0 =	sne.s32 s2, $0x0  }
0x6b: {  	s3 =	rddreg [dreg:$0x2];
	[bflag:$0x3] =	sbarrier.arrive $0xFFFF;
	s2 =	simm.s32 @!p0 $0x1C01  }
0x6c: {  	[timem:s3], [sflag:s2] =	dma.local @!p0 [hbm:s0], s1  }
0x6d: {  	s0 =	simm.s32 @!p0 $0x1  }
0x6e: {  	_ =	swait.ge @!p0 [sflag:s0], s1  }
0x6f: {  	s1 =	ssub.s32 @!p0 $0x0, s1;
	[sflag:s0] =	ssyncset.done @!p0 $0x0  }
0x70: {  	[sflag:s0] =	ssyncadd.s32 @!p0 s1  }
0x71: {  	[bflag:$0x3] =	sbarrier.arrive $0xFFFF  }
0x72: {  	_ =	shalt  }

</sc_bundles>
